<compile_context>
chip_gen: v7x
topology: tpu7x:2x2x1
jax: 0.10.2.dev20260603
libtpu: 0.0.44.dev20260713+nightly
codegen_flags: <defaults>
</compile_context>

<pallas_src>
import jax
import jax.numpy as jnp
from jax import lax
from jax.experimental import pallas as pl
from jax.experimental.pallas import tpu as pltpu
from jax.experimental.pallas import tpu_sc as plsc

N = 10000
E = 320000
D = 128
DE = 64

NC = 2
NS = 16
ET = E // (NC * NS)
NVEC = ET // 16
FLAGN = 10016
NEED = 384
AGGR_ROWS = 10240
DUMP = N
LCAP = 5120
PHALF = LCAP * NS
CAP = 2 * PHALF
TCB = 2048


def _compact_kernel(dst_h, src_h, needid_h, x_h, zflag_h,
                    dstids_h, xsrc_h, e2c_h, xneed_h, ktot_h,
                    flag_v, dst_v, src_v,
                    loc_eidE, loc_eidO, loc_src, loc_dst, loc_e2,
                    needid_v, cntv, xrows_v, cnt_smem, sem):
    c = lax.axis_index("c")
    s = lax.axis_index("s")
    base = (c * NS + s) * ET

    @pl.when(s == 0)
    def _():
        cnt_smem[0] = 0
        cnt_smem[1] = 0
    plsc.subcore_barrier()

    pltpu.sync_copy(zflag_h, flag_v)
    pltpu.sync_copy(needid_h, needid_v)
    pltpu.sync_copy(dst_h.at[pl.ds(pl.multiple_of(base, 16), ET)], dst_v)
    pltpu.sync_copy(src_h.at[pl.ds(pl.multiple_of(base, 16), ET)], src_v)

    one16 = jnp.ones((16,), jnp.int32)
    dump16 = jnp.full((16,), DUMP, jnp.int32)
    base16 = jnp.full((16,), base, jnp.int32)
    iota16 = lax.iota(jnp.int32, 16)
    lane_even = (iota16 & 1) == 0

    def flag_body(i, _):
        ids = needid_v[pl.ds(i * 16, 16)]
        plsc.store_scatter(flag_v, [ids], one16)
        return 0
    lax.fori_loop(0, NEED // 16, flag_body, 0)

    def scan_body(i, carry):
        wpe, wpo = carry
        d = dst_v[pl.ds(i * 16, 16)]
        f = plsc.load_gather(flag_v, [d])
        m = f > 0
        me = m & lane_even
        mo = m & (~lane_even)
        mie = me.astype(jnp.int32)
        mio = mo.astype(jnp.int32)
        pose = wpe + plsc.cumsum(mie) - 1
        poso = wpo + plsc.cumsum(mio) - 1
        eid = base16 + (i * 16) + iota16
        plsc.store_scatter(loc_eidE, [pose], eid, mask=me)
        plsc.store_scatter(loc_eidO, [poso], eid, mask=mo)
        return wpe + jnp.sum(mie), wpo + jnp.sum(mio)

    kte, kto = lax.fori_loop(0, NVEC, scan_body,
                             (jnp.int32(0), jnp.int32(0)))
    rows_e = ((kte + 127) // 128) * 128
    rows_o = ((kto + 127) // 128) * 128
    offE = plsc.fetch_and_add(cnt_smem.at[0], rows_e, subcore_id=0)
    offO = plsc.fetch_and_add(cnt_smem.at[1], rows_o, subcore_id=0)
    plsc.subcore_barrier()

    @pl.when(s == 0)
    def _():
        tot_e = cnt_smem[0]
        tot_o = cnt_smem[1]
        cntv[...] = jnp.where(iota16 == 0, tot_e,
                              jnp.where(iota16 == 1, tot_o, 0))
        pltpu.sync_copy(cntv, ktot_h.at[pl.ds(pl.multiple_of(c * 16, 16), 16)])

    def emit(loc_eid, k, nrows, goff):
        def pad_eid(j, _):
            pos = k + j * 16 + iota16
            plsc.store_scatter(loc_eid, [pos], base16, mask=pos < nrows)
            return 0
        lax.fori_loop(0, 8, pad_eid, 0)

        def gpass(j, _):
            ev = loc_eid[pl.ds(j * 16, 16)]
            lv = ev - base16
            loc_src[pl.ds(j * 16, 16)] = plsc.load_gather(src_v, [lv])
            loc_dst[pl.ds(j * 16, 16)] = plsc.load_gather(dst_v, [lv])
            loc_e2[pl.ds(j * 16, 16)] = ev >> 1
            return 0
        lax.fori_loop(0, nrows // 16, gpass, 0)

        def pad_dst(j, _):
            pos = k + j * 16 + iota16
            plsc.store_scatter(loc_dst, [pos], dump16, mask=pos < nrows)
            return 0
        lax.fori_loop(0, 8, pad_dst, 0)

        def chunk_body(j, _):
            r = pl.multiple_of(goff + j * 128, 128)
            gr = pl.multiple_of(c * CAP + r, 128)
            pltpu.sync_copy(loc_dst.at[pl.ds(j * 128, 128)],
                            dstids_h.at[pl.ds(gr, 128)])
            pltpu.sync_copy(loc_e2.at[pl.ds(j * 128, 128)],
                            e2c_h.at[pl.ds(gr, 128)])
            pltpu.async_copy(x_h.at[loc_src.at[pl.ds(j * 128, 128)]],
                             xrows_v, sem).wait()
            pltpu.sync_copy(xrows_v, xsrc_h.at[c, pl.ds(r, 128)])
            return 0
        lax.fori_loop(0, nrows // 128, chunk_body, 0)

    emit(loc_eidE, kte, rows_e, offE)
    emit(loc_eidO, kto, rows_o, offO + PHALF)

    @pl.when((c == 0) & (s == 0))
    def _():
        def need_body(j, _):
            pltpu.async_copy(x_h.at[needid_v.at[pl.ds(j * 128, 128)]],
                             xrows_v, sem).wait()
            pltpu.sync_copy(xrows_v, xneed_h.at[pl.ds(j * 128, 128)])
            return 0
        lax.fori_loop(0, NEED // 128, need_body, 0)


def _gattr_kernel(eattr2_h, e2c_h, ktot_h, attrc_h,
                  idxb, arows_v, kv, sem):
    c = lax.axis_index("c")
    s = lax.axis_index("s")
    pltpu.sync_copy(ktot_h.at[pl.ds(pl.multiple_of(c * 16, 16), 16)], kv)
    kvv = kv[pl.ds(0, 16)]
    kte = kvv[0]
    kto = kvv[1]
    nblk_e = (kte + 127) // 128
    nblk = nblk_e + (kto + 127) // 128
    myblk = (nblk - s + (NS - 1)) // NS

    def gb(t, _):
        b = s + NS * t
        r = pl.multiple_of(
            jnp.where(b < nblk_e, b * 128, PHALF + (b - nblk_e) * 128), 128)
        pltpu.sync_copy(
            e2c_h.at[pl.ds(pl.multiple_of(c * CAP + r, 128), 128)], idxb)
        pltpu.async_copy(eattr2_h.at[idxb], arows_v, sem).wait()
        pltpu.sync_copy(arows_v, attrc_h.at[c, pl.ds(r, 128)])
        return 0
    lax.fori_loop(0, myblk, gb, 0)


def _edge_mlp_kernel(ktot_s, wu_v, be_v, xsrc_h, attrc_h, msg_h,
                     xbuf, abuf, mbuf, sem1, sem2, sem3):
    for c in range(NC):
        for par in range(2):
            nblk = (ktot_s[c * 16 + par] + (TCB - 1)) // TCB
            goff = par * PHALF

            def blk(j, _):
                r = goff + j * TCB
                cp1 = pltpu.make_async_copy(xsrc_h.at[c, pl.ds(r, TCB)],
                                            xbuf, sem1)
                cp2 = pltpu.make_async_copy(attrc_h.at[c, pl.ds(r, TCB)],
                                            abuf, sem2)
                cp1.start()
                cp2.start()
                cp1.wait()
                cp2.wait()
                ea = jnp.dot(abuf[...], wu_v[par],
                             preferred_element_type=jnp.float32) + be_v[...]
                mbuf[...] = jnp.maximum(xbuf[...] + ea, 0.0)
                cp3 = pltpu.make_async_copy(mbuf, msg_h.at[c, pl.ds(r, TCB)],
                                            sem3)
                cp3.start()
                cp3.wait()
                return 0
            lax.fori_loop(0, nblk, blk, 0)


def _scatter_kernel(msg_h, dstids_h, ktot_h, needid_h, aggrneed_h,
                    aggr_sh, idxb, mbuf, kv, needid_v, sem):
    c = lax.axis_index("c")
    s = lax.axis_index("s")

    zrow = jnp.zeros((16,), jnp.float32)

    def zb(i, _):
        mbuf[i // 8, pl.ds((i % 8) * 16, 16)] = zrow
        return 0
    lax.fori_loop(0, 128 * 8, zb, 0)

    rows_per_tile = AGGR_ROWS // NS

    def zs(j, _):
        pltpu.sync_copy(mbuf,
                        aggr_sh.at[pl.ds(s * rows_per_tile + j * 128, 128)])
        return 0
    lax.fori_loop(0, rows_per_tile // 128, zs, 0)
    plsc.subcore_barrier()

    pltpu.sync_copy(ktot_h.at[pl.ds(pl.multiple_of(c * 16, 16), 16)], kv)
    kvv = kv[pl.ds(0, 16)]
    kte = kvv[0]
    kto = kvv[1]
    nblk_e = (kte + 127) // 128
    nblk = nblk_e + (kto + 127) // 128
    myblk = (nblk - s + (NS - 1)) // NS

    def sb(t, _):
        b = s + NS * t
        r = pl.multiple_of(
            jnp.where(b < nblk_e, b * 128, PHALF + (b - nblk_e) * 128), 128)
        pltpu.sync_copy(
            dstids_h.at[pl.ds(pl.multiple_of(c * CAP + r, 128), 128)], idxb)
        pltpu.sync_copy(msg_h.at[c, pl.ds(r, 128)], mbuf)
        pltpu.sync_copy(mbuf, aggr_sh.at[idxb], add=True)
        return 0
    lax.fori_loop(0, myblk, sb, 0)
    plsc.subcore_barrier()

    @pl.when(s < NEED // 128)
    def _():
        pltpu.sync_copy(needid_h, needid_v)
        pltpu.async_copy(aggr_sh.at[needid_v.at[pl.ds(s * 128, 128)]],
                         mbuf, sem).wait()
        pltpu.sync_copy(mbuf, aggrneed_h.at[c, pl.ds(s * 128, 128)])


def _readout_kernel(xneed_ref, aggr_ref, w1t_ref, b1_ref, w2t_ref, b2_ref,
                    thr_ref, out_ref):
    h = xneed_ref[...] + aggr_ref[0] + aggr_ref[1]
    pre = jnp.maximum(jnp.dot(h, w1t_ref[...],
                              preferred_element_type=jnp.float32)
                      + b1_ref[...], 0.0)
    emb = jnp.dot(pre, w2t_ref[...],
                  preferred_element_type=jnp.float32) + b2_ref[...]
    nrm = jnp.sqrt(jnp.sum(emb * emb, axis=1, keepdims=True))
    embn = emb / jnp.maximum(nrm, 1e-12)
    center = embn[0:1, :]
    sc = jnp.sum(embn * center, axis=1, keepdims=True)
    r = lax.broadcasted_iota(jnp.int32, (NEED, 1), 0)
    posm = (r >= 8) & (r < 136)
    negm = (r >= 136) & (r < 264)
    pos_mean = jnp.sum(jnp.where(posm, sc, 0.0)) / 128.0
    neg_mean = jnp.sum(jnp.where(negm, sc, 0.0)) / 128.0
    thr = thr_ref[...]
    tn = thr / jnp.maximum(jnp.sqrt(jnp.sum(thr * thr)), 1e-12)
    thr_score = jnp.sum(center * tn)
    pos_loss = jnp.log(jnp.maximum(jax.nn.sigmoid(pos_mean - thr_score),
                                   1e-12))
    neg_loss = jnp.log(jnp.maximum(jax.nn.sigmoid(thr_score - neg_mean),
                                   1e-12))
    out_ref[...] = jnp.full((8, 128), -(pos_loss + neg_loss), jnp.float32)


_sc_mesh = plsc.VectorSubcoreMesh(core_axis_name="c", subcore_axis_name="s",
                                  num_cores=NC, num_subcores=NS)

_compact = pl.kernel(
    _compact_kernel,
    out_type=(
        jax.ShapeDtypeStruct((NC * CAP,), jnp.int32),
        jax.ShapeDtypeStruct((NC, CAP, D), jnp.float32),
        jax.ShapeDtypeStruct((NC * CAP,), jnp.int32),
        jax.ShapeDtypeStruct((NEED, D), jnp.float32),
        jax.ShapeDtypeStruct((NC * 16,), jnp.int32),
    ),
    mesh=_sc_mesh,
    compiler_params=pltpu.CompilerParams(needs_layout_passes=False),
    scratch_types=(
        pltpu.VMEM((FLAGN,), jnp.int32),
        pltpu.VMEM((ET,), jnp.int32),
        pltpu.VMEM((ET,), jnp.int32),
        pltpu.VMEM((LCAP,), jnp.int32),
        pltpu.VMEM((LCAP,), jnp.int32),
        pltpu.VMEM((LCAP,), jnp.int32),
        pltpu.VMEM((LCAP,), jnp.int32),
        pltpu.VMEM((LCAP,), jnp.int32),
        pltpu.VMEM((NEED,), jnp.int32),
        pltpu.VMEM((16,), jnp.int32),
        pltpu.VMEM((128, D), jnp.float32),
        pltpu.SMEM((2,), jnp.int32),
        pltpu.SemaphoreType.DMA,
    ),
)

_gattr = pl.kernel(
    _gattr_kernel,
    out_type=jax.ShapeDtypeStruct((NC, CAP, D), jnp.float32),
    mesh=_sc_mesh,
    compiler_params=pltpu.CompilerParams(needs_layout_passes=False),
    scratch_types=(
        pltpu.VMEM((128,), jnp.int32),
        pltpu.VMEM((128, D), jnp.float32),
        pltpu.VMEM((16,), jnp.int32),
        pltpu.SemaphoreType.DMA,
    ),
)

_scatter = pl.kernel(
    _scatter_kernel,
    out_type=jax.ShapeDtypeStruct((NC, NEED, D), jnp.float32),
    mesh=_sc_mesh,
    compiler_params=pltpu.CompilerParams(needs_layout_passes=False),
    scratch_types=(
        pltpu.VMEM_SHARED((AGGR_ROWS, D), jnp.float32),
        pltpu.VMEM((128,), jnp.int32),
        pltpu.VMEM((128, D), jnp.float32),
        pltpu.VMEM((16,), jnp.int32),
        pltpu.VMEM((NEED,), jnp.int32),
        pltpu.SemaphoreType.DMA,
    ),
)

_edge_mlp = pl.pallas_call(
    _edge_mlp_kernel,
    out_shape=jax.ShapeDtypeStruct((NC, CAP, D), jnp.float32),
    in_specs=[
        pl.BlockSpec(memory_space=pltpu.SMEM),
        pl.BlockSpec(memory_space=pltpu.VMEM),
        pl.BlockSpec(memory_space=pltpu.VMEM),
        pl.BlockSpec(memory_space=pltpu.HBM),
        pl.BlockSpec(memory_space=pltpu.HBM),
    ],
    out_specs=pl.BlockSpec(memory_space=pltpu.HBM),
    scratch_shapes=[
        pltpu.VMEM((TCB, D), jnp.float32),
        pltpu.VMEM((TCB, D), jnp.float32),
        pltpu.VMEM((TCB, D), jnp.float32),
        pltpu.SemaphoreType.DMA,
        pltpu.SemaphoreType.DMA,
        pltpu.SemaphoreType.DMA,
    ],
)

_readout = pl.pallas_call(
    _readout_kernel,
    out_shape=jax.ShapeDtypeStruct((8, 128), jnp.float32),
)


def kernel(x, edge_index, edge_attr, pos_ind, neg_ind, W_e, b_e, W1, b1, W2,
           b2, thr):
    src = edge_index[0].astype(jnp.int32)
    dst = edge_index[1].astype(jnp.int32)
    needid = jnp.concatenate([
        jnp.zeros((8,), jnp.int32),
        pos_ind.astype(jnp.int32),
        neg_ind.astype(jnp.int32),
        jnp.zeros((NEED - 264,), jnp.int32),
    ])
    eattr2 = edge_attr.reshape(E // 2, 2 * DE)
    zflag = jnp.zeros((FLAGN,), jnp.int32)
    dstids, xsrc, e2c, xneed, ktot = _compact(dst, src, needid, x, zflag)
    attrc = _gattr(eattr2, e2c, ktot)
    wet = W_e.T
    zpad = jnp.zeros((DE, D), jnp.float32)
    wu = jnp.stack([jnp.concatenate([wet, zpad], axis=0),
                    jnp.concatenate([zpad, wet], axis=0)])
    msg = _edge_mlp(ktot, wu, b_e.reshape(1, D), xsrc, attrc)
    aggrneed = _scatter(msg, dstids, ktot, needid)
    out = _readout(xneed, aggrneed, W1.T, b1.reshape(1, D), W2.T,
                   b2.reshape(1, D), thr)
    return out[0, 0]

# --- scband reference (transcript-rebuilt; emitter-appended) ---
"""Pipeline reference for scband-model-86878598463719 (READ-ONLY COPY).

The authoritative reference and input builder live on the scoring server;
editing this copy changes nothing except your own understanding.
"""

import jax, jax.numpy as jnp
import numpy as np

N = 10000
E = 320000
D = 128
DE = 64

def _normalize(v):
    return v / jnp.maximum(jnp.linalg.norm(v, axis=-1, keepdims=True), 1e-12)

def setup_inputs(seed: int = 0) -> dict:
    key = jax.random.key(seed)
    ks = jax.random.split(key, 12)
    x = jax.random.normal(ks[0], (N, D), dtype=jnp.float32)
    edge_index = jax.random.randint(ks[1], (2, E), 0, N, dtype=jnp.int32).astype(jnp.int64)
    edge_attr = jax.random.normal(ks[2], (E, DE), dtype=jnp.float32)
    pos_ind = jax.random.randint(ks[3], (128,), 0, N, dtype=jnp.int32).astype(jnp.int64)
    neg_ind = jax.random.randint(ks[4], (128,), 0, N, dtype=jnp.int32).astype(jnp.int64)
    W_e = jax.random.normal(ks[5], (D, DE), dtype=jnp.float32) * 0.05
    b_e = jnp.zeros((D,), dtype=jnp.float32)
    W1 = jax.random.normal(ks[6], (D, D), dtype=jnp.float32) * 0.05
    b1 = jnp.zeros((D,), dtype=jnp.float32)
    W2 = jax.random.normal(ks[7], (D, D), dtype=jnp.float32) * 0.05
    b2 = jnp.zeros((D,), dtype=jnp.float32)
    thr = jax.random.normal(ks[8], (1, D), dtype=jnp.float32) * 0.05
    return {"x": x, "edge_index": edge_index, "edge_attr": edge_attr,
            "pos_ind": pos_ind, "neg_ind": neg_ind,
            "W_e": W_e, "b_e": b_e, "W1": W1, "b1": b1, "W2": W2, "b2": b2, "thr": thr}

def reference(x, edge_index, edge_attr, pos_ind, neg_ind, W_e, b_e, W1, b1, W2, b2, thr):
    t = 1.0
    eps = 0.0
    src = edge_index[0]
    dst = edge_index[1]
    # GINEConv: edge_attr projected to node dim (edge_dim=64 -> in_channels=128)
    ea = edge_attr @ W_e.T + b_e
    msg = jax.nn.relu(x[src] + ea)
    aggr = jax.ops.segment_sum(msg, dst, num_segments=x.shape[0])
    h = (1.0 + eps) * x + aggr
    # nn: Linear -> ReLU -> Linear
    h = jax.nn.relu(h @ W1.T + b1)
    emb = h @ W2.T + b2
    center = _normalize(emb[0])
    pos = _normalize(emb[pos_ind])
    neg = _normalize(emb[neg_ind])
    thr_n = _normalize(thr)
    pos_score = (center[None, :] * pos).sum(-1)
    neg_score = (center[None, :] * neg).sum(-1)
    thr_score = (center * thr_n).sum(-1)
    pos_mean = pos_score.mean(-1)
    neg_mean = neg_score.mean(-1)
    pos_loss = jax.nn.sigmoid((pos_mean - thr_score) / t)
    neg_loss = jax.nn.sigmoid((thr_score - neg_mean) / t)
    pos_loss = jnp.log(jnp.maximum(pos_loss, 1e-12)).mean()
    neg_loss = jnp.log(jnp.maximum(neg_loss, 1e-12)).mean()
    loss = 0.0
    loss = loss - pos_loss
    loss = loss - neg_loss
    return loss

if __name__ == "__main__":
    import jax
    _d = setup_inputs()
    print(jax.jit(kernel)(*tuple(_d.values())))

</pallas_src>

<mosaic_0001>
#map = affine_map<(d0, d1) -> (0, 0, 0)>
#map1 = affine_map<(d0, d1) -> (0)>
module attributes {stable_mosaic.version = 14 : i64} {
  func.func @_scatter_kernel(%arg0: i32, %arg1: i32, %arg2: memref<2x163840x128xf32, #tpu.memory_space<hbm>>, %arg3: memref<327680xi32, #tpu.memory_space<hbm>>, %arg4: memref<32xi32, #tpu.memory_space<hbm>>, %arg5: memref<384xi32, #tpu.memory_space<hbm>>, %arg6: memref<2x384x128xf32, #tpu.memory_space<hbm>>, %arg7: memref<10240x128xf32, #tpu.memory_space<vmem_shared>>, %arg8: memref<128xi32, #tpu.memory_space<vmem>>, %arg9: memref<128x128xf32, #tpu.memory_space<vmem>>, %arg10: memref<16xi32, #tpu.memory_space<vmem>>, %arg11: memref<384xi32, #tpu.memory_space<vmem>>, %arg12: memref<!tpu.dma_semaphore, #tpu.memory_space<semaphore_mem>>) attributes {dimension_semantics = [#tpu.dimension_semantics<core_parallel>, #tpu.dimension_semantics<subcore_parallel>], iteration_bounds = array<i64: 2, 16>, scalar_prefetch = 0 : i64, scratch_operands = 6 : i64, tpu.core_type = #tpu.core_type<sc_vector_subcore>, window_params = [{transform_indices = #map}, {transform_indices = #map1}, {transform_indices = #map1}, {transform_indices = #map1}, {transform_indices = #map}]} {
    %broadcast_in_dim3A = arith.constant 0.000000e+00 : f32
    %broadcast_in_dim3A_0 = vector.broadcast %broadcast_in_dim3A : f32 to vector<16xf32>
    %scan3A = arith.constant 0 : i32
    %scan3A_1 = arith.constant 0 : i32
    %scan3A_2 = arith.constant 1024 : i32
    %scan3A_3 = arith.addi %scan3A_1, %scan3A_2 : i32
    %scan3A_4 = arith.constant 1 : i32
    %scan3A_5 = scf.for %scan3A_103 = %scan3A_1 to %scan3A_3 step %scan3A_4 iter_args(%scan3A_104 = %scan3A) -> (i32)  : i32 {
      %jit3A_105 = arith.constant 8 : i32
      %div3A_106 = arith.divsi %scan3A_103, %jit3A_105 : i32
      %sign3A_107 = arith.constant 0 : i32
      %sign3A_108 = arith.cmpi sgt, %scan3A_103, %sign3A_107 : i32
      %sign3A_109 = arith.extui %sign3A_108 : i1 to i32
      %sign3A_110 = arith.constant 0 : i32
      %sign3A_111 = arith.cmpi slt, %scan3A_103, %sign3A_110 : i32
      %sign3A_112 = arith.extui %sign3A_111 : i1 to i32
      %sign3A_113 = arith.subi %sign3A_109, %sign3A_112 : i32
      %sign3A_114 = arith.constant 0 : i32
      %sign3A_115 = arith.cmpi sgt, %jit3A_105, %sign3A_114 : i32
      %sign3A_116 = arith.extui %sign3A_115 : i1 to i32
      %sign3A_117 = arith.constant 0 : i32
      %sign3A_118 = arith.cmpi slt, %jit3A_105, %sign3A_117 : i32
      %sign3A_119 = arith.extui %sign3A_118 : i1 to i32
      %sign3A_120 = arith.subi %sign3A_116, %sign3A_119 : i32
      %ne3A_121 = arith.cmpi ne, %sign3A_113, %sign3A_120 : i32
      %rem3A_122 = arith.remsi %scan3A_103, %jit3A_105 : i32
      %ne3A_123 = arith.constant 0 : i32
      %ne3A_124 = arith.cmpi ne, %rem3A_122, %ne3A_123 : i32
      %and3A_125 = arith.andi %ne3A_121, %ne3A_124 : i1
      %sub3A_126 = arith.constant 1 : i32
      %sub3A_127 = arith.subi %div3A_106, %sub3A_126 : i32
      %select_n3A_128 = arith.select %and3A_125, %sub3A_127, %div3A_106 : i32
      %jit3A_129 = arith.constant 8 : i32
      %eq3A = arith.constant 0 : i32
      %eq3A_130 = arith.cmpi eq, %jit3A_129, %eq3A : i32
      %jit3A_131 = arith.constant 1 : i32
      %select_n3A_132 = arith.select %eq3A_130, %jit3A_131, %jit3A_129 : i32
      %rem3A_133 = arith.remsi %scan3A_103, %select_n3A_132 : i32
      %ne3A_134 = arith.constant 0 : i32
      %ne3A_135 = arith.cmpi ne, %rem3A_133, %ne3A_134 : i32
      %lt3A_136 = arith.constant 0 : i32
      %lt3A_137 = arith.cmpi slt, %rem3A_133, %lt3A_136 : i32
      %lt3A_138 = arith.constant 0 : i32
      %lt3A_139 = arith.cmpi slt, %select_n3A_132, %lt3A_138 : i32
      %ne3A_140 = arith.xori %lt3A_137, %lt3A_139 : i1
      %and3A_141 = arith.andi %ne3A_140, %ne3A_135 : i1
      %add3A_142 = arith.addi %rem3A_133, %select_n3A_132 : i32
      %select_n3A_143 = arith.select %and3A_141, %add3A_142, %rem3A_133 : i32
      %mul3A_144 = arith.constant 16 : i32
      %mul3A_145 = arith.muli %select_n3A_143, %mul3A_144 : i32
      %swap3A = arith.index_cast %select_n3A_128 : i32 to index
      %swap3A_146 = arith.index_cast %mul3A_145 : i32 to index
      %swap3A_147 = tpu.vector_load %arg9[%swap3A, %swap3A_146] {strides = array<i32>} : memref<128x128xf32, #tpu.memory_space<vmem>>, vector<16xf32>,
      tpu.vector_store %arg9[%swap3A, %swap3A_146], %broadcast_in_dim3A_0 {strides = array<i32>} : memref<128x128xf32, #tpu.memory_space<vmem>>, vector<16xf32>,
      %scan3A_148 = arith.constant 0 : i32
      scf.yield %scan3A_148 : i32
    }
    %scan3A_6 = arith.constant 1024 : i32
    %scan3A_7 = arith.constant 0 : i32
    %scan3A_8 = arith.constant 0 : i32
    %scan3A_9 = arith.constant 5 : i32
    %scan3A_10 = arith.addi %scan3A_8, %scan3A_9 : i32
    %scan3A_11 = arith.constant 1 : i32
    %scan3A_12 = scf.for %scan3A_103 = %scan3A_8 to %scan3A_10 step %scan3A_11 iter_args(%scan3A_104 = %scan3A_7) -> (i32)  : i32 {
      %mul3A_105 = arith.constant 640 : i32
      %mul3A_106 = arith.muli %arg1, %mul3A_105 : i32
      %mul3A_107 = arith.constant 128 : i32
      %mul3A_108 = arith.muli %scan3A_103, %mul3A_107 : i32
      %add3A_109 = arith.addi %mul3A_106, %mul3A_108 : i32
      "tpu.region"() ({
        %run_scoped3A = tpu.sem_alloc : memref<!tpu.dma_semaphore, #tpu.memory_space<semaphore_mem>>
        %dma_start3A = arith.constant 0 : i32
        %dma_start3A_111 = tpu.memref_slice %arg7[%add3A_109, %dma_start3A] : memref<10240x128xf32, #tpu.memory_space<vmem_shared>> -> memref<128x128xf32, #tpu.memory_space<vmem_shared>>
        %dma_start3A_112 = arith.constant 0 : i32
        %dma_start3A_113 = tpu.memref_slice %arg7[%add3A_109, %dma_start3A_112] : memref<10240x128xf32, #tpu.memory_space<vmem_shared>> -> memref<128x128xf32, #tpu.memory_space<vmem_shared>>
        tpu.enqueue_dma source(%arg9 : memref<128x128xf32, #tpu.memory_space<vmem>>) target(%dma_start3A_113 : memref<128x128xf32, #tpu.memory_space<vmem_shared>>) target_semaphore(%run_scoped3A : memref<!tpu.dma_semaphore, #tpu.memory_space<semaphore_mem>>)
        %dma_wait3A = arith.constant 0 : i32
        %dma_wait3A_114 = tpu.memref_slice %arg7[%add3A_109, %dma_wait3A] : memref<10240x128xf32, #tpu.memory_space<vmem_shared>> -> memref<128x128xf32, #tpu.memory_space<vmem_shared>>
        %dma_wait3A_115 = arith.constant 0 : i32
        %dma_wait3A_116 = tpu.memref_slice %arg7[%add3A_109, %dma_wait3A_115] : memref<10240x128xf32, #tpu.memory_space<vmem_shared>> -> memref<128x128xf32, #tpu.memory_space<vmem_shared>>
        tpu.wait_dma2 semaphore(%run_scoped3A : memref<!tpu.dma_semaphore, #tpu.memory_space<semaphore_mem>>) src(%arg9 : memref<128x128xf32, #tpu.memory_space<vmem>>) dst(%dma_wait3A_116 : memref<128x128xf32, #tpu.memory_space<vmem_shared>>)
        tpu.yield
      }) : () -> ()
      %scan3A_110 = arith.constant 0 : i32
      scf.yield %scan3A_110 : i32
    }
    %scan3A_13 = arith.constant 5 : i32
    %barrier3A = arith.constant 0 : index
    tpu.barrier barrier_id(%barrier3A)
    %mul3A = arith.constant 16 : i32
    %mul3A_14 = arith.muli %arg0, %mul3A : i32
    %multiple_of3A = tpu.assume_multiple %mul3A_14, 16 : i32
    "tpu.region"() ({
      %run_scoped3A = tpu.sem_alloc : memref<!tpu.dma_semaphore, #tpu.memory_space<semaphore_mem>>
      %dma_start3A = tpu.memref_slice %arg4[%multiple_of3A] : memref<32xi32, #tpu.memory_space<hbm>> -> memref<16xi32, #tpu.memory_space<hbm>>
      %dma_start3A_103 = tpu.memref_slice %arg4[%multiple_of3A] : memref<32xi32, #tpu.memory_space<hbm>> -> memref<16xi32, #tpu.memory_space<hbm>>
      tpu.enqueue_dma source(%dma_start3A_103 : memref<16xi32, #tpu.memory_space<hbm>>) target(%arg10 : memref<16xi32, #tpu.memory_space<vmem>>) target_semaphore(%run_scoped3A : memref<!tpu.dma_semaphore, #tpu.memory_space<semaphore_mem>>)
      %dma_wait3A = tpu.memref_slice %arg4[%multiple_of3A] : memref<32xi32, #tpu.memory_space<hbm>> -> memref<16xi32, #tpu.memory_space<hbm>>
      %dma_wait3A_104 = tpu.memref_slice %arg4[%multiple_of3A] : memref<32xi32, #tpu.memory_space<hbm>> -> memref<16xi32, #tpu.memory_space<hbm>>
      tpu.wait_dma2 semaphore(%run_scoped3A : memref<!tpu.dma_semaphore, #tpu.memory_space<semaphore_mem>>) src(%dma_wait3A_104 : memref<16xi32, #tpu.memory_space<hbm>>) dst(%arg10 : memref<16xi32, #tpu.memory_space<vmem>>)
      tpu.yield
    }) : () -> ()
    %get3A = arith.constant 0 : index
    %get3A_15 = tpu.vector_load %arg10[%get3A] {strides = array<i32>} : memref<16xi32, #tpu.memory_space<vmem>>, vector<16xi32>,
    %slice3A = vector.extract_strided_slice %get3A_15 {offsets = [0], sizes = [1], strides = [1]} : vector<16xi32> to vector<1xi32>
    %squeeze3A = vector.extract %slice3A[0] : i32 from vector<1xi32>
    %slice3A_16 = vector.extract_strided_slice %get3A_15 {offsets = [1], sizes = [1], strides = [1]} : vector<16xi32> to vector<1xi32>
    %squeeze3A_17 = vector.extract %slice3A_16[0] : i32 from vector<1xi32>
    %add3A = arith.constant 127 : i32
    %add3A_18 = arith.addi %squeeze3A, %add3A : i32
    %jit3A = arith.constant 128 : i32
    %div3A = arith.divsi %add3A_18, %jit3A : i32
    %sign3A = arith.constant 0 : i32
    %sign3A_19 = arith.cmpi sgt, %add3A_18, %sign3A : i32
    %sign3A_20 = arith.extui %sign3A_19 : i1 to i32
    %sign3A_21 = arith.constant 0 : i32
    %sign3A_22 = arith.cmpi slt, %add3A_18, %sign3A_21 : i32
    %sign3A_23 = arith.extui %sign3A_22 : i1 to i32
    %sign3A_24 = arith.subi %sign3A_20, %sign3A_23 : i32
    %sign3A_25 = arith.constant 0 : i32
    %sign3A_26 = arith.cmpi sgt, %jit3A, %sign3A_25 : i32
    %sign3A_27 = arith.extui %sign3A_26 : i1 to i32
    %sign3A_28 = arith.constant 0 : i32
    %sign3A_29 = arith.cmpi slt, %jit3A, %sign3A_28 : i32
    %sign3A_30 = arith.extui %sign3A_29 : i1 to i32
    %sign3A_31 = arith.subi %sign3A_27, %sign3A_30 : i32
    %ne3A = arith.cmpi ne, %sign3A_24, %sign3A_31 : i32
    %rem3A = arith.remsi %add3A_18, %jit3A : i32
    %ne3A_32 = arith.constant 0 : i32
    %ne3A_33 = arith.cmpi ne, %rem3A, %ne3A_32 : i32
    %and3A = arith.andi %ne3A, %ne3A_33 : i1
    %sub3A = arith.constant 1 : i32
    %sub3A_34 = arith.subi %div3A, %sub3A : i32
    %select_n3A = arith.select %and3A, %sub3A_34, %div3A : i32
    %add3A_35 = arith.constant 127 : i32
    %add3A_36 = arith.addi %squeeze3A_17, %add3A_35 : i32
    %jit3A_37 = arith.constant 128 : i32
    %div3A_38 = arith.divsi %add3A_36, %jit3A_37 : i32
    %sign3A_39 = arith.constant 0 : i32
    %sign3A_40 = arith.cmpi sgt, %add3A_36, %sign3A_39 : i32
    %sign3A_41 = arith.extui %sign3A_40 : i1 to i32
    %sign3A_42 = arith.constant 0 : i32
    %sign3A_43 = arith.cmpi slt, %add3A_36, %sign3A_42 : i32
    %sign3A_44 = arith.extui %sign3A_43 : i1 to i32
    %sign3A_45 = arith.subi %sign3A_41, %sign3A_44 : i32
    %sign3A_46 = arith.constant 0 : i32
    %sign3A_47 = arith.cmpi sgt, %jit3A_37, %sign3A_46 : i32
    %sign3A_48 = arith.extui %sign3A_47 : i1 to i32
    %sign3A_49 = arith.constant 0 : i32
    %sign3A_50 = arith.cmpi slt, %jit3A_37, %sign3A_49 : i32
    %sign3A_51 = arith.extui %sign3A_50 : i1 to i32
    %sign3A_52 = arith.subi %sign3A_48, %sign3A_51 : i32
    %ne3A_53 = arith.cmpi ne, %sign3A_45, %sign3A_52 : i32
    %rem3A_54 = arith.remsi %add3A_36, %jit3A_37 : i32
    %ne3A_55 = arith.constant 0 : i32
    %ne3A_56 = arith.cmpi ne, %rem3A_54, %ne3A_55 : i32
    %and3A_57 = arith.andi %ne3A_53, %ne3A_56 : i1
    %sub3A_58 = arith.constant 1 : i32
    %sub3A_59 = arith.subi %div3A_38, %sub3A_58 : i32
    %select_n3A_60 = arith.select %and3A_57, %sub3A_59, %div3A_38 : i32
    %add3A_61 = arith.addi %select_n3A, %select_n3A_60 : i32
    %sub3A_62 = arith.subi %add3A_61, %arg1 : i32
    %add3A_63 = arith.constant 15 : i32
    %add3A_64 = arith.addi %sub3A_62, %add3A_63 : i32
    %jit3A_65 = arith.constant 16 : i32
    %div3A_66 = arith.divsi %add3A_64, %jit3A_65 : i32
    %sign3A_67 = arith.constant 0 : i32
    %sign3A_68 = arith.cmpi sgt, %add3A_64, %sign3A_67 : i32
    %sign3A_69 = arith.extui %sign3A_68 : i1 to i32
    %sign3A_70 = arith.constant 0 : i32
    %sign3A_71 = arith.cmpi slt, %add3A_64, %sign3A_70 : i32
    %sign3A_72 = arith.extui %sign3A_71 : i1 to i32
    %sign3A_73 = arith.subi %sign3A_69, %sign3A_72 : i32
    %sign3A_74 = arith.constant 0 : i32
    %sign3A_75 = arith.cmpi sgt, %jit3A_65, %sign3A_74 : i32
    %sign3A_76 = arith.extui %sign3A_75 : i1 to i32
    %sign3A_77 = arith.constant 0 : i32
    %sign3A_78 = arith.cmpi slt, %jit3A_65, %sign3A_77 : i32
    %sign3A_79 = arith.extui %sign3A_78 : i1 to i32
    %sign3A_80 = arith.subi %sign3A_76, %sign3A_79 : i32
    %ne3A_81 = arith.cmpi ne, %sign3A_73, %sign3A_80 : i32
    %rem3A_82 = arith.remsi %add3A_64, %jit3A_65 : i32
    %ne3A_83 = arith.constant 0 : i32
    %ne3A_84 = arith.cmpi ne, %rem3A_82, %ne3A_83 : i32
    %and3A_85 = arith.andi %ne3A_81, %ne3A_84 : i1
    %sub3A_86 = arith.constant 1 : i32
    %sub3A_87 = arith.subi %div3A_66, %sub3A_86 : i32
    %select_n3A_88 = arith.select %and3A_85, %sub3A_87, %div3A_66 : i32
    %while3A = arith.constant 0 : i32
    %while3A_89 = arith.constant 0 : i32
    %while3A_90 = arith.subi %select_n3A_88, %while3A : i32
    %while3A_91 = arith.addi %while3A, %while3A_90 : i32
    %while3A_92 = arith.constant 1 : i32
    %while3A_93 = arith.divsi %while3A_90, %while3A_92 : i32
    %while3A_94 = arith.muli %while3A_93, %while3A_92 : i32
    %while3A_95 = arith.addi %while3A, %while3A_94 : i32
    %while3A_96 = arith.constant 1 : i32
    %while3A_97 = scf.for %while3A_103 = %while3A to %while3A_95 step %while3A_96 iter_args(%while3A_104 = %while3A_89) -> (i32)  : i32 {
      %mul3A_105 = arith.constant 16 : i32
      %mul3A_106 = arith.muli %mul3A_105, %while3A_103 : i32
      %add3A_107 = arith.addi %arg1, %mul3A_106 : i32
      %lt3A_108 = arith.cmpi slt, %add3A_107, %select_n3A : i32
      %mul3A_109 = arith.constant 128 : i32
      %mul3A_110 = arith.muli %add3A_107, %mul3A_109 : i32
      %sub3A_111 = arith.subi %add3A_107, %select_n3A : i32
      %mul3A_112 = arith.constant 128 : i32
      %mul3A_113 = arith.muli %sub3A_111, %mul3A_112 : i32
      %add3A_114 = arith.constant 81920 : i32
      %add3A_115 = arith.addi %add3A_114, %mul3A_113 : i32
      %select_n3A_116 = arith.select %lt3A_108, %mul3A_110, %add3A_115 : i32
      %multiple_of3A_117 = tpu.assume_multiple %select_n3A_116, 128 : i32
      %mul3A_118 = arith.constant 163840 : i32
      %mul3A_119 = arith.muli %arg0, %mul3A_118 : i32
      %add3A_120 = arith.addi %mul3A_119, %multiple_of3A_117 : i32
      %multiple_of3A_121 = tpu.assume_multiple %add3A_120, 128 : i32
      "tpu.region"() ({
        %run_scoped3A = tpu.sem_alloc : memref<!tpu.dma_semaphore, #tpu.memory_space<semaphore_mem>>
        %dma_start3A = tpu.memref_slice %arg3[%multiple_of3A_121] : memref<327680xi32, #tpu.memory_space<hbm>> -> memref<128xi32, #tpu.memory_space<hbm>>
        %dma_start3A_123 = tpu.memref_slice %arg3[%multiple_of3A_121] : memref<327680xi32, #tpu.memory_space<hbm>> -> memref<128xi32, #tpu.memory_space<hbm>>
        tpu.enqueue_dma source(%dma_start3A_123 : memref<128xi32, #tpu.memory_space<hbm>>) target(%arg8 : memref<128xi32, #tpu.memory_space<vmem>>) target_semaphore(%run_scoped3A : memref<!tpu.dma_semaphore, #tpu.memory_space<semaphore_mem>>)
        %dma_wait3A = tpu.memref_slice %arg3[%multiple_of3A_121] : memref<327680xi32, #tpu.memory_space<hbm>> -> memref<128xi32, #tpu.memory_space<hbm>>
        %dma_wait3A_124 = tpu.memref_slice %arg3[%multiple_of3A_121] : memref<327680xi32, #tpu.memory_space<hbm>> -> memref<128xi32, #tpu.memory_space<hbm>>
        tpu.wait_dma2 semaphore(%run_scoped3A : memref<!tpu.dma_semaphore, #tpu.memory_space<semaphore_mem>>) src(%dma_wait3A_124 : memref<128xi32, #tpu.memory_space<hbm>>) dst(%arg8 : memref<128xi32, #tpu.memory_space<vmem>>)
        tpu.yield
      }) : () -> ()
      "tpu.region"() ({
        %run_scoped3A = tpu.sem_alloc : memref<!tpu.dma_semaphore, #tpu.memory_space<semaphore_mem>>
        %dma_start3A = arith.constant 0 : i32
        %dma_start3A_123 = tpu.memref_slice %arg2[%arg0, %multiple_of3A_117, %dma_start3A] : memref<2x163840x128xf32, #tpu.memory_space<hbm>> -> memref<1x128x128xf32, #tpu.memory_space<hbm>>
        %dma_start3A_124 = tpu.memref_squeeze %dma_start3A_123 : memref<1x128x128xf32, #tpu.memory_space<hbm>> -> memref<128x128xf32, #tpu.memory_space<hbm>>
        %dma_start3A_125 = arith.constant 0 : i32
        %dma_start3A_126 = tpu.memref_slice %arg2[%arg0, %multiple_of3A_117, %dma_start3A_125] : memref<2x163840x128xf32, #tpu.memory_space<hbm>> -> memref<1x128x128xf32, #tpu.memory_space<hbm>>
        %dma_start3A_127 = tpu.memref_squeeze %dma_start3A_126 : memref<1x128x128xf32, #tpu.memory_space<hbm>> -> memref<128x128xf32, #tpu.memory_space<hbm>>
        tpu.enqueue_dma source(%dma_start3A_127 : memref<128x128xf32, #tpu.memory_space<hbm>>) target(%arg9 : memref<128x128xf32, #tpu.memory_space<vmem>>) target_semaphore(%run_scoped3A : memref<!tpu.dma_semaphore, #tpu.memory_space<semaphore_mem>>)
        %dma_wait3A = arith.constant 0 : i32
        %dma_wait3A_128 = tpu.memref_slice %arg2[%arg0, %multiple_of3A_117, %dma_wait3A] : memref<2x163840x128xf32, #tpu.memory_space<hbm>> -> memref<1x128x128xf32, #tpu.memory_space<hbm>>
        %dma_wait3A_129 = tpu.memref_squeeze %dma_wait3A_128 : memref<1x128x128xf32, #tpu.memory_space<hbm>> -> memref<128x128xf32, #tpu.memory_space<hbm>>
        %dma_wait3A_130 = arith.constant 0 : i32
        %dma_wait3A_131 = tpu.memref_slice %arg2[%arg0, %multiple_of3A_117, %dma_wait3A_130] : memref<2x163840x128xf32, #tpu.memory_space<hbm>> -> memref<1x128x128xf32, #tpu.memory_space<hbm>>
        %dma_wait3A_132 = tpu.memref_squeeze %dma_wait3A_131 : memref<1x128x128xf32, #tpu.memory_space<hbm>> -> memref<128x128xf32, #tpu.memory_space<hbm>>
        tpu.wait_dma2 semaphore(%run_scoped3A : memref<!tpu.dma_semaphore, #tpu.memory_space<semaphore_mem>>) src(%dma_wait3A_132 : memref<128x128xf32, #tpu.memory_space<hbm>>) dst(%arg9 : memref<128x128xf32, #tpu.memory_space<vmem>>)
        tpu.yield
      }) : () -> ()
      "tpu.region"() ({
        %run_scoped3A = tpu.sem_alloc : memref<!tpu.dma_semaphore, #tpu.memory_space<semaphore_mem>>
        %dma_start3A = arith.constant 0 : i32
        %dma_start3A_123 = arith.constant 0 : i32
        %dma_start3A_124 = tpu.memref_slice %arg7[%dma_start3A, %dma_start3A_123] : memref<10240x128xf32, #tpu.memory_space<vmem_shared>> -> memref<10240x128xf32, #tpu.memory_space<vmem_shared>>
        tpu.enqueue_indirect_dma source(%arg9 : memref<128x128xf32, #tpu.memory_space<vmem>>) target(%dma_start3A_124 : memref<10240x128xf32, #tpu.memory_space<vmem_shared>>) offsets(%arg8 : memref<128xi32, #tpu.memory_space<vmem>>) semaphore(%run_scoped3A : memref<!tpu.dma_semaphore, #tpu.memory_space<semaphore_mem>>) {add = true}
        %dma_wait3A = arith.constant 0 : i32
        %dma_wait3A_125 = arith.constant 0 : i32
        %dma_wait3A_126 = tpu.memref_slice %arg7[%dma_wait3A, %dma_wait3A_125] : memref<10240x128xf32, #tpu.memory_space<vmem_shared>> -> memref<10240x128xf32, #tpu.memory_space<vmem_shared>>
        tpu.wait_indirect_dma semaphore(%run_scoped3A : memref<!tpu.dma_semaphore, #tpu.memory_space<semaphore_mem>>) src(%arg9 : memref<128x128xf32, #tpu.memory_space<vmem>>) dst(%dma_wait3A_126 : memref<10240x128xf32, #tpu.memory_space<vmem_shared>>)
        tpu.yield
      }) : () -> ()
      %while3A_122 = arith.constant 0 : i32
      scf.yield %while3A_122 : i32
    }
    %while3A_98 = arith.constant 1 : i32
    %while3A_99 = scf.for %while3A_103 = %while3A_95 to %while3A_91 step %while3A_98 iter_args(%while3A_104 = %while3A_97) -> (i32)  : i32 {
      %mul3A_105 = arith.constant 16 : i32
      %mul3A_106 = arith.muli %mul3A_105, %while3A_103 : i32
      %add3A_107 = arith.addi %arg1, %mul3A_106 : i32
      %lt3A_108 = arith.cmpi slt, %add3A_107, %select_n3A : i32
      %mul3A_109 = arith.constant 128 : i32
      %mul3A_110 = arith.muli %add3A_107, %mul3A_109 : i32
      %sub3A_111 = arith.subi %add3A_107, %select_n3A : i32
      %mul3A_112 = arith.constant 128 : i32
      %mul3A_113 = arith.muli %sub3A_111, %mul3A_112 : i32
      %add3A_114 = arith.constant 81920 : i32
      %add3A_115 = arith.addi %add3A_114, %mul3A_113 : i32
      %select_n3A_116 = arith.select %lt3A_108, %mul3A_110, %add3A_115 : i32
      %multiple_of3A_117 = tpu.assume_multiple %select_n3A_116, 128 : i32
      %mul3A_118 = arith.constant 163840 : i32
      %mul3A_119 = arith.muli %arg0, %mul3A_118 : i32
      %add3A_120 = arith.addi %mul3A_119, %multiple_of3A_117 : i32
      %multiple_of3A_121 = tpu.assume_multiple %add3A_120, 128 : i32
      "tpu.region"() ({
        %run_scoped3A = tpu.sem_alloc : memref<!tpu.dma_semaphore, #tpu.memory_space<semaphore_mem>>
        %dma_start3A = tpu.memref_slice %arg3[%multiple_of3A_121] : memref<327680xi32, #tpu.memory_space<hbm>> -> memref<128xi32, #tpu.memory_space<hbm>>
        %dma_start3A_123 = tpu.memref_slice %arg3[%multiple_of3A_121] : memref<327680xi32, #tpu.memory_space<hbm>> -> memref<128xi32, #tpu.memory_space<hbm>>
        tpu.enqueue_dma source(%dma_start3A_123 : memref<128xi32, #tpu.memory_space<hbm>>) target(%arg8 : memref<128xi32, #tpu.memory_space<vmem>>) target_semaphore(%run_scoped3A : memref<!tpu.dma_semaphore, #tpu.memory_space<semaphore_mem>>)
        %dma_wait3A = tpu.memref_slice %arg3[%multiple_of3A_121] : memref<327680xi32, #tpu.memory_space<hbm>> -> memref<128xi32, #tpu.memory_space<hbm>>
        %dma_wait3A_124 = tpu.memref_slice %arg3[%multiple_of3A_121] : memref<327680xi32, #tpu.memory_space<hbm>> -> memref<128xi32, #tpu.memory_space<hbm>>
        tpu.wait_dma2 semaphore(%run_scoped3A : memref<!tpu.dma_semaphore, #tpu.memory_space<semaphore_mem>>) src(%dma_wait3A_124 : memref<128xi32, #tpu.memory_space<hbm>>) dst(%arg8 : memref<128xi32, #tpu.memory_space<vmem>>)
        tpu.yield
      }) : () -> ()
      "tpu.region"() ({
        %run_scoped3A = tpu.sem_alloc : memref<!tpu.dma_semaphore, #tpu.memory_space<semaphore_mem>>
        %dma_start3A = arith.constant 0 : i32
        %dma_start3A_123 = tpu.memref_slice %arg2[%arg0, %multiple_of3A_117, %dma_start3A] : memref<2x163840x128xf32, #tpu.memory_space<hbm>> -> memref<1x128x128xf32, #tpu.memory_space<hbm>>
        %dma_start3A_124 = tpu.memref_squeeze %dma_start3A_123 : memref<1x128x128xf32, #tpu.memory_space<hbm>> -> memref<128x128xf32, #tpu.memory_space<hbm>>
        %dma_start3A_125 = arith.constant 0 : i32
        %dma_start3A_126 = tpu.memref_slice %arg2[%arg0, %multiple_of3A_117, %dma_start3A_125] : memref<2x163840x128xf32, #tpu.memory_space<hbm>> -> memref<1x128x128xf32, #tpu.memory_space<hbm>>
        %dma_start3A_127 = tpu.memref_squeeze %dma_start3A_126 : memref<1x128x128xf32, #tpu.memory_space<hbm>> -> memref<128x128xf32, #tpu.memory_space<hbm>>
        tpu.enqueue_dma source(%dma_start3A_127 : memref<128x128xf32, #tpu.memory_space<hbm>>) target(%arg9 : memref<128x128xf32, #tpu.memory_space<vmem>>) target_semaphore(%run_scoped3A : memref<!tpu.dma_semaphore, #tpu.memory_space<semaphore_mem>>)
        %dma_wait3A = arith.constant 0 : i32
        %dma_wait3A_128 = tpu.memref_slice %arg2[%arg0, %multiple_of3A_117, %dma_wait3A] : memref<2x163840x128xf32, #tpu.memory_space<hbm>> -> memref<1x128x128xf32, #tpu.memory_space<hbm>>
        %dma_wait3A_129 = tpu.memref_squeeze %dma_wait3A_128 : memref<1x128x128xf32, #tpu.memory_space<hbm>> -> memref<128x128xf32, #tpu.memory_space<hbm>>
        %dma_wait3A_130 = arith.constant 0 : i32
        %dma_wait3A_131 = tpu.memref_slice %arg2[%arg0, %multiple_of3A_117, %dma_wait3A_130] : memref<2x163840x128xf32, #tpu.memory_space<hbm>> -> memref<1x128x128xf32, #tpu.memory_space<hbm>>
        %dma_wait3A_132 = tpu.memref_squeeze %dma_wait3A_131 : memref<1x128x128xf32, #tpu.memory_space<hbm>> -> memref<128x128xf32, #tpu.memory_space<hbm>>
        tpu.wait_dma2 semaphore(%run_scoped3A : memref<!tpu.dma_semaphore, #tpu.memory_space<semaphore_mem>>) src(%dma_wait3A_132 : memref<128x128xf32, #tpu.memory_space<hbm>>) dst(%arg9 : memref<128x128xf32, #tpu.memory_space<vmem>>)
        tpu.yield
      }) : () -> ()
      "tpu.region"() ({
        %run_scoped3A = tpu.sem_alloc : memref<!tpu.dma_semaphore, #tpu.memory_space<semaphore_mem>>
        %dma_start3A = arith.constant 0 : i32
        %dma_start3A_123 = arith.constant 0 : i32
        %dma_start3A_124 = tpu.memref_slice %arg7[%dma_start3A, %dma_start3A_123] : memref<10240x128xf32, #tpu.memory_space<vmem_shared>> -> memref<10240x128xf32, #tpu.memory_space<vmem_shared>>
        tpu.enqueue_indirect_dma source(%arg9 : memref<128x128xf32, #tpu.memory_space<vmem>>) target(%dma_start3A_124 : memref<10240x128xf32, #tpu.memory_space<vmem_shared>>) offsets(%arg8 : memref<128xi32, #tpu.memory_space<vmem>>) semaphore(%run_scoped3A : memref<!tpu.dma_semaphore, #tpu.memory_space<semaphore_mem>>) {add = true}
        %dma_wait3A = arith.constant 0 : i32
        %dma_wait3A_125 = arith.constant 0 : i32
        %dma_wait3A_126 = tpu.memref_slice %arg7[%dma_wait3A, %dma_wait3A_125] : memref<10240x128xf32, #tpu.memory_space<vmem_shared>> -> memref<10240x128xf32, #tpu.memory_space<vmem_shared>>
        tpu.wait_indirect_dma semaphore(%run_scoped3A : memref<!tpu.dma_semaphore, #tpu.memory_space<semaphore_mem>>) src(%arg9 : memref<128x128xf32, #tpu.memory_space<vmem>>) dst(%dma_wait3A_126 : memref<10240x128xf32, #tpu.memory_space<vmem_shared>>)
        tpu.yield
      }) : () -> ()
      %while3A_122 = arith.constant 0 : i32
      scf.yield %while3A_122 : i32
    }
    %barrier3A_100 = arith.constant 0 : index
    tpu.barrier barrier_id(%barrier3A_100)
    %lt3A = arith.constant 3 : i32
    %lt3A_101 = arith.cmpi slt, %arg1, %lt3A : i32
    %convert_element_type3A = arith.extui %lt3A_101 : i1 to i32
    %cond3A = arith.constant 0 : i32
    %cond3A_102 = arith.cmpi ne, %convert_element_type3A, %cond3A : i32
    scf.if %cond3A_102 {
      "tpu.region"() ({
        %run_scoped3A = tpu.sem_alloc : memref<!tpu.dma_semaphore, #tpu.memory_space<semaphore_mem>>
        tpu.enqueue_dma source(%arg5 : memref<384xi32, #tpu.memory_space<hbm>>) target(%arg11 : memref<384xi32, #tpu.memory_space<vmem>>) target_semaphore(%run_scoped3A : memref<!tpu.dma_semaphore, #tpu.memory_space<semaphore_mem>>)
        tpu.wait_dma2 semaphore(%run_scoped3A : memref<!tpu.dma_semaphore, #tpu.memory_space<semaphore_mem>>) src(%arg5 : memref<384xi32, #tpu.memory_space<hbm>>) dst(%arg11 : memref<384xi32, #tpu.memory_space<vmem>>)
        tpu.yield
      }) : () -> ()
      %mul3A_103 = arith.constant 128 : i32
      %mul3A_104 = arith.muli %arg1, %mul3A_103 : i32
      %dma_start3A = tpu.memref_slice %arg11[%mul3A_104] : memref<384xi32, #tpu.memory_space<vmem>> -> memref<128xi32, #tpu.memory_space<vmem>>
      %dma_start3A_105 = arith.constant 0 : i32
      %dma_start3A_106 = arith.constant 0 : i32
      %dma_start3A_107 = tpu.memref_slice %arg7[%dma_start3A_105, %dma_start3A_106] : memref<10240x128xf32, #tpu.memory_space<vmem_shared>> -> memref<10240x128xf32, #tpu.memory_space<vmem_shared>>
      tpu.enqueue_indirect_dma source(%dma_start3A_107 : memref<10240x128xf32, #tpu.memory_space<vmem_shared>>) target(%arg9 : memref<128x128xf32, #tpu.memory_space<vmem>>) offsets(%dma_start3A : memref<128xi32, #tpu.memory_space<vmem>>) semaphore(%arg12 : memref<!tpu.dma_semaphore, #tpu.memory_space<semaphore_mem>>)
      %dma_wait3A = tpu.memref_slice %arg11[%mul3A_104] : memref<384xi32, #tpu.memory_space<vmem>> -> memref<128xi32, #tpu.memory_space<vmem>>
      %dma_wait3A_108 = arith.constant 0 : i32
      %dma_wait3A_109 = arith.constant 0 : i32
      %dma_wait3A_110 = tpu.memref_slice %arg7[%dma_wait3A_108, %dma_wait3A_109] : memref<10240x128xf32, #tpu.memory_space<vmem_shared>> -> memref<10240x128xf32, #tpu.memory_space<vmem_shared>>
      tpu.wait_indirect_dma semaphore(%arg12 : memref<!tpu.dma_semaphore, #tpu.memory_space<semaphore_mem>>) src(%dma_wait3A_110 : memref<10240x128xf32, #tpu.memory_space<vmem_shared>>) dst(%arg9 : memref<128x128xf32, #tpu.memory_space<vmem>>)
      %mul3A_111 = arith.constant 128 : i32
      %mul3A_112 = arith.muli %arg1, %mul3A_111 : i32
      "tpu.region"() ({
        %run_scoped3A = tpu.sem_alloc : memref<!tpu.dma_semaphore, #tpu.memory_space<semaphore_mem>>
        %dma_start3A_113 = arith.constant 0 : i32
        %dma_start3A_114 = tpu.memref_slice %arg6[%arg0, %mul3A_112, %dma_start3A_113] : memref<2x384x128xf32, #tpu.memory_space<hbm>> -> memref<1x128x128xf32, #tpu.memory_space<hbm>>
        %dma_start3A_115 = tpu.memref_squeeze %dma_start3A_114 : memref<1x128x128xf32, #tpu.memory_space<hbm>> -> memref<128x128xf32, #tpu.memory_space<hbm>>
        %dma_start3A_116 = arith.constant 0 : i32
        %dma_start3A_117 = tpu.memref_slice %arg6[%arg0, %mul3A_112, %dma_start3A_116] : memref<2x384x128xf32, #tpu.memory_space<hbm>> -> memref<1x128x128xf32, #tpu.memory_space<hbm>>
        %dma_start3A_118 = tpu.memref_squeeze %dma_start3A_117 : memref<1x128x128xf32, #tpu.memory_space<hbm>> -> memref<128x128xf32, #tpu.memory_space<hbm>>
        tpu.enqueue_dma source(%arg9 : memref<128x128xf32, #tpu.memory_space<vmem>>) target(%dma_start3A_118 : memref<128x128xf32, #tpu.memory_space<hbm>>) target_semaphore(%run_scoped3A : memref<!tpu.dma_semaphore, #tpu.memory_space<semaphore_mem>>)
        %dma_wait3A_119 = arith.constant 0 : i32
        %dma_wait3A_120 = tpu.memref_slice %arg6[%arg0, %mul3A_112, %dma_wait3A_119] : memref<2x384x128xf32, #tpu.memory_space<hbm>> -> memref<1x128x128xf32, #tpu.memory_space<hbm>>
        %dma_wait3A_121 = tpu.memref_squeeze %dma_wait3A_120 : memref<1x128x128xf32, #tpu.memory_space<hbm>> -> memref<128x128xf32, #tpu.memory_space<hbm>>
        %dma_wait3A_122 = arith.constant 0 : i32
        %dma_wait3A_123 = tpu.memref_slice %arg6[%arg0, %mul3A_112, %dma_wait3A_122] : memref<2x384x128xf32, #tpu.memory_space<hbm>> -> memref<1x128x128xf32, #tpu.memory_space<hbm>>
        %dma_wait3A_124 = tpu.memref_squeeze %dma_wait3A_123 : memref<1x128x128xf32, #tpu.memory_space<hbm>> -> memref<128x128xf32, #tpu.memory_space<hbm>>
        tpu.wait_dma2 semaphore(%run_scoped3A : memref<!tpu.dma_semaphore, #tpu.memory_space<semaphore_mem>>) src(%arg9 : memref<128x128xf32, #tpu.memory_space<vmem>>) dst(%dma_wait3A_124 : memref<128x128xf32, #tpu.memory_space<hbm>>)
        tpu.yield
      }) : () -> ()
    } else {
    }
    return
  }
}

#map = affine_map<(d0, d1) -> (0)>
#map1 = affine_map<(d0, d1) -> (0, 0)>
#map2 = affine_map<(d0, d1) -> (0, 0, 0)>
module attributes {stable_mosaic.version = 14 : i64} {
  func.func @_compact_kernel(%arg0: i32, %arg1: i32, %arg2: memref<320000xi32, #tpu.memory_space<hbm>>, %arg3: memref<320000xi32, #tpu.memory_space<hbm>>, %arg4: memref<384xi32, #tpu.memory_space<hbm>>, %arg5: memref<10000x128xf32, #tpu.memory_space<hbm>>, %arg6: memref<10016xi32, #tpu.memory_space<hbm>>, %arg7: memref<327680xi32, #tpu.memory_space<hbm>>, %arg8: memref<2x163840x128xf32, #tpu.memory_space<hbm>>, %arg9: memref<327680xi32, #tpu.memory_space<hbm>>, %arg10: memref<384x128xf32, #tpu.memory_space<hbm>>, %arg11: memref<32xi32, #tpu.memory_space<hbm>>, %arg12: memref<10016xi32, #tpu.memory_space<vmem>>, %arg13: memref<10000xi32, #tpu.memory_space<vmem>>, %arg14: memref<10000xi32, #tpu.memory_space<vmem>>, %arg15: memref<5120xi32, #tpu.memory_space<vmem>>, %arg16: memref<5120xi32, #tpu.memory_space<vmem>>, %arg17: memref<5120xi32, #tpu.memory_space<vmem>>, %arg18: memref<5120xi32, #tpu.memory_space<vmem>>, %arg19: memref<5120xi32, #tpu.memory_space<vmem>>, %arg20: memref<384xi32, #tpu.memory_space<vmem>>, %arg21: memref<16xi32, #tpu.memory_space<vmem>>, %arg22: memref<128x128xf32, #tpu.memory_space<vmem>>, %arg23: memref<2xi32, #tpu.memory_space<smem>>, %arg24: memref<!tpu.dma_semaphore, #tpu.memory_space<semaphore_mem>>) attributes {dimension_semantics = [#tpu.dimension_semantics<core_parallel>, #tpu.dimension_semantics<subcore_parallel>], iteration_bounds = array<i64: 2, 16>, scalar_prefetch = 0 : i64, scratch_operands = 13 : i64, tpu.core_type = #tpu.core_type<sc_vector_subcore>, window_params = [{transform_indices = #map}, {transform_indices = #map}, {transform_indices = #map}, {transform_indices = #map1}, {transform_indices = #map}, {transform_indices = #map}, {transform_indices = #map2}, {transform_indices = #map}, {transform_indices = #map1}, {transform_indices = #map}]} {
    %mul3A = arith.constant 16 : i32
    %mul3A_0 = arith.muli %arg0, %mul3A : i32
    %add3A = arith.addi %mul3A_0, %arg1 : i32
    %mul3A_1 = arith.constant 10000 : i32
    %mul3A_2 = arith.muli %add3A, %mul3A_1 : i32
    %eq3A = arith.constant 0 : i32
    %eq3A_3 = arith.cmpi eq, %arg1, %eq3A : i32
    %convert_element_type3A = arith.extui %eq3A_3 : i1 to i32
    %cond3A = arith.constant 0 : i32
    %cond3A_4 = arith.cmpi ne, %convert_element_type3A, %cond3A : i32
    scf.if %cond3A_4 {
      %swap3A = arith.constant 0 : i32
      %swap3A_270 = arith.constant 0 : i32
      %swap3A_271 = arith.index_cast %swap3A_270 : i32 to index
      %swap3A_272 = memref.load %arg23[%swap3A_271] : memref<2xi32, #tpu.memory_space<smem>>
      memref.store %swap3A, %arg23[%swap3A_271] : memref<2xi32, #tpu.memory_space<smem>>
      %swap3A_273 = arith.constant 0 : i32
      %swap3A_274 = arith.constant 1 : i32
      %swap3A_275 = arith.index_cast %swap3A_274 : i32 to index
      %swap3A_276 = memref.load %arg23[%swap3A_275] : memref<2xi32, #tpu.memory_space<smem>>
      memref.store %swap3A_273, %arg23[%swap3A_275] : memref<2xi32, #tpu.memory_space<smem>>
    } else {
    }
    %barrier3A = arith.constant 0 : index
    tpu.barrier barrier_id(%barrier3A)
    "tpu.region"() ({
      %run_scoped3A = tpu.sem_alloc : memref<!tpu.dma_semaphore, #tpu.memory_space<semaphore_mem>>
      tpu.enqueue_dma source(%arg6 : memref<10016xi32, #tpu.memory_space<hbm>>) target(%arg12 : memref<10016xi32, #tpu.memory_space<vmem>>) target_semaphore(%run_scoped3A : memref<!tpu.dma_semaphore, #tpu.memory_space<semaphore_mem>>)
      tpu.wait_dma2 semaphore(%run_scoped3A : memref<!tpu.dma_semaphore, #tpu.memory_space<semaphore_mem>>) src(%arg6 : memref<10016xi32, #tpu.memory_space<hbm>>) dst(%arg12 : memref<10016xi32, #tpu.memory_space<vmem>>)
      tpu.yield
    }) : () -> ()
    "tpu.region"() ({
      %run_scoped3A = tpu.sem_alloc : memref<!tpu.dma_semaphore, #tpu.memory_space<semaphore_mem>>
      tpu.enqueue_dma source(%arg4 : memref<384xi32, #tpu.memory_space<hbm>>) target(%arg20 : memref<384xi32, #tpu.memory_space<vmem>>) target_semaphore(%run_scoped3A : memref<!tpu.dma_semaphore, #tpu.memory_space<semaphore_mem>>)
      tpu.wait_dma2 semaphore(%run_scoped3A : memref<!tpu.dma_semaphore, #tpu.memory_space<semaphore_mem>>) src(%arg4 : memref<384xi32, #tpu.memory_space<hbm>>) dst(%arg20 : memref<384xi32, #tpu.memory_space<vmem>>)
      tpu.yield
    }) : () -> ()
    %multiple_of3A = tpu.assume_multiple %mul3A_2, 16 : i32
    "tpu.region"() ({
      %run_scoped3A = tpu.sem_alloc : memref<!tpu.dma_semaphore, #tpu.memory_space<semaphore_mem>>
      %dma_start3A = tpu.memref_slice %arg2[%multiple_of3A] : memref<320000xi32, #tpu.memory_space<hbm>> -> memref<10000xi32, #tpu.memory_space<hbm>>
      %dma_start3A_270 = tpu.memref_slice %arg2[%multiple_of3A] : memref<320000xi32, #tpu.memory_space<hbm>> -> memref<10000xi32, #tpu.memory_space<hbm>>
      tpu.enqueue_dma source(%dma_start3A_270 : memref<10000xi32, #tpu.memory_space<hbm>>) target(%arg13 : memref<10000xi32, #tpu.memory_space<vmem>>) target_semaphore(%run_scoped3A : memref<!tpu.dma_semaphore, #tpu.memory_space<semaphore_mem>>)
      %dma_wait3A = tpu.memref_slice %arg2[%multiple_of3A] : memref<320000xi32, #tpu.memory_space<hbm>> -> memref<10000xi32, #tpu.memory_space<hbm>>
      %dma_wait3A_271 = tpu.memref_slice %arg2[%multiple_of3A] : memref<320000xi32, #tpu.memory_space<hbm>> -> memref<10000xi32, #tpu.memory_space<hbm>>
      tpu.wait_dma2 semaphore(%run_scoped3A : memref<!tpu.dma_semaphore, #tpu.memory_space<semaphore_mem>>) src(%dma_wait3A_271 : memref<10000xi32, #tpu.memory_space<hbm>>) dst(%arg13 : memref<10000xi32, #tpu.memory_space<vmem>>)
      tpu.yield
    }) : () -> ()
    %multiple_of3A_5 = tpu.assume_multiple %mul3A_2, 16 : i32
    "tpu.region"() ({
      %run_scoped3A = tpu.sem_alloc : memref<!tpu.dma_semaphore, #tpu.memory_space<semaphore_mem>>
      %dma_start3A = tpu.memref_slice %arg3[%multiple_of3A_5] : memref<320000xi32, #tpu.memory_space<hbm>> -> memref<10000xi32, #tpu.memory_space<hbm>>
      %dma_start3A_270 = tpu.memref_slice %arg3[%multiple_of3A_5] : memref<320000xi32, #tpu.memory_space<hbm>> -> memref<10000xi32, #tpu.memory_space<hbm>>
      tpu.enqueue_dma source(%dma_start3A_270 : memref<10000xi32, #tpu.memory_space<hbm>>) target(%arg14 : memref<10000xi32, #tpu.memory_space<vmem>>) target_semaphore(%run_scoped3A : memref<!tpu.dma_semaphore, #tpu.memory_space<semaphore_mem>>)
      %dma_wait3A = tpu.memref_slice %arg3[%multiple_of3A_5] : memref<320000xi32, #tpu.memory_space<hbm>> -> memref<10000xi32, #tpu.memory_space<hbm>>
      %dma_wait3A_271 = tpu.memref_slice %arg3[%multiple_of3A_5] : memref<320000xi32, #tpu.memory_space<hbm>> -> memref<10000xi32, #tpu.memory_space<hbm>>
      tpu.wait_dma2 semaphore(%run_scoped3A : memref<!tpu.dma_semaphore, #tpu.memory_space<semaphore_mem>>) src(%dma_wait3A_271 : memref<10000xi32, #tpu.memory_space<hbm>>) dst(%arg14 : memref<10000xi32, #tpu.memory_space<vmem>>)
      tpu.yield
    }) : () -> ()
    %broadcast_in_dim3A = arith.constant 1 : i32
    %broadcast_in_dim3A_6 = vector.broadcast %broadcast_in_dim3A : i32 to vector<16xi32>
    %broadcast_in_dim3A_7 = arith.constant 10000 : i32
    %broadcast_in_dim3A_8 = vector.broadcast %broadcast_in_dim3A_7 : i32 to vector<16xi32>
    %broadcast_in_dim3A_9 = vector.broadcast %mul3A_2 : i32 to vector<16xi32>
    %iota3A = tpu.iota {dimensions = array<i32: 0>} : vector<16xi32>
    %and3A = arith.constant 1 : i32
    %and3A_10 = vector.broadcast %and3A : i32 to vector<16xi32>
    %and3A_11 = arith.andi %iota3A, %and3A_10 : vector<16xi32>
    %eq3A_12 = arith.constant 0 : i32
    %eq3A_13 = vector.broadcast %eq3A_12 : i32 to vector<16xi32>
    %eq3A_14 = arith.cmpi eq, %and3A_11, %eq3A_13 : vector<16xi32>
    %scan3A = arith.constant 0 : i32
    %scan3A_15 = arith.constant 0 : i32
    %scan3A_16 = arith.constant 24 : i32
    %scan3A_17 = arith.addi %scan3A_15, %scan3A_16 : i32
    %scan3A_18 = arith.constant 1 : i32
    %scan3A_19 = scf.for %scan3A_270 = %scan3A_15 to %scan3A_17 step %scan3A_18 iter_args(%scan3A_271 = %scan3A) -> (i32)  : i32 {
      %mul3A_272 = arith.constant 16 : i32
      %mul3A_273 = arith.muli %scan3A_270, %mul3A_272 : i32
      %get3A = arith.index_cast %mul3A_273 : i32 to index
      %get3A_274 = tpu.vector_load %arg20[%get3A] {strides = array<i32>} : memref<384xi32, #tpu.memory_space<vmem>>, vector<16xi32>,
      tpu.vector_store_idx %arg12[%get3A_274], %broadcast_in_dim3A_6 : memref<10016xi32, #tpu.memory_space<vmem>>[vector<16xi32>], vector<16xi32>,
      %scan3A_275 = arith.constant 0 : i32
      scf.yield %scan3A_275 : i32
    }
    %scan3A_20 = arith.constant 24 : i32
    %scan3A_21 = arith.constant 0 : i32
    %scan3A_22 = arith.constant 0 : i32
    %scan3A_23 = arith.constant 0 : i32
    %scan3A_24 = arith.constant 625 : i32
    %scan3A_25 = arith.addi %scan3A_23, %scan3A_24 : i32
    %scan3A_26 = arith.constant 1 : i32
    %scan3A_27:2 = scf.for %scan3A_270 = %scan3A_23 to %scan3A_25 step %scan3A_26 iter_args(%scan3A_271 = %scan3A_21, %scan3A_272 = %scan3A_22) -> (i32, i32)  : i32 {
      %mul3A_273 = arith.constant 16 : i32
      %mul3A_274 = arith.muli %scan3A_270, %mul3A_273 : i32
      %get3A = arith.index_cast %mul3A_274 : i32 to index
      %get3A_275 = tpu.vector_load %arg13[%get3A] {strides = array<i32>} : memref<10000xi32, #tpu.memory_space<vmem>>, vector<16xi32>,
      %gather3A = tpu.vector_load_idx %arg12[%get3A_275] : memref<10016xi32, #tpu.memory_space<vmem>>[vector<16xi32>], vector<16xi32>,
      %gt3A = arith.constant 0 : i32
      %gt3A_276 = vector.broadcast %gt3A : i32 to vector<16xi32>
      %gt3A_277 = arith.cmpi sgt, %gather3A, %gt3A_276 : vector<16xi32>
      %and3A_278 = arith.andi %gt3A_277, %eq3A_14 : vector<16xi1>
      %not3A = arith.constant dense<true> : vector<16xi1>
      %not3A_279 = arith.xori %eq3A_14, %not3A : vector<16xi1>
      %and3A_280 = arith.andi %gt3A_277, %not3A_279 : vector<16xi1>
      %convert_element_type3A_281 = arith.extui %and3A_278 : vector<16xi1> to vector<16xi32>
      %convert_element_type3A_282 = arith.extui %and3A_280 : vector<16xi1> to vector<16xi32>
      %broadcast_in_dim3A_283 = arith.constant true
      %broadcast_in_dim3A_284 = vector.broadcast %broadcast_in_dim3A_283 : i1 to vector<16xi1>
      %masked_cumsum3A = tpu.scan <sum>, %convert_element_type3A_281 masked %broadcast_in_dim3A_284 : vector<16xi32>, vector<16xi1> -> vector<16xi32>
      %add3A_285 = vector.broadcast %scan3A_271 : i32 to vector<16xi32>
      %add3A_286 = arith.addi %add3A_285, %masked_cumsum3A : vector<16xi32>
      %sub3A_287 = arith.constant 1 : i32
      %sub3A_288 = vector.broadcast %sub3A_287 : i32 to vector<16xi32>
      %sub3A_289 = arith.subi %add3A_286, %sub3A_288 : vector<16xi32>
      %broadcast_in_dim3A_290 = arith.constant true
      %broadcast_in_dim3A_291 = vector.broadcast %broadcast_in_dim3A_290 : i1 to vector<16xi1>
      %masked_cumsum3A_292 = tpu.scan <sum>, %convert_element_type3A_282 masked %broadcast_in_dim3A_291 : vector<16xi32>, vector<16xi1> -> vector<16xi32>
      %add3A_293 = vector.broadcast %scan3A_272 : i32 to vector<16xi32>
      %add3A_294 = arith.addi %add3A_293, %masked_cumsum3A_292 : vector<16xi32>
      %sub3A_295 = arith.constant 1 : i32
      %sub3A_296 = vector.broadcast %sub3A_295 : i32 to vector<16xi32>
      %sub3A_297 = arith.subi %add3A_294, %sub3A_296 : vector<16xi32>
      %mul3A_298 = arith.constant 16 : i32
      %mul3A_299 = arith.muli %scan3A_270, %mul3A_298 : i32
      %add3A_300 = vector.broadcast %mul3A_299 : i32 to vector<16xi32>
      %add3A_301 = arith.addi %broadcast_in_dim3A_9, %add3A_300 : vector<16xi32>
      %add3A_302 = arith.addi %add3A_301, %iota3A : vector<16xi32>
      tpu.vector_store_idx %arg15[%sub3A_289], %add3A_302 masked %and3A_278 : memref<5120xi32, #tpu.memory_space<vmem>>[vector<16xi32>], vector<16xi32>, vector<16xi1>
      tpu.vector_store_idx %arg16[%sub3A_297], %add3A_302 masked %and3A_280 : memref<5120xi32, #tpu.memory_space<vmem>>[vector<16xi32>], vector<16xi32>, vector<16xi1>
      %reduce_sum3A = arith.constant true
      %reduce_sum3A_303 = vector.broadcast %reduce_sum3A : i1 to vector<16xi1>
      %reduce_sum3A_304 = tpu.scan <sum>, %convert_element_type3A_281 masked %reduce_sum3A_303 : vector<16xi32>, vector<16xi1> -> vector<16xi32>
      %reduce_sum3A_305 = vector.extract %reduce_sum3A_304[15] : i32 from vector<16xi32>
      %add3A_306 = arith.addi %scan3A_271, %reduce_sum3A_305 : i32
      %reduce_sum3A_307 = arith.constant true
      %reduce_sum3A_308 = vector.broadcast %reduce_sum3A_307 : i1 to vector<16xi1>
      %reduce_sum3A_309 = tpu.scan <sum>, %convert_element_type3A_282 masked %reduce_sum3A_308 : vector<16xi32>, vector<16xi1> -> vector<16xi32>
      %reduce_sum3A_310 = vector.extract %reduce_sum3A_309[15] : i32 from vector<16xi32>
      %add3A_311 = arith.addi %scan3A_272, %reduce_sum3A_310 : i32
      scf.yield %add3A_306, %add3A_311 : i32, i32
    }
    %scan3A_28 = arith.constant 625 : i32
    %add3A_29 = arith.constant 127 : i32
    %add3A_30 = arith.addi %scan3A_27#0, %add3A_29 : i32
    %jit3A = arith.constant 128 : i32
    %div3A = arith.divsi %add3A_30, %jit3A : i32
    %sign3A = arith.constant 0 : i32
    %sign3A_31 = arith.cmpi sgt, %add3A_30, %sign3A : i32
    %sign3A_32 = arith.extui %sign3A_31 : i1 to i32
    %sign3A_33 = arith.constant 0 : i32
    %sign3A_34 = arith.cmpi slt, %add3A_30, %sign3A_33 : i32
    %sign3A_35 = arith.extui %sign3A_34 : i1 to i32
    %sign3A_36 = arith.subi %sign3A_32, %sign3A_35 : i32
    %sign3A_37 = arith.constant 0 : i32
    %sign3A_38 = arith.cmpi sgt, %jit3A, %sign3A_37 : i32
    %sign3A_39 = arith.extui %sign3A_38 : i1 to i32
    %sign3A_40 = arith.constant 0 : i32
    %sign3A_41 = arith.cmpi slt, %jit3A, %sign3A_40 : i32
    %sign3A_42 = arith.extui %sign3A_41 : i1 to i32
    %sign3A_43 = arith.subi %sign3A_39, %sign3A_42 : i32
    %ne3A = arith.cmpi ne, %sign3A_36, %sign3A_43 : i32
    %rem3A = arith.remsi %add3A_30, %jit3A : i32
    %ne3A_44 = arith.constant 0 : i32
    %ne3A_45 = arith.cmpi ne, %rem3A, %ne3A_44 : i32
    %and3A_46 = arith.andi %ne3A, %ne3A_45 : i1
    %sub3A = arith.constant 1 : i32
    %sub3A_47 = arith.subi %div3A, %sub3A : i32
    %select_n3A = arith.select %and3A_46, %sub3A_47, %div3A : i32
    %mul3A_48 = arith.constant 128 : i32
    %mul3A_49 = arith.muli %select_n3A, %mul3A_48 : i32
    %add3A_50 = arith.constant 127 : i32
    %add3A_51 = arith.addi %scan3A_27#1, %add3A_50 : i32
    %jit3A_52 = arith.constant 128 : i32
    %div3A_53 = arith.divsi %add3A_51, %jit3A_52 : i32
    %sign3A_54 = arith.constant 0 : i32
    %sign3A_55 = arith.cmpi sgt, %add3A_51, %sign3A_54 : i32
    %sign3A_56 = arith.extui %sign3A_55 : i1 to i32
    %sign3A_57 = arith.constant 0 : i32
    %sign3A_58 = arith.cmpi slt, %add3A_51, %sign3A_57 : i32
    %sign3A_59 = arith.extui %sign3A_58 : i1 to i32
    %sign3A_60 = arith.subi %sign3A_56, %sign3A_59 : i32
    %sign3A_61 = arith.constant 0 : i32
    %sign3A_62 = arith.cmpi sgt, %jit3A_52, %sign3A_61 : i32
    %sign3A_63 = arith.extui %sign3A_62 : i1 to i32
    %sign3A_64 = arith.constant 0 : i32
    %sign3A_65 = arith.cmpi slt, %jit3A_52, %sign3A_64 : i32
    %sign3A_66 = arith.extui %sign3A_65 : i1 to i32
    %sign3A_67 = arith.subi %sign3A_63, %sign3A_66 : i32
    %ne3A_68 = arith.cmpi ne, %sign3A_60, %sign3A_67 : i32
    %rem3A_69 = arith.remsi %add3A_51, %jit3A_52 : i32
    %ne3A_70 = arith.constant 0 : i32
    %ne3A_71 = arith.cmpi ne, %rem3A_69, %ne3A_70 : i32
    %and3A_72 = arith.andi %ne3A_68, %ne3A_71 : i1
    %sub3A_73 = arith.constant 1 : i32
    %sub3A_74 = arith.subi %div3A_53, %sub3A_73 : i32
    %select_n3A_75 = arith.select %and3A_72, %sub3A_74, %div3A_53 : i32
    %mul3A_76 = arith.constant 128 : i32
    %mul3A_77 = arith.muli %select_n3A_75, %mul3A_76 : i32
    %sc_fetch_and_add3A = arith.constant 0 : i32
    %sc_fetch_and_add3A_78 = arith.constant 0 : i32
    %sc_fetch_and_add3A_79 = tpu.fetch_and_add_sync %arg23[%sc_fetch_and_add3A], %mul3A_49, %sc_fetch_and_add3A_78 : memref<2xi32, #tpu.memory_space<smem>>, i32 -> i32
    %sc_fetch_and_add3A_80 = arith.constant 1 : i32
    %sc_fetch_and_add3A_81 = arith.constant 0 : i32
    %sc_fetch_and_add3A_82 = tpu.fetch_and_add_sync %arg23[%sc_fetch_and_add3A_80], %mul3A_77, %sc_fetch_and_add3A_81 : memref<2xi32, #tpu.memory_space<smem>>, i32 -> i32
    %barrier3A_83 = arith.constant 0 : index
    tpu.barrier barrier_id(%barrier3A_83)
    %eq3A_84 = arith.constant 0 : i32
    %eq3A_85 = arith.cmpi eq, %arg1, %eq3A_84 : i32
    %convert_element_type3A_86 = arith.extui %eq3A_85 : i1 to i32
    %cond3A_87 = arith.constant 0 : i32
    %cond3A_88 = arith.cmpi ne, %convert_element_type3A_86, %cond3A_87 : i32
    scf.if %cond3A_88 {
      %get3A = arith.constant 0 : i32
      %get3A_270 = arith.index_cast %get3A : i32 to index
      %get3A_271 = memref.load %arg23[%get3A_270] : memref<2xi32, #tpu.memory_space<smem>>
      %get3A_272 = arith.constant 1 : i32
      %get3A_273 = arith.index_cast %get3A_272 : i32 to index
      %get3A_274 = memref.load %arg23[%get3A_273] : memref<2xi32, #tpu.memory_space<smem>>
      %eq3A_275 = arith.constant 0 : i32
      %eq3A_276 = vector.broadcast %eq3A_275 : i32 to vector<16xi32>
      %eq3A_277 = arith.cmpi eq, %iota3A, %eq3A_276 : vector<16xi32>
      %eq3A_278 = arith.constant 1 : i32
      %eq3A_279 = vector.broadcast %eq3A_278 : i32 to vector<16xi32>
      %eq3A_280 = arith.cmpi eq, %iota3A, %eq3A_279 : vector<16xi32>
      %jit3A_281 = arith.constant 0 : i32
      %broadcast_in_dim3A_282 = vector.broadcast %get3A_274 : i32 to vector<16xi32>
      %broadcast_in_dim3A_283 = vector.broadcast %jit3A_281 : i32 to vector<16xi32>
      %select_n3A_284 = arith.select %eq3A_280, %broadcast_in_dim3A_282, %broadcast_in_dim3A_283 : vector<16xi1>, vector<16xi32>
      %broadcast_in_dim3A_285 = vector.broadcast %get3A_271 : i32 to vector<16xi32>
      %select_n3A_286 = arith.select %eq3A_277, %broadcast_in_dim3A_285, %select_n3A_284 : vector<16xi1>, vector<16xi32>
      %swap3A = arith.constant 0 : index
      %swap3A_287 = tpu.vector_load %arg21[%swap3A] {strides = array<i32>} : memref<16xi32, #tpu.memory_space<vmem>>, vector<16xi32>,
      tpu.vector_store %arg21[%swap3A], %select_n3A_286 {strides = array<i32>} : memref<16xi32, #tpu.memory_space<vmem>>, vector<16xi32>,
      %mul3A_288 = arith.constant 16 : i32
      %mul3A_289 = arith.muli %arg0, %mul3A_288 : i32
      %multiple_of3A_290 = tpu.assume_multiple %mul3A_289, 16 : i32
      "tpu.region"() ({
        %run_scoped3A = tpu.sem_alloc : memref<!tpu.dma_semaphore, #tpu.memory_space<semaphore_mem>>
        %dma_start3A = tpu.memref_slice %arg11[%multiple_of3A_290] : memref<32xi32, #tpu.memory_space<hbm>> -> memref<16xi32, #tpu.memory_space<hbm>>
        %dma_start3A_291 = tpu.memref_slice %arg11[%multiple_of3A_290] : memref<32xi32, #tpu.memory_space<hbm>> -> memref<16xi32, #tpu.memory_space<hbm>>
        tpu.enqueue_dma source(%arg21 : memref<16xi32, #tpu.memory_space<vmem>>) target(%dma_start3A_291 : memref<16xi32, #tpu.memory_space<hbm>>) target_semaphore(%run_scoped3A : memref<!tpu.dma_semaphore, #tpu.memory_space<semaphore_mem>>)
        %dma_wait3A = tpu.memref_slice %arg11[%multiple_of3A_290] : memref<32xi32, #tpu.memory_space<hbm>> -> memref<16xi32, #tpu.memory_space<hbm>>
        %dma_wait3A_292 = tpu.memref_slice %arg11[%multiple_of3A_290] : memref<32xi32, #tpu.memory_space<hbm>> -> memref<16xi32, #tpu.memory_space<hbm>>
        tpu.wait_dma2 semaphore(%run_scoped3A : memref<!tpu.dma_semaphore, #tpu.memory_space<semaphore_mem>>) src(%arg21 : memref<16xi32, #tpu.memory_space<vmem>>) dst(%dma_wait3A_292 : memref<16xi32, #tpu.memory_space<hbm>>)
        tpu.yield
      }) : () -> ()
    } else {
    }
    %scan3A_89 = arith.constant 0 : i32
    %scan3A_90 = arith.constant 0 : i32
    %scan3A_91 = arith.constant 8 : i32
    %scan3A_92 = arith.addi %scan3A_90, %scan3A_91 : i32
    %scan3A_93 = arith.constant 1 : i32
    %scan3A_94 = scf.for %scan3A_270 = %scan3A_90 to %scan3A_92 step %scan3A_93 iter_args(%scan3A_271 = %scan3A_89) -> (i32)  : i32 {
      %mul3A_272 = arith.constant 16 : i32
      %mul3A_273 = arith.muli %scan3A_270, %mul3A_272 : i32
      %add3A_274 = arith.addi %scan3A_27#0, %mul3A_273 : i32
      %add3A_275 = vector.broadcast %add3A_274 : i32 to vector<16xi32>
      %add3A_276 = arith.addi %add3A_275, %iota3A : vector<16xi32>
      %lt3A = vector.broadcast %mul3A_49 : i32 to vector<16xi32>
      %lt3A_277 = arith.cmpi slt, %add3A_276, %lt3A : vector<16xi32>
      tpu.vector_store_idx %arg15[%add3A_276], %broadcast_in_dim3A_9 masked %lt3A_277 : memref<5120xi32, #tpu.memory_space<vmem>>[vector<16xi32>], vector<16xi32>, vector<16xi1>
      %scan3A_278 = arith.constant 0 : i32
      scf.yield %scan3A_278 : i32
    }
    %scan3A_95 = arith.constant 8 : i32
    %jit3A_96 = arith.constant 16 : i32
    %div3A_97 = arith.divsi %mul3A_49, %jit3A_96 : i32
    %sign3A_98 = arith.constant 0 : i32
    %sign3A_99 = arith.cmpi sgt, %mul3A_49, %sign3A_98 : i32
    %sign3A_100 = arith.extui %sign3A_99 : i1 to i32
    %sign3A_101 = arith.constant 0 : i32
    %sign3A_102 = arith.cmpi slt, %mul3A_49, %sign3A_101 : i32
    %sign3A_103 = arith.extui %sign3A_102 : i1 to i32
    %sign3A_104 = arith.subi %sign3A_100, %sign3A_103 : i32
    %sign3A_105 = arith.constant 0 : i32
    %sign3A_106 = arith.cmpi sgt, %jit3A_96, %sign3A_105 : i32
    %sign3A_107 = arith.extui %sign3A_106 : i1 to i32
    %sign3A_108 = arith.constant 0 : i32
    %sign3A_109 = arith.cmpi slt, %jit3A_96, %sign3A_108 : i32
    %sign3A_110 = arith.extui %sign3A_109 : i1 to i32
    %sign3A_111 = arith.subi %sign3A_107, %sign3A_110 : i32
    %ne3A_112 = arith.cmpi ne, %sign3A_104, %sign3A_111 : i32
    %rem3A_113 = arith.remsi %mul3A_49, %jit3A_96 : i32
    %ne3A_114 = arith.constant 0 : i32
    %ne3A_115 = arith.cmpi ne, %rem3A_113, %ne3A_114 : i32
    %and3A_116 = arith.andi %ne3A_112, %ne3A_115 : i1
    %sub3A_117 = arith.constant 1 : i32
    %sub3A_118 = arith.subi %div3A_97, %sub3A_117 : i32
    %select_n3A_119 = arith.select %and3A_116, %sub3A_118, %div3A_97 : i32
    %while3A = arith.constant 0 : i32
    %while3A_120 = arith.constant 0 : i32
    %while3A_121 = arith.subi %select_n3A_119, %while3A : i32
    %while3A_122 = arith.addi %while3A, %while3A_121 : i32
    %while3A_123 = arith.constant 1 : i32
    %while3A_124 = arith.divsi %while3A_121, %while3A_123 : i32
    %while3A_125 = arith.muli %while3A_124, %while3A_123 : i32
    %while3A_126 = arith.addi %while3A, %while3A_125 : i32
    %while3A_127 = arith.constant 1 : i32
    %while3A_128 = scf.for %while3A_270 = %while3A to %while3A_126 step %while3A_127 iter_args(%while3A_271 = %while3A_120) -> (i32)  : i32 {
      %mul3A_272 = arith.constant 16 : i32
      %mul3A_273 = arith.muli %while3A_270, %mul3A_272 : i32
      %get3A = arith.index_cast %mul3A_273 : i32 to index
      %get3A_274 = tpu.vector_load %arg15[%get3A] {strides = array<i32>} : memref<5120xi32, #tpu.memory_space<vmem>>, vector<16xi32>,
      %sub3A_275 = arith.subi %get3A_274, %broadcast_in_dim3A_9 : vector<16xi32>
      %gather3A = tpu.vector_load_idx %arg14[%sub3A_275] : memref<10000xi32, #tpu.memory_space<vmem>>[vector<16xi32>], vector<16xi32>,
      %mul3A_276 = arith.constant 16 : i32
      %mul3A_277 = arith.muli %while3A_270, %mul3A_276 : i32
      %swap3A = arith.index_cast %mul3A_277 : i32 to index
      %swap3A_278 = tpu.vector_load %arg17[%swap3A] {strides = array<i32>} : memref<5120xi32, #tpu.memory_space<vmem>>, vector<16xi32>,
      tpu.vector_store %arg17[%swap3A], %gather3A {strides = array<i32>} : memref<5120xi32, #tpu.memory_space<vmem>>, vector<16xi32>,
      %gather3A_279 = tpu.vector_load_idx %arg13[%sub3A_275] : memref<10000xi32, #tpu.memory_space<vmem>>[vector<16xi32>], vector<16xi32>,
      %mul3A_280 = arith.constant 16 : i32
      %mul3A_281 = arith.muli %while3A_270, %mul3A_280 : i32
      %swap3A_282 = arith.index_cast %mul3A_281 : i32 to index
      %swap3A_283 = tpu.vector_load %arg18[%swap3A_282] {strides = array<i32>} : memref<5120xi32, #tpu.memory_space<vmem>>, vector<16xi32>,
      tpu.vector_store %arg18[%swap3A_282], %gather3A_279 {strides = array<i32>} : memref<5120xi32, #tpu.memory_space<vmem>>, vector<16xi32>,
      %shift_right_arithmetic3A = arith.constant 1 : i32
      %shift_right_arithmetic3A_284 = vector.broadcast %shift_right_arithmetic3A : i32 to vector<16xi32>
      %shift_right_arithmetic3A_285 = arith.shrsi %get3A_274, %shift_right_arithmetic3A_284 : vector<16xi32>
      %mul3A_286 = arith.constant 16 : i32
      %mul3A_287 = arith.muli %while3A_270, %mul3A_286 : i32
      %swap3A_288 = arith.index_cast %mul3A_287 : i32 to index
      %swap3A_289 = tpu.vector_load %arg19[%swap3A_288] {strides = array<i32>} : memref<5120xi32, #tpu.memory_space<vmem>>, vector<16xi32>,
      tpu.vector_store %arg19[%swap3A_288], %shift_right_arithmetic3A_285 {strides = array<i32>} : memref<5120xi32, #tpu.memory_space<vmem>>, vector<16xi32>,
      %while3A_290 = arith.constant 0 : i32
      scf.yield %while3A_290 : i32
    }
    %while3A_129 = arith.constant 1 : i32
    %while3A_130 = scf.for %while3A_270 = %while3A_126 to %while3A_122 step %while3A_129 iter_args(%while3A_271 = %while3A_128) -> (i32)  : i32 {
      %mul3A_272 = arith.constant 16 : i32
      %mul3A_273 = arith.muli %while3A_270, %mul3A_272 : i32
      %get3A = arith.index_cast %mul3A_273 : i32 to index
      %get3A_274 = tpu.vector_load %arg15[%get3A] {strides = array<i32>} : memref<5120xi32, #tpu.memory_space<vmem>>, vector<16xi32>,
      %sub3A_275 = arith.subi %get3A_274, %broadcast_in_dim3A_9 : vector<16xi32>
      %gather3A = tpu.vector_load_idx %arg14[%sub3A_275] : memref<10000xi32, #tpu.memory_space<vmem>>[vector<16xi32>], vector<16xi32>,
      %mul3A_276 = arith.constant 16 : i32
      %mul3A_277 = arith.muli %while3A_270, %mul3A_276 : i32
      %swap3A = arith.index_cast %mul3A_277 : i32 to index
      %swap3A_278 = tpu.vector_load %arg17[%swap3A] {strides = array<i32>} : memref<5120xi32, #tpu.memory_space<vmem>>, vector<16xi32>,
      tpu.vector_store %arg17[%swap3A], %gather3A {strides = array<i32>} : memref<5120xi32, #tpu.memory_space<vmem>>, vector<16xi32>,
      %gather3A_279 = tpu.vector_load_idx %arg13[%sub3A_275] : memref<10000xi32, #tpu.memory_space<vmem>>[vector<16xi32>], vector<16xi32>,
      %mul3A_280 = arith.constant 16 : i32
      %mul3A_281 = arith.muli %while3A_270, %mul3A_280 : i32
      %swap3A_282 = arith.index_cast %mul3A_281 : i32 to index
      %swap3A_283 = tpu.vector_load %arg18[%swap3A_282] {strides = array<i32>} : memref<5120xi32, #tpu.memory_space<vmem>>, vector<16xi32>,
      tpu.vector_store %arg18[%swap3A_282], %gather3A_279 {strides = array<i32>} : memref<5120xi32, #tpu.memory_space<vmem>>, vector<16xi32>,
      %shift_right_arithmetic3A = arith.constant 1 : i32
      %shift_right_arithmetic3A_284 = vector.broadcast %shift_right_arithmetic3A : i32 to vector<16xi32>
      %shift_right_arithmetic3A_285 = arith.shrsi %get3A_274, %shift_right_arithmetic3A_284 : vector<16xi32>
      %mul3A_286 = arith.constant 16 : i32
      %mul3A_287 = arith.muli %while3A_270, %mul3A_286 : i32
      %swap3A_288 = arith.index_cast %mul3A_287 : i32 to index
      %swap3A_289 = tpu.vector_load %arg19[%swap3A_288] {strides = array<i32>} : memref<5120xi32, #tpu.memory_space<vmem>>, vector<16xi32>,
      tpu.vector_store %arg19[%swap3A_288], %shift_right_arithmetic3A_285 {strides = array<i32>} : memref<5120xi32, #tpu.memory_space<vmem>>, vector<16xi32>,
      %while3A_290 = arith.constant 0 : i32
      scf.yield %while3A_290 : i32
    }
    %scan3A_131 = arith.constant 0 : i32
    %scan3A_132 = arith.constant 0 : i32
    %scan3A_133 = arith.constant 8 : i32
    %scan3A_134 = arith.addi %scan3A_132, %scan3A_133 : i32
    %scan3A_135 = arith.constant 1 : i32
    %scan3A_136 = scf.for %scan3A_270 = %scan3A_132 to %scan3A_134 step %scan3A_135 iter_args(%scan3A_271 = %scan3A_131) -> (i32)  : i32 {
      %mul3A_272 = arith.constant 16 : i32
      %mul3A_273 = arith.muli %scan3A_270, %mul3A_272 : i32
      %add3A_274 = arith.addi %scan3A_27#0, %mul3A_273 : i32
      %add3A_275 = vector.broadcast %add3A_274 : i32 to vector<16xi32>
      %add3A_276 = arith.addi %add3A_275, %iota3A : vector<16xi32>
      %lt3A = vector.broadcast %mul3A_49 : i32 to vector<16xi32>
      %lt3A_277 = arith.cmpi slt, %add3A_276, %lt3A : vector<16xi32>
      tpu.vector_store_idx %arg18[%add3A_276], %broadcast_in_dim3A_8 masked %lt3A_277 : memref<5120xi32, #tpu.memory_space<vmem>>[vector<16xi32>], vector<16xi32>, vector<16xi1>
      %scan3A_278 = arith.constant 0 : i32
      scf.yield %scan3A_278 : i32
    }
    %scan3A_137 = arith.constant 8 : i32
    %jit3A_138 = arith.constant 128 : i32
    %div3A_139 = arith.divsi %mul3A_49, %jit3A_138 : i32
    %sign3A_140 = arith.constant 0 : i32
    %sign3A_141 = arith.cmpi sgt, %mul3A_49, %sign3A_140 : i32
    %sign3A_142 = arith.extui %sign3A_141 : i1 to i32
    %sign3A_143 = arith.constant 0 : i32
    %sign3A_144 = arith.cmpi slt, %mul3A_49, %sign3A_143 : i32
    %sign3A_145 = arith.extui %sign3A_144 : i1 to i32
    %sign3A_146 = arith.subi %sign3A_142, %sign3A_145 : i32
    %sign3A_147 = arith.constant 0 : i32
    %sign3A_148 = arith.cmpi sgt, %jit3A_138, %sign3A_147 : i32
    %sign3A_149 = arith.extui %sign3A_148 : i1 to i32
    %sign3A_150 = arith.constant 0 : i32
    %sign3A_151 = arith.cmpi slt, %jit3A_138, %sign3A_150 : i32
    %sign3A_152 = arith.extui %sign3A_151 : i1 to i32
    %sign3A_153 = arith.subi %sign3A_149, %sign3A_152 : i32
    %ne3A_154 = arith.cmpi ne, %sign3A_146, %sign3A_153 : i32
    %rem3A_155 = arith.remsi %mul3A_49, %jit3A_138 : i32
    %ne3A_156 = arith.constant 0 : i32
    %ne3A_157 = arith.cmpi ne, %rem3A_155, %ne3A_156 : i32
    %and3A_158 = arith.andi %ne3A_154, %ne3A_157 : i1
    %sub3A_159 = arith.constant 1 : i32
    %sub3A_160 = arith.subi %div3A_139, %sub3A_159 : i32
    %select_n3A_161 = arith.select %and3A_158, %sub3A_160, %div3A_139 : i32
    %while3A_162 = arith.constant 0 : i32
    %while3A_163 = arith.constant 0 : i32
    %while3A_164 = arith.subi %select_n3A_161, %while3A_162 : i32
    %while3A_165 = arith.addi %while3A_162, %while3A_164 : i32
    %while3A_166 = arith.constant 1 : i32
    %while3A_167 = arith.divsi %while3A_164, %while3A_166 : i32
    %while3A_168 = arith.muli %while3A_167, %while3A_166 : i32
    %while3A_169 = arith.addi %while3A_162, %while3A_168 : i32
    %while3A_170 = arith.constant 1 : i32
    %while3A_171 = scf.for %while3A_270 = %while3A_162 to %while3A_169 step %while3A_170 iter_args(%while3A_271 = %while3A_163) -> (i32)  : i32 {
      %mul3A_272 = arith.constant 128 : i32
      %mul3A_273 = arith.muli %while3A_270, %mul3A_272 : i32
      %add3A_274 = arith.addi %sc_fetch_and_add3A_79, %mul3A_273 : i32
      %multiple_of3A_275 = tpu.assume_multiple %add3A_274, 128 : i32
      %mul3A_276 = arith.constant 163840 : i32
      %mul3A_277 = arith.muli %arg0, %mul3A_276 : i32
      %add3A_278 = arith.addi %mul3A_277, %multiple_of3A_275 : i32
      %multiple_of3A_279 = tpu.assume_multiple %add3A_278, 128 : i32
      %mul3A_280 = arith.constant 128 : i32
      %mul3A_281 = arith.muli %while3A_270, %mul3A_280 : i32
      "tpu.region"() ({
        %run_scoped3A = tpu.sem_alloc : memref<!tpu.dma_semaphore, #tpu.memory_space<semaphore_mem>>
        %dma_start3A_293 = tpu.memref_slice %arg18[%mul3A_281] : memref<5120xi32, #tpu.memory_space<vmem>> -> memref<128xi32, #tpu.memory_space<vmem>>
        %dma_start3A_294 = tpu.memref_slice %arg7[%multiple_of3A_279] : memref<327680xi32, #tpu.memory_space<hbm>> -> memref<128xi32, #tpu.memory_space<hbm>>
        %dma_start3A_295 = tpu.memref_slice %arg7[%multiple_of3A_279] : memref<327680xi32, #tpu.memory_space<hbm>> -> memref<128xi32, #tpu.memory_space<hbm>>
        %dma_start3A_296 = tpu.memref_slice %arg18[%mul3A_281] : memref<5120xi32, #tpu.memory_space<vmem>> -> memref<128xi32, #tpu.memory_space<vmem>>
        tpu.enqueue_dma source(%dma_start3A_296 : memref<128xi32, #tpu.memory_space<vmem>>) target(%dma_start3A_295 : memref<128xi32, #tpu.memory_space<hbm>>) target_semaphore(%run_scoped3A : memref<!tpu.dma_semaphore, #tpu.memory_space<semaphore_mem>>)
        %dma_wait3A_297 = tpu.memref_slice %arg18[%mul3A_281] : memref<5120xi32, #tpu.memory_space<vmem>> -> memref<128xi32, #tpu.memory_space<vmem>>
        %dma_wait3A_298 = tpu.memref_slice %arg7[%multiple_of3A_279] : memref<327680xi32, #tpu.memory_space<hbm>> -> memref<128xi32, #tpu.memory_space<hbm>>
        %dma_wait3A_299 = tpu.memref_slice %arg7[%multiple_of3A_279] : memref<327680xi32, #tpu.memory_space<hbm>> -> memref<128xi32, #tpu.memory_space<hbm>>
        %dma_wait3A_300 = tpu.memref_slice %arg18[%mul3A_281] : memref<5120xi32, #tpu.memory_space<vmem>> -> memref<128xi32, #tpu.memory_space<vmem>>
        tpu.wait_dma2 semaphore(%run_scoped3A : memref<!tpu.dma_semaphore, #tpu.memory_space<semaphore_mem>>) src(%dma_wait3A_300 : memref<128xi32, #tpu.memory_space<vmem>>) dst(%dma_wait3A_299 : memref<128xi32, #tpu.memory_space<hbm>>)
        tpu.yield
      }) : () -> ()
      %mul3A_282 = arith.constant 128 : i32
      %mul3A_283 = arith.muli %while3A_270, %mul3A_282 : i32
      "tpu.region"() ({
        %run_scoped3A = tpu.sem_alloc : memref<!tpu.dma_semaphore, #tpu.memory_space<semaphore_mem>>
        %dma_start3A_293 = tpu.memref_slice %arg19[%mul3A_283] : memref<5120xi32, #tpu.memory_space<vmem>> -> memref<128xi32, #tpu.memory_space<vmem>>
        %dma_start3A_294 = tpu.memref_slice %arg9[%multiple_of3A_279] : memref<327680xi32, #tpu.memory_space<hbm>> -> memref<128xi32, #tpu.memory_space<hbm>>
        %dma_start3A_295 = tpu.memref_slice %arg9[%multiple_of3A_279] : memref<327680xi32, #tpu.memory_space<hbm>> -> memref<128xi32, #tpu.memory_space<hbm>>
        %dma_start3A_296 = tpu.memref_slice %arg19[%mul3A_283] : memref<5120xi32, #tpu.memory_space<vmem>> -> memref<128xi32, #tpu.memory_space<vmem>>
        tpu.enqueue_dma source(%dma_start3A_296 : memref<128xi32, #tpu.memory_space<vmem>>) target(%dma_start3A_295 : memref<128xi32, #tpu.memory_space<hbm>>) target_semaphore(%run_scoped3A : memref<!tpu.dma_semaphore, #tpu.memory_space<semaphore_mem>>)
        %dma_wait3A_297 = tpu.memref_slice %arg19[%mul3A_283] : memref<5120xi32, #tpu.memory_space<vmem>> -> memref<128xi32, #tpu.memory_space<vmem>>
        %dma_wait3A_298 = tpu.memref_slice %arg9[%multiple_of3A_279] : memref<327680xi32, #tpu.memory_space<hbm>> -> memref<128xi32, #tpu.memory_space<hbm>>
        %dma_wait3A_299 = tpu.memref_slice %arg9[%multiple_of3A_279] : memref<327680xi32, #tpu.memory_space<hbm>> -> memref<128xi32, #tpu.memory_space<hbm>>
        %dma_wait3A_300 = tpu.memref_slice %arg19[%mul3A_283] : memref<5120xi32, #tpu.memory_space<vmem>> -> memref<128xi32, #tpu.memory_space<vmem>>
        tpu.wait_dma2 semaphore(%run_scoped3A : memref<!tpu.dma_semaphore, #tpu.memory_space<semaphore_mem>>) src(%dma_wait3A_300 : memref<128xi32, #tpu.memory_space<vmem>>) dst(%dma_wait3A_299 : memref<128xi32, #tpu.memory_space<hbm>>)
        tpu.yield
      }) : () -> ()
      %mul3A_284 = arith.constant 128 : i32
      %mul3A_285 = arith.muli %while3A_270, %mul3A_284 : i32
      %dma_start3A = tpu.memref_slice %arg17[%mul3A_285] : memref<5120xi32, #tpu.memory_space<vmem>> -> memref<128xi32, #tpu.memory_space<vmem>>
      %dma_start3A_286 = arith.constant 0 : i32
      %dma_start3A_287 = arith.constant 0 : i32
      %dma_start3A_288 = tpu.memref_slice %arg5[%dma_start3A_286, %dma_start3A_287] : memref<10000x128xf32, #tpu.memory_space<hbm>> -> memref<10000x128xf32, #tpu.memory_space<hbm>>
      tpu.enqueue_indirect_dma source(%dma_start3A_288 : memref<10000x128xf32, #tpu.memory_space<hbm>>) target(%arg22 : memref<128x128xf32, #tpu.memory_space<vmem>>) offsets(%dma_start3A : memref<128xi32, #tpu.memory_space<vmem>>) semaphore(%arg24 : memref<!tpu.dma_semaphore, #tpu.memory_space<semaphore_mem>>)
      %dma_wait3A = tpu.memref_slice %arg17[%mul3A_285] : memref<5120xi32, #tpu.memory_space<vmem>> -> memref<128xi32, #tpu.memory_space<vmem>>
      %dma_wait3A_289 = arith.constant 0 : i32
      %dma_wait3A_290 = arith.constant 0 : i32
      %dma_wait3A_291 = tpu.memref_slice %arg5[%dma_wait3A_289, %dma_wait3A_290] : memref<10000x128xf32, #tpu.memory_space<hbm>> -> memref<10000x128xf32, #tpu.memory_space<hbm>>
      tpu.wait_indirect_dma semaphore(%arg24 : memref<!tpu.dma_semaphore, #tpu.memory_space<semaphore_mem>>) src(%dma_wait3A_291 : memref<10000x128xf32, #tpu.memory_space<hbm>>) dst(%arg22 : memref<128x128xf32, #tpu.memory_space<vmem>>)
      "tpu.region"() ({
        %run_scoped3A = tpu.sem_alloc : memref<!tpu.dma_semaphore, #tpu.memory_space<semaphore_mem>>
        %dma_start3A_293 = arith.constant 0 : i32
        %dma_start3A_294 = tpu.memref_slice %arg8[%arg0, %multiple_of3A_275, %dma_start3A_293] : memref<2x163840x128xf32, #tpu.memory_space<hbm>> -> memref<1x128x128xf32, #tpu.memory_space<hbm>>
        %dma_start3A_295 = tpu.memref_squeeze %dma_start3A_294 : memref<1x128x128xf32, #tpu.memory_space<hbm>> -> memref<128x128xf32, #tpu.memory_space<hbm>>
        %dma_start3A_296 = arith.constant 0 : i32
        %dma_start3A_297 = tpu.memref_slice %arg8[%arg0, %multiple_of3A_275, %dma_start3A_296] : memref<2x163840x128xf32, #tpu.memory_space<hbm>> -> memref<1x128x128xf32, #tpu.memory_space<hbm>>
        %dma_start3A_298 = tpu.memref_squeeze %dma_start3A_297 : memref<1x128x128xf32, #tpu.memory_space<hbm>> -> memref<128x128xf32, #tpu.memory_space<hbm>>
        tpu.enqueue_dma source(%arg22 : memref<128x128xf32, #tpu.memory_space<vmem>>) target(%dma_start3A_298 : memref<128x128xf32, #tpu.memory_space<hbm>>) target_semaphore(%run_scoped3A : memref<!tpu.dma_semaphore, #tpu.memory_space<semaphore_mem>>)
        %dma_wait3A_299 = arith.constant 0 : i32
        %dma_wait3A_300 = tpu.memref_slice %arg8[%arg0, %multiple_of3A_275, %dma_wait3A_299] : memref<2x163840x128xf32, #tpu.memory_space<hbm>> -> memref<1x128x128xf32, #tpu.memory_space<hbm>>
        %dma_wait3A_301 = tpu.memref_squeeze %dma_wait3A_300 : memref<1x128x128xf32, #tpu.memory_space<hbm>> -> memref<128x128xf32, #tpu.memory_space<hbm>>
        %dma_wait3A_302 = arith.constant 0 : i32
        %dma_wait3A_303 = tpu.memref_slice %arg8[%arg0, %multiple_of3A_275, %dma_wait3A_302] : memref<2x163840x128xf32, #tpu.memory_space<hbm>> -> memref<1x128x128xf32, #tpu.memory_space<hbm>>
        %dma_wait3A_304 = tpu.memref_squeeze %dma_wait3A_303 : memref<1x128x128xf32, #tpu.memory_space<hbm>> -> memref<128x128xf32, #tpu.memory_space<hbm>>
        tpu.wait_dma2 semaphore(%run_scoped3A : memref<!tpu.dma_semaphore, #tpu.memory_space<semaphore_mem>>) src(%arg22 : memref<128x128xf32, #tpu.memory_space<vmem>>) dst(%dma_wait3A_304 : memref<128x128xf32, #tpu.memory_space<hbm>>)
        tpu.yield
      }) : () -> ()
      %while3A_292 = arith.constant 0 : i32
      scf.yield %while3A_292 : i32
    }
    %while3A_172 = arith.constant 1 : i32
    %while3A_173 = scf.for %while3A_270 = %while3A_169 to %while3A_165 step %while3A_172 iter_args(%while3A_271 = %while3A_171) -> (i32)  : i32 {
      %mul3A_272 = arith.constant 128 : i32
      %mul3A_273 = arith.muli %while3A_270, %mul3A_272 : i32
      %add3A_274 = arith.addi %sc_fetch_and_add3A_79, %mul3A_273 : i32
      %multiple_of3A_275 = tpu.assume_multiple %add3A_274, 128 : i32
      %mul3A_276 = arith.constant 163840 : i32
      %mul3A_277 = arith.muli %arg0, %mul3A_276 : i32
      %add3A_278 = arith.addi %mul3A_277, %multiple_of3A_275 : i32
      %multiple_of3A_279 = tpu.assume_multiple %add3A_278, 128 : i32
      %mul3A_280 = arith.constant 128 : i32
      %mul3A_281 = arith.muli %while3A_270, %mul3A_280 : i32
      "tpu.region"() ({
        %run_scoped3A = tpu.sem_alloc : memref<!tpu.dma_semaphore, #tpu.memory_space<semaphore_mem>>
        %dma_start3A_293 = tpu.memref_slice %arg18[%mul3A_281] : memref<5120xi32, #tpu.memory_space<vmem>> -> memref<128xi32, #tpu.memory_space<vmem>>
        %dma_start3A_294 = tpu.memref_slice %arg7[%multiple_of3A_279] : memref<327680xi32, #tpu.memory_space<hbm>> -> memref<128xi32, #tpu.memory_space<hbm>>
        %dma_start3A_295 = tpu.memref_slice %arg7[%multiple_of3A_279] : memref<327680xi32, #tpu.memory_space<hbm>> -> memref<128xi32, #tpu.memory_space<hbm>>
        %dma_start3A_296 = tpu.memref_slice %arg18[%mul3A_281] : memref<5120xi32, #tpu.memory_space<vmem>> -> memref<128xi32, #tpu.memory_space<vmem>>
        tpu.enqueue_dma source(%dma_start3A_296 : memref<128xi32, #tpu.memory_space<vmem>>) target(%dma_start3A_295 : memref<128xi32, #tpu.memory_space<hbm>>) target_semaphore(%run_scoped3A : memref<!tpu.dma_semaphore, #tpu.memory_space<semaphore_mem>>)
        %dma_wait3A_297 = tpu.memref_slice %arg18[%mul3A_281] : memref<5120xi32, #tpu.memory_space<vmem>> -> memref<128xi32, #tpu.memory_space<vmem>>
        %dma_wait3A_298 = tpu.memref_slice %arg7[%multiple_of3A_279] : memref<327680xi32, #tpu.memory_space<hbm>> -> memref<128xi32, #tpu.memory_space<hbm>>
        %dma_wait3A_299 = tpu.memref_slice %arg7[%multiple_of3A_279] : memref<327680xi32, #tpu.memory_space<hbm>> -> memref<128xi32, #tpu.memory_space<hbm>>
        %dma_wait3A_300 = tpu.memref_slice %arg18[%mul3A_281] : memref<5120xi32, #tpu.memory_space<vmem>> -> memref<128xi32, #tpu.memory_space<vmem>>
        tpu.wait_dma2 semaphore(%run_scoped3A : memref<!tpu.dma_semaphore, #tpu.memory_space<semaphore_mem>>) src(%dma_wait3A_300 : memref<128xi32, #tpu.memory_space<vmem>>) dst(%dma_wait3A_299 : memref<128xi32, #tpu.memory_space<hbm>>)
        tpu.yield
      }) : () -> ()
      %mul3A_282 = arith.constant 128 : i32
      %mul3A_283 = arith.muli %while3A_270, %mul3A_282 : i32
      "tpu.region"() ({
        %run_scoped3A = tpu.sem_alloc : memref<!tpu.dma_semaphore, #tpu.memory_space<semaphore_mem>>
        %dma_start3A_293 = tpu.memref_slice %arg19[%mul3A_283] : memref<5120xi32, #tpu.memory_space<vmem>> -> memref<128xi32, #tpu.memory_space<vmem>>
        %dma_start3A_294 = tpu.memref_slice %arg9[%multiple_of3A_279] : memref<327680xi32, #tpu.memory_space<hbm>> -> memref<128xi32, #tpu.memory_space<hbm>>
        %dma_start3A_295 = tpu.memref_slice %arg9[%multiple_of3A_279] : memref<327680xi32, #tpu.memory_space<hbm>> -> memref<128xi32, #tpu.memory_space<hbm>>
        %dma_start3A_296 = tpu.memref_slice %arg19[%mul3A_283] : memref<5120xi32, #tpu.memory_space<vmem>> -> memref<128xi32, #tpu.memory_space<vmem>>
        tpu.enqueue_dma source(%dma_start3A_296 : memref<128xi32, #tpu.memory_space<vmem>>) target(%dma_start3A_295 : memref<128xi32, #tpu.memory_space<hbm>>) target_semaphore(%run_scoped3A : memref<!tpu.dma_semaphore, #tpu.memory_space<semaphore_mem>>)
        %dma_wait3A_297 = tpu.memref_slice %arg19[%mul3A_283] : memref<5120xi32, #tpu.memory_space<vmem>> -> memref<128xi32, #tpu.memory_space<vmem>>
        %dma_wait3A_298 = tpu.memref_slice %arg9[%multiple_of3A_279] : memref<327680xi32, #tpu.memory_space<hbm>> -> memref<128xi32, #tpu.memory_space<hbm>>
        %dma_wait3A_299 = tpu.memref_slice %arg9[%multiple_of3A_279] : memref<327680xi32, #tpu.memory_space<hbm>> -> memref<128xi32, #tpu.memory_space<hbm>>
        %dma_wait3A_300 = tpu.memref_slice %arg19[%mul3A_283] : memref<5120xi32, #tpu.memory_space<vmem>> -> memref<128xi32, #tpu.memory_space<vmem>>
        tpu.wait_dma2 semaphore(%run_scoped3A : memref<!tpu.dma_semaphore, #tpu.memory_space<semaphore_mem>>) src(%dma_wait3A_300 : memref<128xi32, #tpu.memory_space<vmem>>) dst(%dma_wait3A_299 : memref<128xi32, #tpu.memory_space<hbm>>)
        tpu.yield
      }) : () -> ()
      %mul3A_284 = arith.constant 128 : i32
      %mul3A_285 = arith.muli %while3A_270, %mul3A_284 : i32
      %dma_start3A = tpu.memref_slice %arg17[%mul3A_285] : memref<5120xi32, #tpu.memory_space<vmem>> -> memref<128xi32, #tpu.memory_space<vmem>>
      %dma_start3A_286 = arith.constant 0 : i32
      %dma_start3A_287 = arith.constant 0 : i32
      %dma_start3A_288 = tpu.memref_slice %arg5[%dma_start3A_286, %dma_start3A_287] : memref<10000x128xf32, #tpu.memory_space<hbm>> -> memref<10000x128xf32, #tpu.memory_space<hbm>>
      tpu.enqueue_indirect_dma source(%dma_start3A_288 : memref<10000x128xf32, #tpu.memory_space<hbm>>) target(%arg22 : memref<128x128xf32, #tpu.memory_space<vmem>>) offsets(%dma_start3A : memref<128xi32, #tpu.memory_space<vmem>>) semaphore(%arg24 : memref<!tpu.dma_semaphore, #tpu.memory_space<semaphore_mem>>)
      %dma_wait3A = tpu.memref_slice %arg17[%mul3A_285] : memref<5120xi32, #tpu.memory_space<vmem>> -> memref<128xi32, #tpu.memory_space<vmem>>
      %dma_wait3A_289 = arith.constant 0 : i32
      %dma_wait3A_290 = arith.constant 0 : i32
      %dma_wait3A_291 = tpu.memref_slice %arg5[%dma_wait3A_289, %dma_wait3A_290] : memref<10000x128xf32, #tpu.memory_space<hbm>> -> memref<10000x128xf32, #tpu.memory_space<hbm>>
      tpu.wait_indirect_dma semaphore(%arg24 : memref<!tpu.dma_semaphore, #tpu.memory_space<semaphore_mem>>) src(%dma_wait3A_291 : memref<10000x128xf32, #tpu.memory_space<hbm>>) dst(%arg22 : memref<128x128xf32, #tpu.memory_space<vmem>>)
      "tpu.region"() ({
        %run_scoped3A = tpu.sem_alloc : memref<!tpu.dma_semaphore, #tpu.memory_space<semaphore_mem>>
        %dma_start3A_293 = arith.constant 0 : i32
        %dma_start3A_294 = tpu.memref_slice %arg8[%arg0, %multiple_of3A_275, %dma_start3A_293] : memref<2x163840x128xf32, #tpu.memory_space<hbm>> -> memref<1x128x128xf32, #tpu.memory_space<hbm>>
        %dma_start3A_295 = tpu.memref_squeeze %dma_start3A_294 : memref<1x128x128xf32, #tpu.memory_space<hbm>> -> memref<128x128xf32, #tpu.memory_space<hbm>>
        %dma_start3A_296 = arith.constant 0 : i32
        %dma_start3A_297 = tpu.memref_slice %arg8[%arg0, %multiple_of3A_275, %dma_start3A_296] : memref<2x163840x128xf32, #tpu.memory_space<hbm>> -> memref<1x128x128xf32, #tpu.memory_space<hbm>>
        %dma_start3A_298 = tpu.memref_squeeze %dma_start3A_297 : memref<1x128x128xf32, #tpu.memory_space<hbm>> -> memref<128x128xf32, #tpu.memory_space<hbm>>
        tpu.enqueue_dma source(%arg22 : memref<128x128xf32, #tpu.memory_space<vmem>>) target(%dma_start3A_298 : memref<128x128xf32, #tpu.memory_space<hbm>>) target_semaphore(%run_scoped3A : memref<!tpu.dma_semaphore, #tpu.memory_space<semaphore_mem>>)
        %dma_wait3A_299 = arith.constant 0 : i32
        %dma_wait3A_300 = tpu.memref_slice %arg8[%arg0, %multiple_of3A_275, %dma_wait3A_299] : memref<2x163840x128xf32, #tpu.memory_space<hbm>> -> memref<1x128x128xf32, #tpu.memory_space<hbm>>
        %dma_wait3A_301 = tpu.memref_squeeze %dma_wait3A_300 : memref<1x128x128xf32, #tpu.memory_space<hbm>> -> memref<128x128xf32, #tpu.memory_space<hbm>>
        %dma_wait3A_302 = arith.constant 0 : i32
        %dma_wait3A_303 = tpu.memref_slice %arg8[%arg0, %multiple_of3A_275, %dma_wait3A_302] : memref<2x163840x128xf32, #tpu.memory_space<hbm>> -> memref<1x128x128xf32, #tpu.memory_space<hbm>>
        %dma_wait3A_304 = tpu.memref_squeeze %dma_wait3A_303 : memref<1x128x128xf32, #tpu.memory_space<hbm>> -> memref<128x128xf32, #tpu.memory_space<hbm>>
        tpu.wait_dma2 semaphore(%run_scoped3A : memref<!tpu.dma_semaphore, #tpu.memory_space<semaphore_mem>>) src(%arg22 : memref<128x128xf32, #tpu.memory_space<vmem>>) dst(%dma_wait3A_304 : memref<128x128xf32, #tpu.memory_space<hbm>>)
        tpu.yield
      }) : () -> ()
      %while3A_292 = arith.constant 0 : i32
      scf.yield %while3A_292 : i32
    }
    %add3A_174 = arith.constant 81920 : i32
    %add3A_175 = arith.addi %sc_fetch_and_add3A_82, %add3A_174 : i32
    %scan3A_176 = arith.constant 0 : i32
    %scan3A_177 = arith.constant 0 : i32
    %scan3A_178 = arith.constant 8 : i32
    %scan3A_179 = arith.addi %scan3A_177, %scan3A_178 : i32
    %scan3A_180 = arith.constant 1 : i32
    %scan3A_181 = scf.for %scan3A_270 = %scan3A_177 to %scan3A_179 step %scan3A_180 iter_args(%scan3A_271 = %scan3A_176) -> (i32)  : i32 {
      %mul3A_272 = arith.constant 16 : i32
      %mul3A_273 = arith.muli %scan3A_270, %mul3A_272 : i32
      %add3A_274 = arith.addi %scan3A_27#1, %mul3A_273 : i32
      %add3A_275 = vector.broadcast %add3A_274 : i32 to vector<16xi32>
      %add3A_276 = arith.addi %add3A_275, %iota3A : vector<16xi32>
      %lt3A = vector.broadcast %mul3A_77 : i32 to vector<16xi32>
      %lt3A_277 = arith.cmpi slt, %add3A_276, %lt3A : vector<16xi32>
      tpu.vector_store_idx %arg16[%add3A_276], %broadcast_in_dim3A_9 masked %lt3A_277 : memref<5120xi32, #tpu.memory_space<vmem>>[vector<16xi32>], vector<16xi32>, vector<16xi1>
      %scan3A_278 = arith.constant 0 : i32
      scf.yield %scan3A_278 : i32
    }
    %scan3A_182 = arith.constant 8 : i32
    %jit3A_183 = arith.constant 16 : i32
    %div3A_184 = arith.divsi %mul3A_77, %jit3A_183 : i32
    %sign3A_185 = arith.constant 0 : i32
    %sign3A_186 = arith.cmpi sgt, %mul3A_77, %sign3A_185 : i32
    %sign3A_187 = arith.extui %sign3A_186 : i1 to i32
    %sign3A_188 = arith.constant 0 : i32
    %sign3A_189 = arith.cmpi slt, %mul3A_77, %sign3A_188 : i32
    %sign3A_190 = arith.extui %sign3A_189 : i1 to i32
    %sign3A_191 = arith.subi %sign3A_187, %sign3A_190 : i32
    %sign3A_192 = arith.constant 0 : i32
    %sign3A_193 = arith.cmpi sgt, %jit3A_183, %sign3A_192 : i32
    %sign3A_194 = arith.extui %sign3A_193 : i1 to i32
    %sign3A_195 = arith.constant 0 : i32
    %sign3A_196 = arith.cmpi slt, %jit3A_183, %sign3A_195 : i32
    %sign3A_197 = arith.extui %sign3A_196 : i1 to i32
    %sign3A_198 = arith.subi %sign3A_194, %sign3A_197 : i32
    %ne3A_199 = arith.cmpi ne, %sign3A_191, %sign3A_198 : i32
    %rem3A_200 = arith.remsi %mul3A_77, %jit3A_183 : i32
    %ne3A_201 = arith.constant 0 : i32
    %ne3A_202 = arith.cmpi ne, %rem3A_200, %ne3A_201 : i32
    %and3A_203 = arith.andi %ne3A_199, %ne3A_202 : i1
    %sub3A_204 = arith.constant 1 : i32
    %sub3A_205 = arith.subi %div3A_184, %sub3A_204 : i32
    %select_n3A_206 = arith.select %and3A_203, %sub3A_205, %div3A_184 : i32
    %while3A_207 = arith.constant 0 : i32
    %while3A_208 = arith.constant 0 : i32
    %while3A_209 = arith.subi %select_n3A_206, %while3A_207 : i32
    %while3A_210 = arith.addi %while3A_207, %while3A_209 : i32
    %while3A_211 = arith.constant 1 : i32
    %while3A_212 = arith.divsi %while3A_209, %while3A_211 : i32
    %while3A_213 = arith.muli %while3A_212, %while3A_211 : i32
    %while3A_214 = arith.addi %while3A_207, %while3A_213 : i32
    %while3A_215 = arith.constant 1 : i32
    %while3A_216 = scf.for %while3A_270 = %while3A_207 to %while3A_214 step %while3A_215 iter_args(%while3A_271 = %while3A_208) -> (i32)  : i32 {
      %mul3A_272 = arith.constant 16 : i32
      %mul3A_273 = arith.muli %while3A_270, %mul3A_272 : i32
      %get3A = arith.index_cast %mul3A_273 : i32 to index
      %get3A_274 = tpu.vector_load %arg16[%get3A] {strides = array<i32>} : memref<5120xi32, #tpu.memory_space<vmem>>, vector<16xi32>,
      %sub3A_275 = arith.subi %get3A_274, %broadcast_in_dim3A_9 : vector<16xi32>
      %gather3A = tpu.vector_load_idx %arg14[%sub3A_275] : memref<10000xi32, #tpu.memory_space<vmem>>[vector<16xi32>], vector<16xi32>,
      %mul3A_276 = arith.constant 16 : i32
      %mul3A_277 = arith.muli %while3A_270, %mul3A_276 : i32
      %swap3A = arith.index_cast %mul3A_277 : i32 to index
      %swap3A_278 = tpu.vector_load %arg17[%swap3A] {strides = array<i32>} : memref<5120xi32, #tpu.memory_space<vmem>>, vector<16xi32>,
      tpu.vector_store %arg17[%swap3A], %gather3A {strides = array<i32>} : memref<5120xi32, #tpu.memory_space<vmem>>, vector<16xi32>,
      %gather3A_279 = tpu.vector_load_idx %arg13[%sub3A_275] : memref<10000xi32, #tpu.memory_space<vmem>>[vector<16xi32>], vector<16xi32>,
      %mul3A_280 = arith.constant 16 : i32
      %mul3A_281 = arith.muli %while3A_270, %mul3A_280 : i32
      %swap3A_282 = arith.index_cast %mul3A_281 : i32 to index
      %swap3A_283 = tpu.vector_load %arg18[%swap3A_282] {strides = array<i32>} : memref<5120xi32, #tpu.memory_space<vmem>>, vector<16xi32>,
      tpu.vector_store %arg18[%swap3A_282], %gather3A_279 {strides = array<i32>} : memref<5120xi32, #tpu.memory_space<vmem>>, vector<16xi32>,
      %shift_right_arithmetic3A = arith.constant 1 : i32
      %shift_right_arithmetic3A_284 = vector.broadcast %shift_right_arithmetic3A : i32 to vector<16xi32>
      %shift_right_arithmetic3A_285 = arith.shrsi %get3A_274, %shift_right_arithmetic3A_284 : vector<16xi32>
      %mul3A_286 = arith.constant 16 : i32
      %mul3A_287 = arith.muli %while3A_270, %mul3A_286 : i32
      %swap3A_288 = arith.index_cast %mul3A_287 : i32 to index
      %swap3A_289 = tpu.vector_load %arg19[%swap3A_288] {strides = array<i32>} : memref<5120xi32, #tpu.memory_space<vmem>>, vector<16xi32>,
      tpu.vector_store %arg19[%swap3A_288], %shift_right_arithmetic3A_285 {strides = array<i32>} : memref<5120xi32, #tpu.memory_space<vmem>>, vector<16xi32>,
      %while3A_290 = arith.constant 0 : i32
      scf.yield %while3A_290 : i32
    }
    %while3A_217 = arith.constant 1 : i32
    %while3A_218 = scf.for %while3A_270 = %while3A_214 to %while3A_210 step %while3A_217 iter_args(%while3A_271 = %while3A_216) -> (i32)  : i32 {
      %mul3A_272 = arith.constant 16 : i32
      %mul3A_273 = arith.muli %while3A_270, %mul3A_272 : i32
      %get3A = arith.index_cast %mul3A_273 : i32 to index
      %get3A_274 = tpu.vector_load %arg16[%get3A] {strides = array<i32>} : memref<5120xi32, #tpu.memory_space<vmem>>, vector<16xi32>,
      %sub3A_275 = arith.subi %get3A_274, %broadcast_in_dim3A_9 : vector<16xi32>
      %gather3A = tpu.vector_load_idx %arg14[%sub3A_275] : memref<10000xi32, #tpu.memory_space<vmem>>[vector<16xi32>], vector<16xi32>,
      %mul3A_276 = arith.constant 16 : i32
      %mul3A_277 = arith.muli %while3A_270, %mul3A_276 : i32
      %swap3A = arith.index_cast %mul3A_277 : i32 to index
      %swap3A_278 = tpu.vector_load %arg17[%swap3A] {strides = array<i32>} : memref<5120xi32, #tpu.memory_space<vmem>>, vector<16xi32>,
      tpu.vector_store %arg17[%swap3A], %gather3A {strides = array<i32>} : memref<5120xi32, #tpu.memory_space<vmem>>, vector<16xi32>,
      %gather3A_279 = tpu.vector_load_idx %arg13[%sub3A_275] : memref<10000xi32, #tpu.memory_space<vmem>>[vector<16xi32>], vector<16xi32>,
      %mul3A_280 = arith.constant 16 : i32
      %mul3A_281 = arith.muli %while3A_270, %mul3A_280 : i32
      %swap3A_282 = arith.index_cast %mul3A_281 : i32 to index
      %swap3A_283 = tpu.vector_load %arg18[%swap3A_282] {strides = array<i32>} : memref<5120xi32, #tpu.memory_space<vmem>>, vector<16xi32>,
      tpu.vector_store %arg18[%swap3A_282], %gather3A_279 {strides = array<i32>} : memref<5120xi32, #tpu.memory_space<vmem>>, vector<16xi32>,
      %shift_right_arithmetic3A = arith.constant 1 : i32
      %shift_right_arithmetic3A_284 = vector.broadcast %shift_right_arithmetic3A : i32 to vector<16xi32>
      %shift_right_arithmetic3A_285 = arith.shrsi %get3A_274, %shift_right_arithmetic3A_284 : vector<16xi32>
      %mul3A_286 = arith.constant 16 : i32
      %mul3A_287 = arith.muli %while3A_270, %mul3A_286 : i32
      %swap3A_288 = arith.index_cast %mul3A_287 : i32 to index
      %swap3A_289 = tpu.vector_load %arg19[%swap3A_288] {strides = array<i32>} : memref<5120xi32, #tpu.memory_space<vmem>>, vector<16xi32>,
      tpu.vector_store %arg19[%swap3A_288], %shift_right_arithmetic3A_285 {strides = array<i32>} : memref<5120xi32, #tpu.memory_space<vmem>>, vector<16xi32>,
      %while3A_290 = arith.constant 0 : i32
      scf.yield %while3A_290 : i32
    }
    %scan3A_219 = arith.constant 0 : i32
    %scan3A_220 = arith.constant 0 : i32
    %scan3A_221 = arith.constant 8 : i32
    %scan3A_222 = arith.addi %scan3A_220, %scan3A_221 : i32
    %scan3A_223 = arith.constant 1 : i32
    %scan3A_224 = scf.for %scan3A_270 = %scan3A_220 to %scan3A_222 step %scan3A_223 iter_args(%scan3A_271 = %scan3A_219) -> (i32)  : i32 {
      %mul3A_272 = arith.constant 16 : i32
      %mul3A_273 = arith.muli %scan3A_270, %mul3A_272 : i32
      %add3A_274 = arith.addi %scan3A_27#1, %mul3A_273 : i32
      %add3A_275 = vector.broadcast %add3A_274 : i32 to vector<16xi32>
      %add3A_276 = arith.addi %add3A_275, %iota3A : vector<16xi32>
      %lt3A = vector.broadcast %mul3A_77 : i32 to vector<16xi32>
      %lt3A_277 = arith.cmpi slt, %add3A_276, %lt3A : vector<16xi32>
      tpu.vector_store_idx %arg18[%add3A_276], %broadcast_in_dim3A_8 masked %lt3A_277 : memref<5120xi32, #tpu.memory_space<vmem>>[vector<16xi32>], vector<16xi32>, vector<16xi1>
      %scan3A_278 = arith.constant 0 : i32
      scf.yield %scan3A_278 : i32
    }
    %scan3A_225 = arith.constant 8 : i32
    %jit3A_226 = arith.constant 128 : i32
    %div3A_227 = arith.divsi %mul3A_77, %jit3A_226 : i32
    %sign3A_228 = arith.constant 0 : i32
    %sign3A_229 = arith.cmpi sgt, %mul3A_77, %sign3A_228 : i32
    %sign3A_230 = arith.extui %sign3A_229 : i1 to i32
    %sign3A_231 = arith.constant 0 : i32
    %sign3A_232 = arith.cmpi slt, %mul3A_77, %sign3A_231 : i32
    %sign3A_233 = arith.extui %sign3A_232 : i1 to i32
    %sign3A_234 = arith.subi %sign3A_230, %sign3A_233 : i32
    %sign3A_235 = arith.constant 0 : i32
    %sign3A_236 = arith.cmpi sgt, %jit3A_226, %sign3A_235 : i32
    %sign3A_237 = arith.extui %sign3A_236 : i1 to i32
    %sign3A_238 = arith.constant 0 : i32
    %sign3A_239 = arith.cmpi slt, %jit3A_226, %sign3A_238 : i32
    %sign3A_240 = arith.extui %sign3A_239 : i1 to i32
    %sign3A_241 = arith.subi %sign3A_237, %sign3A_240 : i32
    %ne3A_242 = arith.cmpi ne, %sign3A_234, %sign3A_241 : i32
    %rem3A_243 = arith.remsi %mul3A_77, %jit3A_226 : i32
    %ne3A_244 = arith.constant 0 : i32
    %ne3A_245 = arith.cmpi ne, %rem3A_243, %ne3A_244 : i32
    %and3A_246 = arith.andi %ne3A_242, %ne3A_245 : i1
    %sub3A_247 = arith.constant 1 : i32
    %sub3A_248 = arith.subi %div3A_227, %sub3A_247 : i32
    %select_n3A_249 = arith.select %and3A_246, %sub3A_248, %div3A_227 : i32
    %while3A_250 = arith.constant 0 : i32
    %while3A_251 = arith.constant 0 : i32
    %while3A_252 = arith.subi %select_n3A_249, %while3A_250 : i32
    %while3A_253 = arith.addi %while3A_250, %while3A_252 : i32
    %while3A_254 = arith.constant 1 : i32
    %while3A_255 = arith.divsi %while3A_252, %while3A_254 : i32
    %while3A_256 = arith.muli %while3A_255, %while3A_254 : i32
    %while3A_257 = arith.addi %while3A_250, %while3A_256 : i32
    %while3A_258 = arith.constant 1 : i32
    %while3A_259 = scf.for %while3A_270 = %while3A_250 to %while3A_257 step %while3A_258 iter_args(%while3A_271 = %while3A_251) -> (i32)  : i32 {
      %mul3A_272 = arith.constant 128 : i32
      %mul3A_273 = arith.muli %while3A_270, %mul3A_272 : i32
      %add3A_274 = arith.addi %add3A_175, %mul3A_273 : i32
      %multiple_of3A_275 = tpu.assume_multiple %add3A_274, 128 : i32
      %mul3A_276 = arith.constant 163840 : i32
      %mul3A_277 = arith.muli %arg0, %mul3A_276 : i32
      %add3A_278 = arith.addi %mul3A_277, %multiple_of3A_275 : i32
      %multiple_of3A_279 = tpu.assume_multiple %add3A_278, 128 : i32
      %mul3A_280 = arith.constant 128 : i32
      %mul3A_281 = arith.muli %while3A_270, %mul3A_280 : i32
      "tpu.region"() ({
        %run_scoped3A = tpu.sem_alloc : memref<!tpu.dma_semaphore, #tpu.memory_space<semaphore_mem>>
        %dma_start3A_293 = tpu.memref_slice %arg18[%mul3A_281] : memref<5120xi32, #tpu.memory_space<vmem>> -> memref<128xi32, #tpu.memory_space<vmem>>
        %dma_start3A_294 = tpu.memref_slice %arg7[%multiple_of3A_279] : memref<327680xi32, #tpu.memory_space<hbm>> -> memref<128xi32, #tpu.memory_space<hbm>>
        %dma_start3A_295 = tpu.memref_slice %arg7[%multiple_of3A_279] : memref<327680xi32, #tpu.memory_space<hbm>> -> memref<128xi32, #tpu.memory_space<hbm>>
        %dma_start3A_296 = tpu.memref_slice %arg18[%mul3A_281] : memref<5120xi32, #tpu.memory_space<vmem>> -> memref<128xi32, #tpu.memory_space<vmem>>
        tpu.enqueue_dma source(%dma_start3A_296 : memref<128xi32, #tpu.memory_space<vmem>>) target(%dma_start3A_295 : memref<128xi32, #tpu.memory_space<hbm>>) target_semaphore(%run_scoped3A : memref<!tpu.dma_semaphore, #tpu.memory_space<semaphore_mem>>)
        %dma_wait3A_297 = tpu.memref_slice %arg18[%mul3A_281] : memref<5120xi32, #tpu.memory_space<vmem>> -> memref<128xi32, #tpu.memory_space<vmem>>
        %dma_wait3A_298 = tpu.memref_slice %arg7[%multiple_of3A_279] : memref<327680xi32, #tpu.memory_space<hbm>> -> memref<128xi32, #tpu.memory_space<hbm>>
        %dma_wait3A_299 = tpu.memref_slice %arg7[%multiple_of3A_279] : memref<327680xi32, #tpu.memory_space<hbm>> -> memref<128xi32, #tpu.memory_space<hbm>>
        %dma_wait3A_300 = tpu.memref_slice %arg18[%mul3A_281] : memref<5120xi32, #tpu.memory_space<vmem>> -> memref<128xi32, #tpu.memory_space<vmem>>
        tpu.wait_dma2 semaphore(%run_scoped3A : memref<!tpu.dma_semaphore, #tpu.memory_space<semaphore_mem>>) src(%dma_wait3A_300 : memref<128xi32, #tpu.memory_space<vmem>>) dst(%dma_wait3A_299 : memref<128xi32, #tpu.memory_space<hbm>>)
        tpu.yield
      }) : () -> ()
      %mul3A_282 = arith.constant 128 : i32
      %mul3A_283 = arith.muli %while3A_270, %mul3A_282 : i32
      "tpu.region"() ({
        %run_scoped3A = tpu.sem_alloc : memref<!tpu.dma_semaphore, #tpu.memory_space<semaphore_mem>>
        %dma_start3A_293 = tpu.memref_slice %arg19[%mul3A_283] : memref<5120xi32, #tpu.memory_space<vmem>> -> memref<128xi32, #tpu.memory_space<vmem>>
        %dma_start3A_294 = tpu.memref_slice %arg9[%multiple_of3A_279] : memref<327680xi32, #tpu.memory_space<hbm>> -> memref<128xi32, #tpu.memory_space<hbm>>
        %dma_start3A_295 = tpu.memref_slice %arg9[%multiple_of3A_279] : memref<327680xi32, #tpu.memory_space<hbm>> -> memref<128xi32, #tpu.memory_space<hbm>>
        %dma_start3A_296 = tpu.memref_slice %arg19[%mul3A_283] : memref<5120xi32, #tpu.memory_space<vmem>> -> memref<128xi32, #tpu.memory_space<vmem>>
        tpu.enqueue_dma source(%dma_start3A_296 : memref<128xi32, #tpu.memory_space<vmem>>) target(%dma_start3A_295 : memref<128xi32, #tpu.memory_space<hbm>>) target_semaphore(%run_scoped3A : memref<!tpu.dma_semaphore, #tpu.memory_space<semaphore_mem>>)
        %dma_wait3A_297 = tpu.memref_slice %arg19[%mul3A_283] : memref<5120xi32, #tpu.memory_space<vmem>> -> memref<128xi32, #tpu.memory_space<vmem>>
        %dma_wait3A_298 = tpu.memref_slice %arg9[%multiple_of3A_279] : memref<327680xi32, #tpu.memory_space<hbm>> -> memref<128xi32, #tpu.memory_space<hbm>>
        %dma_wait3A_299 = tpu.memref_slice %arg9[%multiple_of3A_279] : memref<327680xi32, #tpu.memory_space<hbm>> -> memref<128xi32, #tpu.memory_space<hbm>>
        %dma_wait3A_300 = tpu.memref_slice %arg19[%mul3A_283] : memref<5120xi32, #tpu.memory_space<vmem>> -> memref<128xi32, #tpu.memory_space<vmem>>
        tpu.wait_dma2 semaphore(%run_scoped3A : memref<!tpu.dma_semaphore, #tpu.memory_space<semaphore_mem>>) src(%dma_wait3A_300 : memref<128xi32, #tpu.memory_space<vmem>>) dst(%dma_wait3A_299 : memref<128xi32, #tpu.memory_space<hbm>>)
        tpu.yield
      }) : () -> ()
      %mul3A_284 = arith.constant 128 : i32
      %mul3A_285 = arith.muli %while3A_270, %mul3A_284 : i32
      %dma_start3A = tpu.memref_slice %arg17[%mul3A_285] : memref<5120xi32, #tpu.memory_space<vmem>> -> memref<128xi32, #tpu.memory_space<vmem>>
      %dma_start3A_286 = arith.constant 0 : i32
      %dma_start3A_287 = arith.constant 0 : i32
      %dma_start3A_288 = tpu.memref_slice %arg5[%dma_start3A_286, %dma_start3A_287] : memref<10000x128xf32, #tpu.memory_space<hbm>> -> memref<10000x128xf32, #tpu.memory_space<hbm>>
      tpu.enqueue_indirect_dma source(%dma_start3A_288 : memref<10000x128xf32, #tpu.memory_space<hbm>>) target(%arg22 : memref<128x128xf32, #tpu.memory_space<vmem>>) offsets(%dma_start3A : memref<128xi32, #tpu.memory_space<vmem>>) semaphore(%arg24 : memref<!tpu.dma_semaphore, #tpu.memory_space<semaphore_mem>>)
      %dma_wait3A = tpu.memref_slice %arg17[%mul3A_285] : memref<5120xi32, #tpu.memory_space<vmem>> -> memref<128xi32, #tpu.memory_space<vmem>>
      %dma_wait3A_289 = arith.constant 0 : i32
      %dma_wait3A_290 = arith.constant 0 : i32
      %dma_wait3A_291 = tpu.memref_slice %arg5[%dma_wait3A_289, %dma_wait3A_290] : memref<10000x128xf32, #tpu.memory_space<hbm>> -> memref<10000x128xf32, #tpu.memory_space<hbm>>
      tpu.wait_indirect_dma semaphore(%arg24 : memref<!tpu.dma_semaphore, #tpu.memory_space<semaphore_mem>>) src(%dma_wait3A_291 : memref<10000x128xf32, #tpu.memory_space<hbm>>) dst(%arg22 : memref<128x128xf32, #tpu.memory_space<vmem>>)
      "tpu.region"() ({
        %run_scoped3A = tpu.sem_alloc : memref<!tpu.dma_semaphore, #tpu.memory_space<semaphore_mem>>
        %dma_start3A_293 = arith.constant 0 : i32
        %dma_start3A_294 = tpu.memref_slice %arg8[%arg0, %multiple_of3A_275, %dma_start3A_293] : memref<2x163840x128xf32, #tpu.memory_space<hbm>> -> memref<1x128x128xf32, #tpu.memory_space<hbm>>
        %dma_start3A_295 = tpu.memref_squeeze %dma_start3A_294 : memref<1x128x128xf32, #tpu.memory_space<hbm>> -> memref<128x128xf32, #tpu.memory_space<hbm>>
        %dma_start3A_296 = arith.constant 0 : i32
        %dma_start3A_297 = tpu.memref_slice %arg8[%arg0, %multiple_of3A_275, %dma_start3A_296] : memref<2x163840x128xf32, #tpu.memory_space<hbm>> -> memref<1x128x128xf32, #tpu.memory_space<hbm>>
        %dma_start3A_298 = tpu.memref_squeeze %dma_start3A_297 : memref<1x128x128xf32, #tpu.memory_space<hbm>> -> memref<128x128xf32, #tpu.memory_space<hbm>>
        tpu.enqueue_dma source(%arg22 : memref<128x128xf32, #tpu.memory_space<vmem>>) target(%dma_start3A_298 : memref<128x128xf32, #tpu.memory_space<hbm>>) target_semaphore(%run_scoped3A : memref<!tpu.dma_semaphore, #tpu.memory_space<semaphore_mem>>)
        %dma_wait3A_299 = arith.constant 0 : i32
        %dma_wait3A_300 = tpu.memref_slice %arg8[%arg0, %multiple_of3A_275, %dma_wait3A_299] : memref<2x163840x128xf32, #tpu.memory_space<hbm>> -> memref<1x128x128xf32, #tpu.memory_space<hbm>>
        %dma_wait3A_301 = tpu.memref_squeeze %dma_wait3A_300 : memref<1x128x128xf32, #tpu.memory_space<hbm>> -> memref<128x128xf32, #tpu.memory_space<hbm>>
        %dma_wait3A_302 = arith.constant 0 : i32
        %dma_wait3A_303 = tpu.memref_slice %arg8[%arg0, %multiple_of3A_275, %dma_wait3A_302] : memref<2x163840x128xf32, #tpu.memory_space<hbm>> -> memref<1x128x128xf32, #tpu.memory_space<hbm>>
        %dma_wait3A_304 = tpu.memref_squeeze %dma_wait3A_303 : memref<1x128x128xf32, #tpu.memory_space<hbm>> -> memref<128x128xf32, #tpu.memory_space<hbm>>
        tpu.wait_dma2 semaphore(%run_scoped3A : memref<!tpu.dma_semaphore, #tpu.memory_space<semaphore_mem>>) src(%arg22 : memref<128x128xf32, #tpu.memory_space<vmem>>) dst(%dma_wait3A_304 : memref<128x128xf32, #tpu.memory_space<hbm>>)
        tpu.yield
      }) : () -> ()
      %while3A_292 = arith.constant 0 : i32
      scf.yield %while3A_292 : i32
    }
    %while3A_260 = arith.constant 1 : i32
    %while3A_261 = scf.for %while3A_270 = %while3A_257 to %while3A_253 step %while3A_260 iter_args(%while3A_271 = %while3A_259) -> (i32)  : i32 {
      %mul3A_272 = arith.constant 128 : i32
      %mul3A_273 = arith.muli %while3A_270, %mul3A_272 : i32
      %add3A_274 = arith.addi %add3A_175, %mul3A_273 : i32
      %multiple_of3A_275 = tpu.assume_multiple %add3A_274, 128 : i32
      %mul3A_276 = arith.constant 163840 : i32
      %mul3A_277 = arith.muli %arg0, %mul3A_276 : i32
      %add3A_278 = arith.addi %mul3A_277, %multiple_of3A_275 : i32
      %multiple_of3A_279 = tpu.assume_multiple %add3A_278, 128 : i32
      %mul3A_280 = arith.constant 128 : i32
      %mul3A_281 = arith.muli %while3A_270, %mul3A_280 : i32
      "tpu.region"() ({
        %run_scoped3A = tpu.sem_alloc : memref<!tpu.dma_semaphore, #tpu.memory_space<semaphore_mem>>
        %dma_start3A_293 = tpu.memref_slice %arg18[%mul3A_281] : memref<5120xi32, #tpu.memory_space<vmem>> -> memref<128xi32, #tpu.memory_space<vmem>>
        %dma_start3A_294 = tpu.memref_slice %arg7[%multiple_of3A_279] : memref<327680xi32, #tpu.memory_space<hbm>> -> memref<128xi32, #tpu.memory_space<hbm>>
        %dma_start3A_295 = tpu.memref_slice %arg7[%multiple_of3A_279] : memref<327680xi32, #tpu.memory_space<hbm>> -> memref<128xi32, #tpu.memory_space<hbm>>
        %dma_start3A_296 = tpu.memref_slice %arg18[%mul3A_281] : memref<5120xi32, #tpu.memory_space<vmem>> -> memref<128xi32, #tpu.memory_space<vmem>>
        tpu.enqueue_dma source(%dma_start3A_296 : memref<128xi32, #tpu.memory_space<vmem>>) target(%dma_start3A_295 : memref<128xi32, #tpu.memory_space<hbm>>) target_semaphore(%run_scoped3A : memref<!tpu.dma_semaphore, #tpu.memory_space<semaphore_mem>>)
        %dma_wait3A_297 = tpu.memref_slice %arg18[%mul3A_281] : memref<5120xi32, #tpu.memory_space<vmem>> -> memref<128xi32, #tpu.memory_space<vmem>>
        %dma_wait3A_298 = tpu.memref_slice %arg7[%multiple_of3A_279] : memref<327680xi32, #tpu.memory_space<hbm>> -> memref<128xi32, #tpu.memory_space<hbm>>
        %dma_wait3A_299 = tpu.memref_slice %arg7[%multiple_of3A_279] : memref<327680xi32, #tpu.memory_space<hbm>> -> memref<128xi32, #tpu.memory_space<hbm>>
        %dma_wait3A_300 = tpu.memref_slice %arg18[%mul3A_281] : memref<5120xi32, #tpu.memory_space<vmem>> -> memref<128xi32, #tpu.memory_space<vmem>>
        tpu.wait_dma2 semaphore(%run_scoped3A : memref<!tpu.dma_semaphore, #tpu.memory_space<semaphore_mem>>) src(%dma_wait3A_300 : memref<128xi32, #tpu.memory_space<vmem>>) dst(%dma_wait3A_299 : memref<128xi32, #tpu.memory_space<hbm>>)
        tpu.yield
      }) : () -> ()
      %mul3A_282 = arith.constant 128 : i32
      %mul3A_283 = arith.muli %while3A_270, %mul3A_282 : i32
      "tpu.region"() ({
        %run_scoped3A = tpu.sem_alloc : memref<!tpu.dma_semaphore, #tpu.memory_space<semaphore_mem>>
        %dma_start3A_293 = tpu.memref_slice %arg19[%mul3A_283] : memref<5120xi32, #tpu.memory_space<vmem>> -> memref<128xi32, #tpu.memory_space<vmem>>
        %dma_start3A_294 = tpu.memref_slice %arg9[%multiple_of3A_279] : memref<327680xi32, #tpu.memory_space<hbm>> -> memref<128xi32, #tpu.memory_space<hbm>>
        %dma_start3A_295 = tpu.memref_slice %arg9[%multiple_of3A_279] : memref<327680xi32, #tpu.memory_space<hbm>> -> memref<128xi32, #tpu.memory_space<hbm>>
        %dma_start3A_296 = tpu.memref_slice %arg19[%mul3A_283] : memref<5120xi32, #tpu.memory_space<vmem>> -> memref<128xi32, #tpu.memory_space<vmem>>
        tpu.enqueue_dma source(%dma_start3A_296 : memref<128xi32, #tpu.memory_space<vmem>>) target(%dma_start3A_295 : memref<128xi32, #tpu.memory_space<hbm>>) target_semaphore(%run_scoped3A : memref<!tpu.dma_semaphore, #tpu.memory_space<semaphore_mem>>)
        %dma_wait3A_297 = tpu.memref_slice %arg19[%mul3A_283] : memref<5120xi32, #tpu.memory_space<vmem>> -> memref<128xi32, #tpu.memory_space<vmem>>
        %dma_wait3A_298 = tpu.memref_slice %arg9[%multiple_of3A_279] : memref<327680xi32, #tpu.memory_space<hbm>> -> memref<128xi32, #tpu.memory_space<hbm>>
        %dma_wait3A_299 = tpu.memref_slice %arg9[%multiple_of3A_279] : memref<327680xi32, #tpu.memory_space<hbm>> -> memref<128xi32, #tpu.memory_space<hbm>>
        %dma_wait3A_300 = tpu.memref_slice %arg19[%mul3A_283] : memref<5120xi32, #tpu.memory_space<vmem>> -> memref<128xi32, #tpu.memory_space<vmem>>
        tpu.wait_dma2 semaphore(%run_scoped3A : memref<!tpu.dma_semaphore, #tpu.memory_space<semaphore_mem>>) src(%dma_wait3A_300 : memref<128xi32, #tpu.memory_space<vmem>>) dst(%dma_wait3A_299 : memref<128xi32, #tpu.memory_space<hbm>>)
        tpu.yield
      }) : () -> ()
      %mul3A_284 = arith.constant 128 : i32
      %mul3A_285 = arith.muli %while3A_270, %mul3A_284 : i32
      %dma_start3A = tpu.memref_slice %arg17[%mul3A_285] : memref<5120xi32, #tpu.memory_space<vmem>> -> memref<128xi32, #tpu.memory_space<vmem>>
      %dma_start3A_286 = arith.constant 0 : i32
      %dma_start3A_287 = arith.constant 0 : i32
      %dma_start3A_288 = tpu.memref_slice %arg5[%dma_start3A_286, %dma_start3A_287] : memref<10000x128xf32, #tpu.memory_space<hbm>> -> memref<10000x128xf32, #tpu.memory_space<hbm>>
      tpu.enqueue_indirect_dma source(%dma_start3A_288 : memref<10000x128xf32, #tpu.memory_space<hbm>>) target(%arg22 : memref<128x128xf32, #tpu.memory_space<vmem>>) offsets(%dma_start3A : memref<128xi32, #tpu.memory_space<vmem>>) semaphore(%arg24 : memref<!tpu.dma_semaphore, #tpu.memory_space<semaphore_mem>>)
      %dma_wait3A = tpu.memref_slice %arg17[%mul3A_285] : memref<5120xi32, #tpu.memory_space<vmem>> -> memref<128xi32, #tpu.memory_space<vmem>>
      %dma_wait3A_289 = arith.constant 0 : i32
      %dma_wait3A_290 = arith.constant 0 : i32
      %dma_wait3A_291 = tpu.memref_slice %arg5[%dma_wait3A_289, %dma_wait3A_290] : memref<10000x128xf32, #tpu.memory_space<hbm>> -> memref<10000x128xf32, #tpu.memory_space<hbm>>
      tpu.wait_indirect_dma semaphore(%arg24 : memref<!tpu.dma_semaphore, #tpu.memory_space<semaphore_mem>>) src(%dma_wait3A_291 : memref<10000x128xf32, #tpu.memory_space<hbm>>) dst(%arg22 : memref<128x128xf32, #tpu.memory_space<vmem>>)
      "tpu.region"() ({
        %run_scoped3A = tpu.sem_alloc : memref<!tpu.dma_semaphore, #tpu.memory_space<semaphore_mem>>
        %dma_start3A_293 = arith.constant 0 : i32
        %dma_start3A_294 = tpu.memref_slice %arg8[%arg0, %multiple_of3A_275, %dma_start3A_293] : memref<2x163840x128xf32, #tpu.memory_space<hbm>> -> memref<1x128x128xf32, #tpu.memory_space<hbm>>
        %dma_start3A_295 = tpu.memref_squeeze %dma_start3A_294 : memref<1x128x128xf32, #tpu.memory_space<hbm>> -> memref<128x128xf32, #tpu.memory_space<hbm>>
        %dma_start3A_296 = arith.constant 0 : i32
        %dma_start3A_297 = tpu.memref_slice %arg8[%arg0, %multiple_of3A_275, %dma_start3A_296] : memref<2x163840x128xf32, #tpu.memory_space<hbm>> -> memref<1x128x128xf32, #tpu.memory_space<hbm>>
        %dma_start3A_298 = tpu.memref_squeeze %dma_start3A_297 : memref<1x128x128xf32, #tpu.memory_space<hbm>> -> memref<128x128xf32, #tpu.memory_space<hbm>>
        tpu.enqueue_dma source(%arg22 : memref<128x128xf32, #tpu.memory_space<vmem>>) target(%dma_start3A_298 : memref<128x128xf32, #tpu.memory_space<hbm>>) target_semaphore(%run_scoped3A : memref<!tpu.dma_semaphore, #tpu.memory_space<semaphore_mem>>)
        %dma_wait3A_299 = arith.constant 0 : i32
        %dma_wait3A_300 = tpu.memref_slice %arg8[%arg0, %multiple_of3A_275, %dma_wait3A_299] : memref<2x163840x128xf32, #tpu.memory_space<hbm>> -> memref<1x128x128xf32, #tpu.memory_space<hbm>>
        %dma_wait3A_301 = tpu.memref_squeeze %dma_wait3A_300 : memref<1x128x128xf32, #tpu.memory_space<hbm>> -> memref<128x128xf32, #tpu.memory_space<hbm>>
        %dma_wait3A_302 = arith.constant 0 : i32
        %dma_wait3A_303 = tpu.memref_slice %arg8[%arg0, %multiple_of3A_275, %dma_wait3A_302] : memref<2x163840x128xf32, #tpu.memory_space<hbm>> -> memref<1x128x128xf32, #tpu.memory_space<hbm>>
        %dma_wait3A_304 = tpu.memref_squeeze %dma_wait3A_303 : memref<1x128x128xf32, #tpu.memory_space<hbm>> -> memref<128x128xf32, #tpu.memory_space<hbm>>
        tpu.wait_dma2 semaphore(%run_scoped3A : memref<!tpu.dma_semaphore, #tpu.memory_space<semaphore_mem>>) src(%arg22 : memref<128x128xf32, #tpu.memory_space<vmem>>) dst(%dma_wait3A_304 : memref<128x128xf32, #tpu.memory_space<hbm>>)
        tpu.yield
      }) : () -> ()
      %while3A_292 = arith.constant 0 : i32
      scf.yield %while3A_292 : i32
    }
    %eq3A_262 = arith.constant 0 : i32
    %eq3A_263 = arith.cmpi eq, %arg0, %eq3A_262 : i32
    %eq3A_264 = arith.constant 0 : i32
    %eq3A_265 = arith.cmpi eq, %arg1, %eq3A_264 : i32
    %and3A_266 = arith.andi %eq3A_263, %eq3A_265 : i1
    %convert_element_type3A_267 = arith.extui %and3A_266 : i1 to i32
    %cond3A_268 = arith.constant 0 : i32
    %cond3A_269 = arith.cmpi ne, %convert_element_type3A_267, %cond3A_268 : i32
    scf.if %cond3A_269 {
      %scan3A_270 = arith.constant 0 : i32
      %scan3A_271 = arith.constant 0 : i32
      %scan3A_272 = arith.constant 3 : i32
      %scan3A_273 = arith.addi %scan3A_271, %scan3A_272 : i32
      %scan3A_274 = arith.constant 1 : i32
      %scan3A_275 = scf.for %scan3A_277 = %scan3A_271 to %scan3A_273 step %scan3A_274 iter_args(%scan3A_278 = %scan3A_270) -> (i32)  : i32 {
        %mul3A_279 = arith.constant 128 : i32
        %mul3A_280 = arith.muli %scan3A_277, %mul3A_279 : i32
        %dma_start3A = tpu.memref_slice %arg20[%mul3A_280] : memref<384xi32, #tpu.memory_space<vmem>> -> memref<128xi32, #tpu.memory_space<vmem>>
        %dma_start3A_281 = arith.constant 0 : i32
        %dma_start3A_282 = arith.constant 0 : i32
        %dma_start3A_283 = tpu.memref_slice %arg5[%dma_start3A_281, %dma_start3A_282] : memref<10000x128xf32, #tpu.memory_space<hbm>> -> memref<10000x128xf32, #tpu.memory_space<hbm>>
        tpu.enqueue_indirect_dma source(%dma_start3A_283 : memref<10000x128xf32, #tpu.memory_space<hbm>>) target(%arg22 : memref<128x128xf32, #tpu.memory_space<vmem>>) offsets(%dma_start3A : memref<128xi32, #tpu.memory_space<vmem>>) semaphore(%arg24 : memref<!tpu.dma_semaphore, #tpu.memory_space<semaphore_mem>>)
        %dma_wait3A = tpu.memref_slice %arg20[%mul3A_280] : memref<384xi32, #tpu.memory_space<vmem>> -> memref<128xi32, #tpu.memory_space<vmem>>
        %dma_wait3A_284 = arith.constant 0 : i32
        %dma_wait3A_285 = arith.constant 0 : i32
        %dma_wait3A_286 = tpu.memref_slice %arg5[%dma_wait3A_284, %dma_wait3A_285] : memref<10000x128xf32, #tpu.memory_space<hbm>> -> memref<10000x128xf32, #tpu.memory_space<hbm>>
        tpu.wait_indirect_dma semaphore(%arg24 : memref<!tpu.dma_semaphore, #tpu.memory_space<semaphore_mem>>) src(%dma_wait3A_286 : memref<10000x128xf32, #tpu.memory_space<hbm>>) dst(%arg22 : memref<128x128xf32, #tpu.memory_space<vmem>>)
        %mul3A_287 = arith.constant 128 : i32
        %mul3A_288 = arith.muli %scan3A_277, %mul3A_287 : i32
        "tpu.region"() ({
          %run_scoped3A = tpu.sem_alloc : memref<!tpu.dma_semaphore, #tpu.memory_space<semaphore_mem>>
          %dma_start3A_290 = arith.constant 0 : i32
          %dma_start3A_291 = tpu.memref_slice %arg10[%mul3A_288, %dma_start3A_290] : memref<384x128xf32, #tpu.memory_space<hbm>> -> memref<128x128xf32, #tpu.memory_space<hbm>>
          %dma_start3A_292 = arith.constant 0 : i32
          %dma_start3A_293 = tpu.memref_slice %arg10[%mul3A_288, %dma_start3A_292] : memref<384x128xf32, #tpu.memory_space<hbm>> -> memref<128x128xf32, #tpu.memory_space<hbm>>
          tpu.enqueue_dma source(%arg22 : memref<128x128xf32, #tpu.memory_space<vmem>>) target(%dma_start3A_293 : memref<128x128xf32, #tpu.memory_space<hbm>>) target_semaphore(%run_scoped3A : memref<!tpu.dma_semaphore, #tpu.memory_space<semaphore_mem>>)
          %dma_wait3A_294 = arith.constant 0 : i32
          %dma_wait3A_295 = tpu.memref_slice %arg10[%mul3A_288, %dma_wait3A_294] : memref<384x128xf32, #tpu.memory_space<hbm>> -> memref<128x128xf32, #tpu.memory_space<hbm>>
          %dma_wait3A_296 = arith.constant 0 : i32
          %dma_wait3A_297 = tpu.memref_slice %arg10[%mul3A_288, %dma_wait3A_296] : memref<384x128xf32, #tpu.memory_space<hbm>> -> memref<128x128xf32, #tpu.memory_space<hbm>>
          tpu.wait_dma2 semaphore(%run_scoped3A : memref<!tpu.dma_semaphore, #tpu.memory_space<semaphore_mem>>) src(%arg22 : memref<128x128xf32, #tpu.memory_space<vmem>>) dst(%dma_wait3A_297 : memref<128x128xf32, #tpu.memory_space<hbm>>)
          tpu.yield
        }) : () -> ()
        %scan3A_289 = arith.constant 0 : i32
        scf.yield %scan3A_289 : i32
      }
      %scan3A_276 = arith.constant 3 : i32
    } else {
    }
    return
  }
}

#map = affine_map<(d0, d1) -> (0, 0)>
#map1 = affine_map<(d0, d1) -> (0)>
#map2 = affine_map<(d0, d1) -> (0, 0, 0)>
module attributes {stable_mosaic.version = 14 : i64} {
  func.func @_gattr_kernel(%arg0: i32, %arg1: i32, %arg2: memref<160000x128xf32, #tpu.memory_space<hbm>>, %arg3: memref<327680xi32, #tpu.memory_space<hbm>>, %arg4: memref<32xi32, #tpu.memory_space<hbm>>, %arg5: memref<2x163840x128xf32, #tpu.memory_space<hbm>>, %arg6: memref<128xi32, #tpu.memory_space<vmem>>, %arg7: memref<128x128xf32, #tpu.memory_space<vmem>>, %arg8: memref<16xi32, #tpu.memory_space<vmem>>, %arg9: memref<!tpu.dma_semaphore, #tpu.memory_space<semaphore_mem>>) attributes {dimension_semantics = [#tpu.dimension_semantics<core_parallel>, #tpu.dimension_semantics<subcore_parallel>], iteration_bounds = array<i64: 2, 16>, scalar_prefetch = 0 : i64, scratch_operands = 4 : i64, tpu.core_type = #tpu.core_type<sc_vector_subcore>, window_params = [{transform_indices = #map}, {transform_indices = #map1}, {transform_indices = #map1}, {transform_indices = #map2}]} {
    %mul3A = arith.constant 16 : i32
    %mul3A_0 = arith.muli %arg0, %mul3A : i32
    %multiple_of3A = tpu.assume_multiple %mul3A_0, 16 : i32
    "tpu.region"() ({
      %run_scoped3A = tpu.sem_alloc : memref<!tpu.dma_semaphore, #tpu.memory_space<semaphore_mem>>
      %dma_start3A = tpu.memref_slice %arg4[%multiple_of3A] : memref<32xi32, #tpu.memory_space<hbm>> -> memref<16xi32, #tpu.memory_space<hbm>>
      %dma_start3A_86 = tpu.memref_slice %arg4[%multiple_of3A] : memref<32xi32, #tpu.memory_space<hbm>> -> memref<16xi32, #tpu.memory_space<hbm>>
      tpu.enqueue_dma source(%dma_start3A_86 : memref<16xi32, #tpu.memory_space<hbm>>) target(%arg8 : memref<16xi32, #tpu.memory_space<vmem>>) target_semaphore(%run_scoped3A : memref<!tpu.dma_semaphore, #tpu.memory_space<semaphore_mem>>)
      %dma_wait3A = tpu.memref_slice %arg4[%multiple_of3A] : memref<32xi32, #tpu.memory_space<hbm>> -> memref<16xi32, #tpu.memory_space<hbm>>
      %dma_wait3A_87 = tpu.memref_slice %arg4[%multiple_of3A] : memref<32xi32, #tpu.memory_space<hbm>> -> memref<16xi32, #tpu.memory_space<hbm>>
      tpu.wait_dma2 semaphore(%run_scoped3A : memref<!tpu.dma_semaphore, #tpu.memory_space<semaphore_mem>>) src(%dma_wait3A_87 : memref<16xi32, #tpu.memory_space<hbm>>) dst(%arg8 : memref<16xi32, #tpu.memory_space<vmem>>)
      tpu.yield
    }) : () -> ()
    %get3A = arith.constant 0 : index
    %get3A_1 = tpu.vector_load %arg8[%get3A] {strides = array<i32>} : memref<16xi32, #tpu.memory_space<vmem>>, vector<16xi32>,
    %slice3A = vector.extract_strided_slice %get3A_1 {offsets = [0], sizes = [1], strides = [1]} : vector<16xi32> to vector<1xi32>
    %squeeze3A = vector.extract %slice3A[0] : i32 from vector<1xi32>
    %slice3A_2 = vector.extract_strided_slice %get3A_1 {offsets = [1], sizes = [1], strides = [1]} : vector<16xi32> to vector<1xi32>
    %squeeze3A_3 = vector.extract %slice3A_2[0] : i32 from vector<1xi32>
    %add3A = arith.constant 127 : i32
    %add3A_4 = arith.addi %squeeze3A, %add3A : i32
    %jit3A = arith.constant 128 : i32
    %div3A = arith.divsi %add3A_4, %jit3A : i32
    %sign3A = arith.constant 0 : i32
    %sign3A_5 = arith.cmpi sgt, %add3A_4, %sign3A : i32
    %sign3A_6 = arith.extui %sign3A_5 : i1 to i32
    %sign3A_7 = arith.constant 0 : i32
    %sign3A_8 = arith.cmpi slt, %add3A_4, %sign3A_7 : i32
    %sign3A_9 = arith.extui %sign3A_8 : i1 to i32
    %sign3A_10 = arith.subi %sign3A_6, %sign3A_9 : i32
    %sign3A_11 = arith.constant 0 : i32
    %sign3A_12 = arith.cmpi sgt, %jit3A, %sign3A_11 : i32
    %sign3A_13 = arith.extui %sign3A_12 : i1 to i32
    %sign3A_14 = arith.constant 0 : i32
    %sign3A_15 = arith.cmpi slt, %jit3A, %sign3A_14 : i32
    %sign3A_16 = arith.extui %sign3A_15 : i1 to i32
    %sign3A_17 = arith.subi %sign3A_13, %sign3A_16 : i32
    %ne3A = arith.cmpi ne, %sign3A_10, %sign3A_17 : i32
    %rem3A = arith.remsi %add3A_4, %jit3A : i32
    %ne3A_18 = arith.constant 0 : i32
    %ne3A_19 = arith.cmpi ne, %rem3A, %ne3A_18 : i32
    %and3A = arith.andi %ne3A, %ne3A_19 : i1
    %sub3A = arith.constant 1 : i32
    %sub3A_20 = arith.subi %div3A, %sub3A : i32
    %select_n3A = arith.select %and3A, %sub3A_20, %div3A : i32
    %add3A_21 = arith.constant 127 : i32
    %add3A_22 = arith.addi %squeeze3A_3, %add3A_21 : i32
    %jit3A_23 = arith.constant 128 : i32
    %div3A_24 = arith.divsi %add3A_22, %jit3A_23 : i32
    %sign3A_25 = arith.constant 0 : i32
    %sign3A_26 = arith.cmpi sgt, %add3A_22, %sign3A_25 : i32
    %sign3A_27 = arith.extui %sign3A_26 : i1 to i32
    %sign3A_28 = arith.constant 0 : i32
    %sign3A_29 = arith.cmpi slt, %add3A_22, %sign3A_28 : i32
    %sign3A_30 = arith.extui %sign3A_29 : i1 to i32
    %sign3A_31 = arith.subi %sign3A_27, %sign3A_30 : i32
    %sign3A_32 = arith.constant 0 : i32
    %sign3A_33 = arith.cmpi sgt, %jit3A_23, %sign3A_32 : i32
    %sign3A_34 = arith.extui %sign3A_33 : i1 to i32
    %sign3A_35 = arith.constant 0 : i32
    %sign3A_36 = arith.cmpi slt, %jit3A_23, %sign3A_35 : i32
    %sign3A_37 = arith.extui %sign3A_36 : i1 to i32
    %sign3A_38 = arith.subi %sign3A_34, %sign3A_37 : i32
    %ne3A_39 = arith.cmpi ne, %sign3A_31, %sign3A_38 : i32
    %rem3A_40 = arith.remsi %add3A_22, %jit3A_23 : i32
    %ne3A_41 = arith.constant 0 : i32
    %ne3A_42 = arith.cmpi ne, %rem3A_40, %ne3A_41 : i32
    %and3A_43 = arith.andi %ne3A_39, %ne3A_42 : i1
    %sub3A_44 = arith.constant 1 : i32
    %sub3A_45 = arith.subi %div3A_24, %sub3A_44 : i32
    %select_n3A_46 = arith.select %and3A_43, %sub3A_45, %div3A_24 : i32
    %add3A_47 = arith.addi %select_n3A, %select_n3A_46 : i32
    %sub3A_48 = arith.subi %add3A_47, %arg1 : i32
    %add3A_49 = arith.constant 15 : i32
    %add3A_50 = arith.addi %sub3A_48, %add3A_49 : i32
    %jit3A_51 = arith.constant 16 : i32
    %div3A_52 = arith.divsi %add3A_50, %jit3A_51 : i32
    %sign3A_53 = arith.constant 0 : i32
    %sign3A_54 = arith.cmpi sgt, %add3A_50, %sign3A_53 : i32
    %sign3A_55 = arith.extui %sign3A_54 : i1 to i32
    %sign3A_56 = arith.constant 0 : i32
    %sign3A_57 = arith.cmpi slt, %add3A_50, %sign3A_56 : i32
    %sign3A_58 = arith.extui %sign3A_57 : i1 to i32
    %sign3A_59 = arith.subi %sign3A_55, %sign3A_58 : i32
    %sign3A_60 = arith.constant 0 : i32
    %sign3A_61 = arith.cmpi sgt, %jit3A_51, %sign3A_60 : i32
    %sign3A_62 = arith.extui %sign3A_61 : i1 to i32
    %sign3A_63 = arith.constant 0 : i32
    %sign3A_64 = arith.cmpi slt, %jit3A_51, %sign3A_63 : i32
    %sign3A_65 = arith.extui %sign3A_64 : i1 to i32
    %sign3A_66 = arith.subi %sign3A_62, %sign3A_65 : i32
    %ne3A_67 = arith.cmpi ne, %sign3A_59, %sign3A_66 : i32
    %rem3A_68 = arith.remsi %add3A_50, %jit3A_51 : i32
    %ne3A_69 = arith.constant 0 : i32
    %ne3A_70 = arith.cmpi ne, %rem3A_68, %ne3A_69 : i32
    %and3A_71 = arith.andi %ne3A_67, %ne3A_70 : i1
    %sub3A_72 = arith.constant 1 : i32
    %sub3A_73 = arith.subi %div3A_52, %sub3A_72 : i32
    %select_n3A_74 = arith.select %and3A_71, %sub3A_73, %div3A_52 : i32
    %while3A = arith.constant 0 : i32
    %while3A_75 = arith.constant 0 : i32
    %while3A_76 = arith.subi %select_n3A_74, %while3A : i32
    %while3A_77 = arith.addi %while3A, %while3A_76 : i32
    %while3A_78 = arith.constant 1 : i32
    %while3A_79 = arith.divsi %while3A_76, %while3A_78 : i32
    %while3A_80 = arith.muli %while3A_79, %while3A_78 : i32
    %while3A_81 = arith.addi %while3A, %while3A_80 : i32
    %while3A_82 = arith.constant 1 : i32
    %while3A_83 = scf.for %while3A_86 = %while3A to %while3A_81 step %while3A_82 iter_args(%while3A_87 = %while3A_75) -> (i32)  : i32 {
      %mul3A_88 = arith.constant 16 : i32
      %mul3A_89 = arith.muli %mul3A_88, %while3A_86 : i32
      %add3A_90 = arith.addi %arg1, %mul3A_89 : i32
      %lt3A = arith.cmpi slt, %add3A_90, %select_n3A : i32
      %mul3A_91 = arith.constant 128 : i32
      %mul3A_92 = arith.muli %add3A_90, %mul3A_91 : i32
      %sub3A_93 = arith.subi %add3A_90, %select_n3A : i32
      %mul3A_94 = arith.constant 128 : i32
      %mul3A_95 = arith.muli %sub3A_93, %mul3A_94 : i32
      %add3A_96 = arith.constant 81920 : i32
      %add3A_97 = arith.addi %add3A_96, %mul3A_95 : i32
      %select_n3A_98 = arith.select %lt3A, %mul3A_92, %add3A_97 : i32
      %multiple_of3A_99 = tpu.assume_multiple %select_n3A_98, 128 : i32
      %mul3A_100 = arith.constant 163840 : i32
      %mul3A_101 = arith.muli %arg0, %mul3A_100 : i32
      %add3A_102 = arith.addi %mul3A_101, %multiple_of3A_99 : i32
      %multiple_of3A_103 = tpu.assume_multiple %add3A_102, 128 : i32
      "tpu.region"() ({
        %run_scoped3A = tpu.sem_alloc : memref<!tpu.dma_semaphore, #tpu.memory_space<semaphore_mem>>
        %dma_start3A_109 = tpu.memref_slice %arg3[%multiple_of3A_103] : memref<327680xi32, #tpu.memory_space<hbm>> -> memref<128xi32, #tpu.memory_space<hbm>>
        %dma_start3A_110 = tpu.memref_slice %arg3[%multiple_of3A_103] : memref<327680xi32, #tpu.memory_space<hbm>> -> memref<128xi32, #tpu.memory_space<hbm>>
        tpu.enqueue_dma source(%dma_start3A_110 : memref<128xi32, #tpu.memory_space<hbm>>) target(%arg6 : memref<128xi32, #tpu.memory_space<vmem>>) target_semaphore(%run_scoped3A : memref<!tpu.dma_semaphore, #tpu.memory_space<semaphore_mem>>)
        %dma_wait3A_111 = tpu.memref_slice %arg3[%multiple_of3A_103] : memref<327680xi32, #tpu.memory_space<hbm>> -> memref<128xi32, #tpu.memory_space<hbm>>
        %dma_wait3A_112 = tpu.memref_slice %arg3[%multiple_of3A_103] : memref<327680xi32, #tpu.memory_space<hbm>> -> memref<128xi32, #tpu.memory_space<hbm>>
        tpu.wait_dma2 semaphore(%run_scoped3A : memref<!tpu.dma_semaphore, #tpu.memory_space<semaphore_mem>>) src(%dma_wait3A_112 : memref<128xi32, #tpu.memory_space<hbm>>) dst(%arg6 : memref<128xi32, #tpu.memory_space<vmem>>)
        tpu.yield
      }) : () -> ()
      %dma_start3A = arith.constant 0 : i32
      %dma_start3A_104 = arith.constant 0 : i32
      %dma_start3A_105 = tpu.memref_slice %arg2[%dma_start3A, %dma_start3A_104] : memref<160000x128xf32, #tpu.memory_space<hbm>> -> memref<160000x128xf32, #tpu.memory_space<hbm>>
      tpu.enqueue_indirect_dma source(%dma_start3A_105 : memref<160000x128xf32, #tpu.memory_space<hbm>>) target(%arg7 : memref<128x128xf32, #tpu.memory_space<vmem>>) offsets(%arg6 : memref<128xi32, #tpu.memory_space<vmem>>) semaphore(%arg9 : memref<!tpu.dma_semaphore, #tpu.memory_space<semaphore_mem>>)
      %dma_wait3A = arith.constant 0 : i32
      %dma_wait3A_106 = arith.constant 0 : i32
      %dma_wait3A_107 = tpu.memref_slice %arg2[%dma_wait3A, %dma_wait3A_106] : memref<160000x128xf32, #tpu.memory_space<hbm>> -> memref<160000x128xf32, #tpu.memory_space<hbm>>
      tpu.wait_indirect_dma semaphore(%arg9 : memref<!tpu.dma_semaphore, #tpu.memory_space<semaphore_mem>>) src(%dma_wait3A_107 : memref<160000x128xf32, #tpu.memory_space<hbm>>) dst(%arg7 : memref<128x128xf32, #tpu.memory_space<vmem>>)
      "tpu.region"() ({
        %run_scoped3A = tpu.sem_alloc : memref<!tpu.dma_semaphore, #tpu.memory_space<semaphore_mem>>
        %dma_start3A_109 = arith.constant 0 : i32
        %dma_start3A_110 = tpu.memref_slice %arg5[%arg0, %multiple_of3A_99, %dma_start3A_109] : memref<2x163840x128xf32, #tpu.memory_space<hbm>> -> memref<1x128x128xf32, #tpu.memory_space<hbm>>
        %dma_start3A_111 = tpu.memref_squeeze %dma_start3A_110 : memref<1x128x128xf32, #tpu.memory_space<hbm>> -> memref<128x128xf32, #tpu.memory_space<hbm>>
        %dma_start3A_112 = arith.constant 0 : i32
        %dma_start3A_113 = tpu.memref_slice %arg5[%arg0, %multiple_of3A_99, %dma_start3A_112] : memref<2x163840x128xf32, #tpu.memory_space<hbm>> -> memref<1x128x128xf32, #tpu.memory_space<hbm>>
        %dma_start3A_114 = tpu.memref_squeeze %dma_start3A_113 : memref<1x128x128xf32, #tpu.memory_space<hbm>> -> memref<128x128xf32, #tpu.memory_space<hbm>>
        tpu.enqueue_dma source(%arg7 : memref<128x128xf32, #tpu.memory_space<vmem>>) target(%dma_start3A_114 : memref<128x128xf32, #tpu.memory_space<hbm>>) target_semaphore(%run_scoped3A : memref<!tpu.dma_semaphore, #tpu.memory_space<semaphore_mem>>)
        %dma_wait3A_115 = arith.constant 0 : i32
        %dma_wait3A_116 = tpu.memref_slice %arg5[%arg0, %multiple_of3A_99, %dma_wait3A_115] : memref<2x163840x128xf32, #tpu.memory_space<hbm>> -> memref<1x128x128xf32, #tpu.memory_space<hbm>>
        %dma_wait3A_117 = tpu.memref_squeeze %dma_wait3A_116 : memref<1x128x128xf32, #tpu.memory_space<hbm>> -> memref<128x128xf32, #tpu.memory_space<hbm>>
        %dma_wait3A_118 = arith.constant 0 : i32
        %dma_wait3A_119 = tpu.memref_slice %arg5[%arg0, %multiple_of3A_99, %dma_wait3A_118] : memref<2x163840x128xf32, #tpu.memory_space<hbm>> -> memref<1x128x128xf32, #tpu.memory_space<hbm>>
        %dma_wait3A_120 = tpu.memref_squeeze %dma_wait3A_119 : memref<1x128x128xf32, #tpu.memory_space<hbm>> -> memref<128x128xf32, #tpu.memory_space<hbm>>
        tpu.wait_dma2 semaphore(%run_scoped3A : memref<!tpu.dma_semaphore, #tpu.memory_space<semaphore_mem>>) src(%arg7 : memref<128x128xf32, #tpu.memory_space<vmem>>) dst(%dma_wait3A_120 : memref<128x128xf32, #tpu.memory_space<hbm>>)
        tpu.yield
      }) : () -> ()
      %while3A_108 = arith.constant 0 : i32
      scf.yield %while3A_108 : i32
    }
    %while3A_84 = arith.constant 1 : i32
    %while3A_85 = scf.for %while3A_86 = %while3A_81 to %while3A_77 step %while3A_84 iter_args(%while3A_87 = %while3A_83) -> (i32)  : i32 {
      %mul3A_88 = arith.constant 16 : i32
      %mul3A_89 = arith.muli %mul3A_88, %while3A_86 : i32
      %add3A_90 = arith.addi %arg1, %mul3A_89 : i32
      %lt3A = arith.cmpi slt, %add3A_90, %select_n3A : i32
      %mul3A_91 = arith.constant 128 : i32
      %mul3A_92 = arith.muli %add3A_90, %mul3A_91 : i32
      %sub3A_93 = arith.subi %add3A_90, %select_n3A : i32
      %mul3A_94 = arith.constant 128 : i32
      %mul3A_95 = arith.muli %sub3A_93, %mul3A_94 : i32
      %add3A_96 = arith.constant 81920 : i32
      %add3A_97 = arith.addi %add3A_96, %mul3A_95 : i32
      %select_n3A_98 = arith.select %lt3A, %mul3A_92, %add3A_97 : i32
      %multiple_of3A_99 = tpu.assume_multiple %select_n3A_98, 128 : i32
      %mul3A_100 = arith.constant 163840 : i32
      %mul3A_101 = arith.muli %arg0, %mul3A_100 : i32
      %add3A_102 = arith.addi %mul3A_101, %multiple_of3A_99 : i32
      %multiple_of3A_103 = tpu.assume_multiple %add3A_102, 128 : i32
      "tpu.region"() ({
        %run_scoped3A = tpu.sem_alloc : memref<!tpu.dma_semaphore, #tpu.memory_space<semaphore_mem>>
        %dma_start3A_109 = tpu.memref_slice %arg3[%multiple_of3A_103] : memref<327680xi32, #tpu.memory_space<hbm>> -> memref<128xi32, #tpu.memory_space<hbm>>
        %dma_start3A_110 = tpu.memref_slice %arg3[%multiple_of3A_103] : memref<327680xi32, #tpu.memory_space<hbm>> -> memref<128xi32, #tpu.memory_space<hbm>>
        tpu.enqueue_dma source(%dma_start3A_110 : memref<128xi32, #tpu.memory_space<hbm>>) target(%arg6 : memref<128xi32, #tpu.memory_space<vmem>>) target_semaphore(%run_scoped3A : memref<!tpu.dma_semaphore, #tpu.memory_space<semaphore_mem>>)
        %dma_wait3A_111 = tpu.memref_slice %arg3[%multiple_of3A_103] : memref<327680xi32, #tpu.memory_space<hbm>> -> memref<128xi32, #tpu.memory_space<hbm>>
        %dma_wait3A_112 = tpu.memref_slice %arg3[%multiple_of3A_103] : memref<327680xi32, #tpu.memory_space<hbm>> -> memref<128xi32, #tpu.memory_space<hbm>>
        tpu.wait_dma2 semaphore(%run_scoped3A : memref<!tpu.dma_semaphore, #tpu.memory_space<semaphore_mem>>) src(%dma_wait3A_112 : memref<128xi32, #tpu.memory_space<hbm>>) dst(%arg6 : memref<128xi32, #tpu.memory_space<vmem>>)
        tpu.yield
      }) : () -> ()
      %dma_start3A = arith.constant 0 : i32
      %dma_start3A_104 = arith.constant 0 : i32
      %dma_start3A_105 = tpu.memref_slice %arg2[%dma_start3A, %dma_start3A_104] : memref<160000x128xf32, #tpu.memory_space<hbm>> -> memref<160000x128xf32, #tpu.memory_space<hbm>>
      tpu.enqueue_indirect_dma source(%dma_start3A_105 : memref<160000x128xf32, #tpu.memory_space<hbm>>) target(%arg7 : memref<128x128xf32, #tpu.memory_space<vmem>>) offsets(%arg6 : memref<128xi32, #tpu.memory_space<vmem>>) semaphore(%arg9 : memref<!tpu.dma_semaphore, #tpu.memory_space<semaphore_mem>>)
      %dma_wait3A = arith.constant 0 : i32
      %dma_wait3A_106 = arith.constant 0 : i32
      %dma_wait3A_107 = tpu.memref_slice %arg2[%dma_wait3A, %dma_wait3A_106] : memref<160000x128xf32, #tpu.memory_space<hbm>> -> memref<160000x128xf32, #tpu.memory_space<hbm>>
      tpu.wait_indirect_dma semaphore(%arg9 : memref<!tpu.dma_semaphore, #tpu.memory_space<semaphore_mem>>) src(%dma_wait3A_107 : memref<160000x128xf32, #tpu.memory_space<hbm>>) dst(%arg7 : memref<128x128xf32, #tpu.memory_space<vmem>>)
      "tpu.region"() ({
        %run_scoped3A = tpu.sem_alloc : memref<!tpu.dma_semaphore, #tpu.memory_space<semaphore_mem>>
        %dma_start3A_109 = arith.constant 0 : i32
        %dma_start3A_110 = tpu.memref_slice %arg5[%arg0, %multiple_of3A_99, %dma_start3A_109] : memref<2x163840x128xf32, #tpu.memory_space<hbm>> -> memref<1x128x128xf32, #tpu.memory_space<hbm>>
        %dma_start3A_111 = tpu.memref_squeeze %dma_start3A_110 : memref<1x128x128xf32, #tpu.memory_space<hbm>> -> memref<128x128xf32, #tpu.memory_space<hbm>>
        %dma_start3A_112 = arith.constant 0 : i32
        %dma_start3A_113 = tpu.memref_slice %arg5[%arg0, %multiple_of3A_99, %dma_start3A_112] : memref<2x163840x128xf32, #tpu.memory_space<hbm>> -> memref<1x128x128xf32, #tpu.memory_space<hbm>>
        %dma_start3A_114 = tpu.memref_squeeze %dma_start3A_113 : memref<1x128x128xf32, #tpu.memory_space<hbm>> -> memref<128x128xf32, #tpu.memory_space<hbm>>
        tpu.enqueue_dma source(%arg7 : memref<128x128xf32, #tpu.memory_space<vmem>>) target(%dma_start3A_114 : memref<128x128xf32, #tpu.memory_space<hbm>>) target_semaphore(%run_scoped3A : memref<!tpu.dma_semaphore, #tpu.memory_space<semaphore_mem>>)
        %dma_wait3A_115 = arith.constant 0 : i32
        %dma_wait3A_116 = tpu.memref_slice %arg5[%arg0, %multiple_of3A_99, %dma_wait3A_115] : memref<2x163840x128xf32, #tpu.memory_space<hbm>> -> memref<1x128x128xf32, #tpu.memory_space<hbm>>
        %dma_wait3A_117 = tpu.memref_squeeze %dma_wait3A_116 : memref<1x128x128xf32, #tpu.memory_space<hbm>> -> memref<128x128xf32, #tpu.memory_space<hbm>>
        %dma_wait3A_118 = arith.constant 0 : i32
        %dma_wait3A_119 = tpu.memref_slice %arg5[%arg0, %multiple_of3A_99, %dma_wait3A_118] : memref<2x163840x128xf32, #tpu.memory_space<hbm>> -> memref<1x128x128xf32, #tpu.memory_space<hbm>>
        %dma_wait3A_120 = tpu.memref_squeeze %dma_wait3A_119 : memref<1x128x128xf32, #tpu.memory_space<hbm>> -> memref<128x128xf32, #tpu.memory_space<hbm>>
        tpu.wait_dma2 semaphore(%run_scoped3A : memref<!tpu.dma_semaphore, #tpu.memory_space<semaphore_mem>>) src(%arg7 : memref<128x128xf32, #tpu.memory_space<vmem>>) dst(%dma_wait3A_120 : memref<128x128xf32, #tpu.memory_space<hbm>>)
        tpu.yield
      }) : () -> ()
      %while3A_108 = arith.constant 0 : i32
      scf.yield %while3A_108 : i32
    }
    return
  }
}

module attributes {stable_mosaic.version = 14 : i64} {
  func.func @_edge_mlp_kernel(%arg0: memref<32xi32, #tpu.memory_space<smem>>, %arg1: memref<2x128x128xf32, #tpu.memory_space<vmem>>, %arg2: memref<1x128xf32, #tpu.memory_space<vmem>>, %arg3: memref<2x163840x128xf32, #tpu.memory_space<hbm>>, %arg4: memref<2x163840x128xf32, #tpu.memory_space<hbm>>, %arg5: memref<2x163840x128xf32, #tpu.memory_space<hbm>>, %arg6: memref<2048x128xf32, #tpu.memory_space<vmem>>, %arg7: memref<2048x128xf32, #tpu.memory_space<vmem>>, %arg8: memref<2048x128xf32, #tpu.memory_space<vmem>>, %arg9: memref<!tpu.dma_semaphore, #tpu.memory_space<semaphore_mem>>, %arg10: memref<!tpu.dma_semaphore, #tpu.memory_space<semaphore_mem>>, %arg11: memref<!tpu.dma_semaphore, #tpu.memory_space<semaphore_mem>>) attributes {dimension_semantics = [], scalar_prefetch = 0 : i64, scratch_operands = 6 : i64, tpu.core_type = #tpu.core_type<tc>} {
    %get3A = arith.constant 0 : index
    %get3A_0 = memref.load %arg0[%get3A] : memref<32xi32, #tpu.memory_space<smem>>
    %add3A = arith.constant 2047 : i32
    %add3A_1 = arith.addi %get3A_0, %add3A : i32
    %jit3A = arith.constant 2048 : i32
    %div3A = arith.divsi %add3A_1, %jit3A : i32
    %sign3A = arith.constant 0 : i32
    %sign3A_2 = arith.cmpi sgt, %add3A_1, %sign3A : i32
    %sign3A_3 = arith.extui %sign3A_2 : i1 to i32
    %sign3A_4 = arith.constant 0 : i32
    %sign3A_5 = arith.cmpi slt, %add3A_1, %sign3A_4 : i32
    %sign3A_6 = arith.extui %sign3A_5 : i1 to i32
    %sign3A_7 = arith.subi %sign3A_3, %sign3A_6 : i32
    %sign3A_8 = arith.constant 0 : i32
    %sign3A_9 = arith.cmpi sgt, %jit3A, %sign3A_8 : i32
    %sign3A_10 = arith.extui %sign3A_9 : i1 to i32
    %sign3A_11 = arith.constant 0 : i32
    %sign3A_12 = arith.cmpi slt, %jit3A, %sign3A_11 : i32
    %sign3A_13 = arith.extui %sign3A_12 : i1 to i32
    %sign3A_14 = arith.subi %sign3A_10, %sign3A_13 : i32
    %ne3A = arith.cmpi ne, %sign3A_7, %sign3A_14 : i32
    %rem3A = arith.remsi %add3A_1, %jit3A : i32
    %ne3A_15 = arith.constant 0 : i32
    %ne3A_16 = arith.cmpi ne, %rem3A, %ne3A_15 : i32
    %and3A = arith.andi %ne3A, %ne3A_16 : i1
    %sub3A = arith.constant 1 : i32
    %sub3A_17 = arith.subi %div3A, %sub3A : i32
    %select_n3A = arith.select %and3A, %sub3A_17, %div3A : i32
    %while3A = arith.constant 0 : i32
    %while3A_18 = arith.constant 0 : i32
    %while3A_19 = arith.subi %select_n3A, %while3A : i32
    %while3A_20 = arith.addi %while3A, %while3A_19 : i32
    %while3A_21 = arith.constant 1 : i32
    %while3A_22 = arith.divsi %while3A_19, %while3A_21 : i32
    %while3A_23 = arith.muli %while3A_22, %while3A_21 : i32
    %while3A_24 = arith.addi %while3A, %while3A_23 : i32
    %while3A_25 = arith.constant 1 : i32
    %while3A_26 = scf.for %while3A_149 = %while3A to %while3A_24 step %while3A_25 iter_args(%while3A_150 = %while3A_18) -> (i32)  : i32 {
      %mul3A = arith.constant 2048 : i32
      %mul3A_151 = arith.muli %while3A_149, %mul3A : i32
      %add3A_152 = arith.constant 0 : i32
      %add3A_153 = arith.addi %add3A_152, %mul3A_151 : i32
      %dma_start3A = arith.constant 0 : i32
      %dma_start3A_154 = arith.constant 0 : i32
      %dma_start3A_155 = tpu.memref_slice %arg3[%dma_start3A, %add3A_153, %dma_start3A_154] : memref<2x163840x128xf32, #tpu.memory_space<hbm>> -> memref<1x2048x128xf32, #tpu.memory_space<hbm>>
      %dma_start3A_156 = tpu.memref_squeeze %dma_start3A_155 : memref<1x2048x128xf32, #tpu.memory_space<hbm>> -> memref<2048x128xf32, #tpu.memory_space<hbm>>
      tpu.enqueue_dma source(%dma_start3A_156 : memref<2048x128xf32, #tpu.memory_space<hbm>>) target(%arg6 : memref<2048x128xf32, #tpu.memory_space<vmem>>) target_semaphore(%arg9 : memref<!tpu.dma_semaphore, #tpu.memory_space<semaphore_mem>>)
      %dma_start3A_157 = arith.constant 0 : i32
      %dma_start3A_158 = arith.constant 0 : i32
      %dma_start3A_159 = tpu.memref_slice %arg4[%dma_start3A_157, %add3A_153, %dma_start3A_158] : memref<2x163840x128xf32, #tpu.memory_space<hbm>> -> memref<1x2048x128xf32, #tpu.memory_space<hbm>>
      %dma_start3A_160 = tpu.memref_squeeze %dma_start3A_159 : memref<1x2048x128xf32, #tpu.memory_space<hbm>> -> memref<2048x128xf32, #tpu.memory_space<hbm>>
      tpu.enqueue_dma source(%dma_start3A_160 : memref<2048x128xf32, #tpu.memory_space<hbm>>) target(%arg7 : memref<2048x128xf32, #tpu.memory_space<vmem>>) target_semaphore(%arg10 : memref<!tpu.dma_semaphore, #tpu.memory_space<semaphore_mem>>)
      %dma_wait3A = arith.constant 0 : i32
      %dma_wait3A_161 = arith.constant 0 : i32
      %dma_wait3A_162 = tpu.memref_slice %arg3[%dma_wait3A, %add3A_153, %dma_wait3A_161] : memref<2x163840x128xf32, #tpu.memory_space<hbm>> -> memref<1x2048x128xf32, #tpu.memory_space<hbm>>
      %dma_wait3A_163 = tpu.memref_squeeze %dma_wait3A_162 : memref<1x2048x128xf32, #tpu.memory_space<hbm>> -> memref<2048x128xf32, #tpu.memory_space<hbm>>
      tpu.wait_dma2 semaphore(%arg9 : memref<!tpu.dma_semaphore, #tpu.memory_space<semaphore_mem>>) src(%dma_wait3A_163 : memref<2048x128xf32, #tpu.memory_space<hbm>>) dst(%arg6 : memref<2048x128xf32, #tpu.memory_space<vmem>>)
      %dma_wait3A_164 = arith.constant 0 : i32
      %dma_wait3A_165 = arith.constant 0 : i32
      %dma_wait3A_166 = tpu.memref_slice %arg4[%dma_wait3A_164, %add3A_153, %dma_wait3A_165] : memref<2x163840x128xf32, #tpu.memory_space<hbm>> -> memref<1x2048x128xf32, #tpu.memory_space<hbm>>
      %dma_wait3A_167 = tpu.memref_squeeze %dma_wait3A_166 : memref<1x2048x128xf32, #tpu.memory_space<hbm>> -> memref<2048x128xf32, #tpu.memory_space<hbm>>
      tpu.wait_dma2 semaphore(%arg10 : memref<!tpu.dma_semaphore, #tpu.memory_space<semaphore_mem>>) src(%dma_wait3A_167 : memref<2048x128xf32, #tpu.memory_space<hbm>>) dst(%arg7 : memref<2048x128xf32, #tpu.memory_space<vmem>>)
      %get3A_168 = arith.constant 0 : index
      %get3A_169 = arith.constant 0 : index
      %get3A_170 = vector.load %arg7[%get3A_168, %get3A_169] : memref<2048x128xf32, #tpu.memory_space<vmem>>, vector<2048x128xf32>
      %get3A_171 = arith.constant 0 : index
      %get3A_172 = arith.constant 0 : index
      %get3A_173 = arith.constant 0 : index
      %get3A_174 = vector.load %arg1[%get3A_171, %get3A_172, %get3A_173] : memref<2x128x128xf32, #tpu.memory_space<vmem>>, vector<1x128x128xf32>
      %get3A_175 = vector.shape_cast %get3A_174 : vector<1x128x128xf32> to vector<128x128xf32>
      %dot_general3A = arith.constant dense<0.000000e+00> : vector<2048x128xf32>
      %dot_general3A_176 = tpu.matmul %get3A_170, %get3A_175, %dot_general3A {dimension_numbers = #tpu.dot_dimension_numbers<[1], [0], [0], [1], [0, 0, 1, 1], [], []>, transpose_lhs_hint = false} : vector<2048x128xf32>, vector<128x128xf32>, vector<2048x128xf32> -> vector<2048x128xf32>
      %get3A_177 = arith.constant 0 : index
      %get3A_178 = arith.constant 0 : index
      %get3A_179 = vector.load %arg2[%get3A_177, %get3A_178] : memref<1x128xf32, #tpu.memory_space<vmem>>, vector<1x128xf32>
      %add3A_180 = vector.broadcast %get3A_179 : vector<1x128xf32> to vector<2048x128xf32>
      %add3A_181 = arith.addf %dot_general3A_176, %add3A_180 : vector<2048x128xf32>
      %get3A_182 = arith.constant 0 : index
      %get3A_183 = arith.constant 0 : index
      %get3A_184 = vector.load %arg6[%get3A_182, %get3A_183] : memref<2048x128xf32, #tpu.memory_space<vmem>>, vector<2048x128xf32>
      %add3A_185 = arith.addf %get3A_184, %add3A_181 : vector<2048x128xf32>
      %max3A = arith.constant 0.000000e+00 : f32
      %max3A_186 = vector.broadcast %max3A : f32 to vector<2048x128xf32>
      %max3A_187 = arith.maximumf %add3A_185, %max3A_186 : vector<2048x128xf32>
      %swap3A = arith.constant 0 : index
      %swap3A_188 = arith.constant 0 : index
      %swap3A_189 = vector.load %arg8[%swap3A, %swap3A_188] : memref<2048x128xf32, #tpu.memory_space<vmem>>, vector<2048x128xf32>
      tpu.vector_store %arg8[%swap3A, %swap3A_188], %max3A_187 {strides = array<i32>} : memref<2048x128xf32, #tpu.memory_space<vmem>>, vector<2048x128xf32>,
      %dma_start3A_190 = arith.constant 0 : i32
      %dma_start3A_191 = arith.constant 0 : i32
      %dma_start3A_192 = tpu.memref_slice %arg5[%dma_start3A_190, %add3A_153, %dma_start3A_191] : memref<2x163840x128xf32, #tpu.memory_space<hbm>> -> memref<1x2048x128xf32, #tpu.memory_space<hbm>>
      %dma_start3A_193 = tpu.memref_squeeze %dma_start3A_192 : memref<1x2048x128xf32, #tpu.memory_space<hbm>> -> memref<2048x128xf32, #tpu.memory_space<hbm>>
      tpu.enqueue_dma source(%arg8 : memref<2048x128xf32, #tpu.memory_space<vmem>>) target(%dma_start3A_193 : memref<2048x128xf32, #tpu.memory_space<hbm>>) target_semaphore(%arg11 : memref<!tpu.dma_semaphore, #tpu.memory_space<semaphore_mem>>)
      %dma_wait3A_194 = arith.constant 0 : i32
      %dma_wait3A_195 = arith.constant 0 : i32
      %dma_wait3A_196 = tpu.memref_slice %arg5[%dma_wait3A_194, %add3A_153, %dma_wait3A_195] : memref<2x163840x128xf32, #tpu.memory_space<hbm>> -> memref<1x2048x128xf32, #tpu.memory_space<hbm>>
      %dma_wait3A_197 = tpu.memref_squeeze %dma_wait3A_196 : memref<1x2048x128xf32, #tpu.memory_space<hbm>> -> memref<2048x128xf32, #tpu.memory_space<hbm>>
      tpu.wait_dma2 semaphore(%arg11 : memref<!tpu.dma_semaphore, #tpu.memory_space<semaphore_mem>>) src(%arg8 : memref<2048x128xf32, #tpu.memory_space<vmem>>) dst(%dma_wait3A_197 : memref<2048x128xf32, #tpu.memory_space<hbm>>)
      %while3A_198 = arith.constant 0 : i32
      scf.yield %while3A_198 : i32
    }
    %while3A_27 = arith.constant 1 : i32
    %while3A_28 = scf.for %while3A_149 = %while3A_24 to %while3A_20 step %while3A_27 iter_args(%while3A_150 = %while3A_26) -> (i32)  : i32 {
      %mul3A = arith.constant 2048 : i32
      %mul3A_151 = arith.muli %while3A_149, %mul3A : i32
      %add3A_152 = arith.constant 0 : i32
      %add3A_153 = arith.addi %add3A_152, %mul3A_151 : i32
      %dma_start3A = arith.constant 0 : i32
      %dma_start3A_154 = arith.constant 0 : i32
      %dma_start3A_155 = tpu.memref_slice %arg3[%dma_start3A, %add3A_153, %dma_start3A_154] : memref<2x163840x128xf32, #tpu.memory_space<hbm>> -> memref<1x2048x128xf32, #tpu.memory_space<hbm>>
      %dma_start3A_156 = tpu.memref_squeeze %dma_start3A_155 : memref<1x2048x128xf32, #tpu.memory_space<hbm>> -> memref<2048x128xf32, #tpu.memory_space<hbm>>
      tpu.enqueue_dma source(%dma_start3A_156 : memref<2048x128xf32, #tpu.memory_space<hbm>>) target(%arg6 : memref<2048x128xf32, #tpu.memory_space<vmem>>) target_semaphore(%arg9 : memref<!tpu.dma_semaphore, #tpu.memory_space<semaphore_mem>>)
      %dma_start3A_157 = arith.constant 0 : i32
      %dma_start3A_158 = arith.constant 0 : i32
      %dma_start3A_159 = tpu.memref_slice %arg4[%dma_start3A_157, %add3A_153, %dma_start3A_158] : memref<2x163840x128xf32, #tpu.memory_space<hbm>> -> memref<1x2048x128xf32, #tpu.memory_space<hbm>>
      %dma_start3A_160 = tpu.memref_squeeze %dma_start3A_159 : memref<1x2048x128xf32, #tpu.memory_space<hbm>> -> memref<2048x128xf32, #tpu.memory_space<hbm>>
      tpu.enqueue_dma source(%dma_start3A_160 : memref<2048x128xf32, #tpu.memory_space<hbm>>) target(%arg7 : memref<2048x128xf32, #tpu.memory_space<vmem>>) target_semaphore(%arg10 : memref<!tpu.dma_semaphore, #tpu.memory_space<semaphore_mem>>)
      %dma_wait3A = arith.constant 0 : i32
      %dma_wait3A_161 = arith.constant 0 : i32
      %dma_wait3A_162 = tpu.memref_slice %arg3[%dma_wait3A, %add3A_153, %dma_wait3A_161] : memref<2x163840x128xf32, #tpu.memory_space<hbm>> -> memref<1x2048x128xf32, #tpu.memory_space<hbm>>
      %dma_wait3A_163 = tpu.memref_squeeze %dma_wait3A_162 : memref<1x2048x128xf32, #tpu.memory_space<hbm>> -> memref<2048x128xf32, #tpu.memory_space<hbm>>
      tpu.wait_dma2 semaphore(%arg9 : memref<!tpu.dma_semaphore, #tpu.memory_space<semaphore_mem>>) src(%dma_wait3A_163 : memref<2048x128xf32, #tpu.memory_space<hbm>>) dst(%arg6 : memref<2048x128xf32, #tpu.memory_space<vmem>>)
      %dma_wait3A_164 = arith.constant 0 : i32
      %dma_wait3A_165 = arith.constant 0 : i32
      %dma_wait3A_166 = tpu.memref_slice %arg4[%dma_wait3A_164, %add3A_153, %dma_wait3A_165] : memref<2x163840x128xf32, #tpu.memory_space<hbm>> -> memref<1x2048x128xf32, #tpu.memory_space<hbm>>
      %dma_wait3A_167 = tpu.memref_squeeze %dma_wait3A_166 : memref<1x2048x128xf32, #tpu.memory_space<hbm>> -> memref<2048x128xf32, #tpu.memory_space<hbm>>
      tpu.wait_dma2 semaphore(%arg10 : memref<!tpu.dma_semaphore, #tpu.memory_space<semaphore_mem>>) src(%dma_wait3A_167 : memref<2048x128xf32, #tpu.memory_space<hbm>>) dst(%arg7 : memref<2048x128xf32, #tpu.memory_space<vmem>>)
      %get3A_168 = arith.constant 0 : index
      %get3A_169 = arith.constant 0 : index
      %get3A_170 = vector.load %arg7[%get3A_168, %get3A_169] : memref<2048x128xf32, #tpu.memory_space<vmem>>, vector<2048x128xf32>
      %get3A_171 = arith.constant 0 : index
      %get3A_172 = arith.constant 0 : index
      %get3A_173 = arith.constant 0 : index
      %get3A_174 = vector.load %arg1[%get3A_171, %get3A_172, %get3A_173] : memref<2x128x128xf32, #tpu.memory_space<vmem>>, vector<1x128x128xf32>
      %get3A_175 = vector.shape_cast %get3A_174 : vector<1x128x128xf32> to vector<128x128xf32>
      %dot_general3A = arith.constant dense<0.000000e+00> : vector<2048x128xf32>
      %dot_general3A_176 = tpu.matmul %get3A_170, %get3A_175, %dot_general3A {dimension_numbers = #tpu.dot_dimension_numbers<[1], [0], [0], [1], [0, 0, 1, 1], [], []>, transpose_lhs_hint = false} : vector<2048x128xf32>, vector<128x128xf32>, vector<2048x128xf32> -> vector<2048x128xf32>
      %get3A_177 = arith.constant 0 : index
      %get3A_178 = arith.constant 0 : index
      %get3A_179 = vector.load %arg2[%get3A_177, %get3A_178] : memref<1x128xf32, #tpu.memory_space<vmem>>, vector<1x128xf32>
      %add3A_180 = vector.broadcast %get3A_179 : vector<1x128xf32> to vector<2048x128xf32>
      %add3A_181 = arith.addf %dot_general3A_176, %add3A_180 : vector<2048x128xf32>
      %get3A_182 = arith.constant 0 : index
      %get3A_183 = arith.constant 0 : index
      %get3A_184 = vector.load %arg6[%get3A_182, %get3A_183] : memref<2048x128xf32, #tpu.memory_space<vmem>>, vector<2048x128xf32>
      %add3A_185 = arith.addf %get3A_184, %add3A_181 : vector<2048x128xf32>
      %max3A = arith.constant 0.000000e+00 : f32
      %max3A_186 = vector.broadcast %max3A : f32 to vector<2048x128xf32>
      %max3A_187 = arith.maximumf %add3A_185, %max3A_186 : vector<2048x128xf32>
      %swap3A = arith.constant 0 : index
      %swap3A_188 = arith.constant 0 : index
      %swap3A_189 = vector.load %arg8[%swap3A, %swap3A_188] : memref<2048x128xf32, #tpu.memory_space<vmem>>, vector<2048x128xf32>
      tpu.vector_store %arg8[%swap3A, %swap3A_188], %max3A_187 {strides = array<i32>} : memref<2048x128xf32, #tpu.memory_space<vmem>>, vector<2048x128xf32>,
      %dma_start3A_190 = arith.constant 0 : i32
      %dma_start3A_191 = arith.constant 0 : i32
      %dma_start3A_192 = tpu.memref_slice %arg5[%dma_start3A_190, %add3A_153, %dma_start3A_191] : memref<2x163840x128xf32, #tpu.memory_space<hbm>> -> memref<1x2048x128xf32, #tpu.memory_space<hbm>>
      %dma_start3A_193 = tpu.memref_squeeze %dma_start3A_192 : memref<1x2048x128xf32, #tpu.memory_space<hbm>> -> memref<2048x128xf32, #tpu.memory_space<hbm>>
      tpu.enqueue_dma source(%arg8 : memref<2048x128xf32, #tpu.memory_space<vmem>>) target(%dma_start3A_193 : memref<2048x128xf32, #tpu.memory_space<hbm>>) target_semaphore(%arg11 : memref<!tpu.dma_semaphore, #tpu.memory_space<semaphore_mem>>)
      %dma_wait3A_194 = arith.constant 0 : i32
      %dma_wait3A_195 = arith.constant 0 : i32
      %dma_wait3A_196 = tpu.memref_slice %arg5[%dma_wait3A_194, %add3A_153, %dma_wait3A_195] : memref<2x163840x128xf32, #tpu.memory_space<hbm>> -> memref<1x2048x128xf32, #tpu.memory_space<hbm>>
      %dma_wait3A_197 = tpu.memref_squeeze %dma_wait3A_196 : memref<1x2048x128xf32, #tpu.memory_space<hbm>> -> memref<2048x128xf32, #tpu.memory_space<hbm>>
      tpu.wait_dma2 semaphore(%arg11 : memref<!tpu.dma_semaphore, #tpu.memory_space<semaphore_mem>>) src(%arg8 : memref<2048x128xf32, #tpu.memory_space<vmem>>) dst(%dma_wait3A_197 : memref<2048x128xf32, #tpu.memory_space<hbm>>)
      %while3A_198 = arith.constant 0 : i32
      scf.yield %while3A_198 : i32
    }
    %get3A_29 = arith.constant 1 : index
    %get3A_30 = memref.load %arg0[%get3A_29] : memref<32xi32, #tpu.memory_space<smem>>
    %add3A_31 = arith.constant 2047 : i32
    %add3A_32 = arith.addi %get3A_30, %add3A_31 : i32
    %jit3A_33 = arith.constant 2048 : i32
    %div3A_34 = arith.divsi %add3A_32, %jit3A_33 : i32
    %sign3A_35 = arith.constant 0 : i32
    %sign3A_36 = arith.cmpi sgt, %add3A_32, %sign3A_35 : i32
    %sign3A_37 = arith.extui %sign3A_36 : i1 to i32
    %sign3A_38 = arith.constant 0 : i32
    %sign3A_39 = arith.cmpi slt, %add3A_32, %sign3A_38 : i32
    %sign3A_40 = arith.extui %sign3A_39 : i1 to i32
    %sign3A_41 = arith.subi %sign3A_37, %sign3A_40 : i32
    %sign3A_42 = arith.constant 0 : i32
    %sign3A_43 = arith.cmpi sgt, %jit3A_33, %sign3A_42 : i32
    %sign3A_44 = arith.extui %sign3A_43 : i1 to i32
    %sign3A_45 = arith.constant 0 : i32
    %sign3A_46 = arith.cmpi slt, %jit3A_33, %sign3A_45 : i32
    %sign3A_47 = arith.extui %sign3A_46 : i1 to i32
    %sign3A_48 = arith.subi %sign3A_44, %sign3A_47 : i32
    %ne3A_49 = arith.cmpi ne, %sign3A_41, %sign3A_48 : i32
    %rem3A_50 = arith.remsi %add3A_32, %jit3A_33 : i32
    %ne3A_51 = arith.constant 0 : i32
    %ne3A_52 = arith.cmpi ne, %rem3A_50, %ne3A_51 : i32
    %and3A_53 = arith.andi %ne3A_49, %ne3A_52 : i1
    %sub3A_54 = arith.constant 1 : i32
    %sub3A_55 = arith.subi %div3A_34, %sub3A_54 : i32
    %select_n3A_56 = arith.select %and3A_53, %sub3A_55, %div3A_34 : i32
    %while3A_57 = arith.constant 0 : i32
    %while3A_58 = arith.constant 0 : i32
    %while3A_59 = arith.subi %select_n3A_56, %while3A_57 : i32
    %while3A_60 = arith.addi %while3A_57, %while3A_59 : i32
    %while3A_61 = arith.constant 1 : i32
    %while3A_62 = arith.divsi %while3A_59, %while3A_61 : i32
    %while3A_63 = arith.muli %while3A_62, %while3A_61 : i32
    %while3A_64 = arith.addi %while3A_57, %while3A_63 : i32
    %while3A_65 = arith.constant 1 : i32
    %while3A_66 = scf.for %while3A_149 = %while3A_57 to %while3A_64 step %while3A_65 iter_args(%while3A_150 = %while3A_58) -> (i32)  : i32 {
      %mul3A = arith.constant 2048 : i32
      %mul3A_151 = arith.muli %while3A_149, %mul3A : i32
      %add3A_152 = arith.constant 81920 : i32
      %add3A_153 = arith.addi %add3A_152, %mul3A_151 : i32
      %dma_start3A = arith.constant 0 : i32
      %dma_start3A_154 = arith.constant 0 : i32
      %dma_start3A_155 = tpu.memref_slice %arg3[%dma_start3A, %add3A_153, %dma_start3A_154] : memref<2x163840x128xf32, #tpu.memory_space<hbm>> -> memref<1x2048x128xf32, #tpu.memory_space<hbm>>
      %dma_start3A_156 = tpu.memref_squeeze %dma_start3A_155 : memref<1x2048x128xf32, #tpu.memory_space<hbm>> -> memref<2048x128xf32, #tpu.memory_space<hbm>>
      tpu.enqueue_dma source(%dma_start3A_156 : memref<2048x128xf32, #tpu.memory_space<hbm>>) target(%arg6 : memref<2048x128xf32, #tpu.memory_space<vmem>>) target_semaphore(%arg9 : memref<!tpu.dma_semaphore, #tpu.memory_space<semaphore_mem>>)
      %dma_start3A_157 = arith.constant 0 : i32
      %dma_start3A_158 = arith.constant 0 : i32
      %dma_start3A_159 = tpu.memref_slice %arg4[%dma_start3A_157, %add3A_153, %dma_start3A_158] : memref<2x163840x128xf32, #tpu.memory_space<hbm>> -> memref<1x2048x128xf32, #tpu.memory_space<hbm>>
      %dma_start3A_160 = tpu.memref_squeeze %dma_start3A_159 : memref<1x2048x128xf32, #tpu.memory_space<hbm>> -> memref<2048x128xf32, #tpu.memory_space<hbm>>
      tpu.enqueue_dma source(%dma_start3A_160 : memref<2048x128xf32, #tpu.memory_space<hbm>>) target(%arg7 : memref<2048x128xf32, #tpu.memory_space<vmem>>) target_semaphore(%arg10 : memref<!tpu.dma_semaphore, #tpu.memory_space<semaphore_mem>>)
      %dma_wait3A = arith.constant 0 : i32
      %dma_wait3A_161 = arith.constant 0 : i32
      %dma_wait3A_162 = tpu.memref_slice %arg3[%dma_wait3A, %add3A_153, %dma_wait3A_161] : memref<2x163840x128xf32, #tpu.memory_space<hbm>> -> memref<1x2048x128xf32, #tpu.memory_space<hbm>>
      %dma_wait3A_163 = tpu.memref_squeeze %dma_wait3A_162 : memref<1x2048x128xf32, #tpu.memory_space<hbm>> -> memref<2048x128xf32, #tpu.memory_space<hbm>>
      tpu.wait_dma2 semaphore(%arg9 : memref<!tpu.dma_semaphore, #tpu.memory_space<semaphore_mem>>) src(%dma_wait3A_163 : memref<2048x128xf32, #tpu.memory_space<hbm>>) dst(%arg6 : memref<2048x128xf32, #tpu.memory_space<vmem>>)
      %dma_wait3A_164 = arith.constant 0 : i32
      %dma_wait3A_165 = arith.constant 0 : i32
      %dma_wait3A_166 = tpu.memref_slice %arg4[%dma_wait3A_164, %add3A_153, %dma_wait3A_165] : memref<2x163840x128xf32, #tpu.memory_space<hbm>> -> memref<1x2048x128xf32, #tpu.memory_space<hbm>>
      %dma_wait3A_167 = tpu.memref_squeeze %dma_wait3A_166 : memref<1x2048x128xf32, #tpu.memory_space<hbm>> -> memref<2048x128xf32, #tpu.memory_space<hbm>>
      tpu.wait_dma2 semaphore(%arg10 : memref<!tpu.dma_semaphore, #tpu.memory_space<semaphore_mem>>) src(%dma_wait3A_167 : memref<2048x128xf32, #tpu.memory_space<hbm>>) dst(%arg7 : memref<2048x128xf32, #tpu.memory_space<vmem>>)
      %get3A_168 = arith.constant 0 : index
      %get3A_169 = arith.constant 0 : index
      %get3A_170 = vector.load %arg7[%get3A_168, %get3A_169] : memref<2048x128xf32, #tpu.memory_space<vmem>>, vector<2048x128xf32>
      %get3A_171 = arith.constant 1 : index
      %get3A_172 = arith.constant 0 : index
      %get3A_173 = arith.constant 0 : index
      %get3A_174 = vector.load %arg1[%get3A_171, %get3A_172, %get3A_173] : memref<2x128x128xf32, #tpu.memory_space<vmem>>, vector<1x128x128xf32>
      %get3A_175 = vector.shape_cast %get3A_174 : vector<1x128x128xf32> to vector<128x128xf32>
      %dot_general3A = arith.constant dense<0.000000e+00> : vector<2048x128xf32>
      %dot_general3A_176 = tpu.matmul %get3A_170, %get3A_175, %dot_general3A {dimension_numbers = #tpu.dot_dimension_numbers<[1], [0], [0], [1], [0, 0, 1, 1], [], []>, transpose_lhs_hint = false} : vector<2048x128xf32>, vector<128x128xf32>, vector<2048x128xf32> -> vector<2048x128xf32>
      %get3A_177 = arith.constant 0 : index
      %get3A_178 = arith.constant 0 : index
      %get3A_179 = vector.load %arg2[%get3A_177, %get3A_178] : memref<1x128xf32, #tpu.memory_space<vmem>>, vector<1x128xf32>
      %add3A_180 = vector.broadcast %get3A_179 : vector<1x128xf32> to vector<2048x128xf32>
      %add3A_181 = arith.addf %dot_general3A_176, %add3A_180 : vector<2048x128xf32>
      %get3A_182 = arith.constant 0 : index
      %get3A_183 = arith.constant 0 : index
      %get3A_184 = vector.load %arg6[%get3A_182, %get3A_183] : memref<2048x128xf32, #tpu.memory_space<vmem>>, vector<2048x128xf32>
      %add3A_185 = arith.addf %get3A_184, %add3A_181 : vector<2048x128xf32>
      %max3A = arith.constant 0.000000e+00 : f32
      %max3A_186 = vector.broadcast %max3A : f32 to vector<2048x128xf32>
      %max3A_187 = arith.maximumf %add3A_185, %max3A_186 : vector<2048x128xf32>
      %swap3A = arith.constant 0 : index
      %swap3A_188 = arith.constant 0 : index
      %swap3A_189 = vector.load %arg8[%swap3A, %swap3A_188] : memref<2048x128xf32, #tpu.memory_space<vmem>>, vector<2048x128xf32>
      tpu.vector_store %arg8[%swap3A, %swap3A_188], %max3A_187 {strides = array<i32>} : memref<2048x128xf32, #tpu.memory_space<vmem>>, vector<2048x128xf32>,
      %dma_start3A_190 = arith.constant 0 : i32
      %dma_start3A_191 = arith.constant 0 : i32
      %dma_start3A_192 = tpu.memref_slice %arg5[%dma_start3A_190, %add3A_153, %dma_start3A_191] : memref<2x163840x128xf32, #tpu.memory_space<hbm>> -> memref<1x2048x128xf32, #tpu.memory_space<hbm>>
      %dma_start3A_193 = tpu.memref_squeeze %dma_start3A_192 : memref<1x2048x128xf32, #tpu.memory_space<hbm>> -> memref<2048x128xf32, #tpu.memory_space<hbm>>
      tpu.enqueue_dma source(%arg8 : memref<2048x128xf32, #tpu.memory_space<vmem>>) target(%dma_start3A_193 : memref<2048x128xf32, #tpu.memory_space<hbm>>) target_semaphore(%arg11 : memref<!tpu.dma_semaphore, #tpu.memory_space<semaphore_mem>>)
      %dma_wait3A_194 = arith.constant 0 : i32
      %dma_wait3A_195 = arith.constant 0 : i32
      %dma_wait3A_196 = tpu.memref_slice %arg5[%dma_wait3A_194, %add3A_153, %dma_wait3A_195] : memref<2x163840x128xf32, #tpu.memory_space<hbm>> -> memref<1x2048x128xf32, #tpu.memory_space<hbm>>
      %dma_wait3A_197 = tpu.memref_squeeze %dma_wait3A_196 : memref<1x2048x128xf32, #tpu.memory_space<hbm>> -> memref<2048x128xf32, #tpu.memory_space<hbm>>
      tpu.wait_dma2 semaphore(%arg11 : memref<!tpu.dma_semaphore, #tpu.memory_space<semaphore_mem>>) src(%arg8 : memref<2048x128xf32, #tpu.memory_space<vmem>>) dst(%dma_wait3A_197 : memref<2048x128xf32, #tpu.memory_space<hbm>>)
      %while3A_198 = arith.constant 0 : i32
      scf.yield %while3A_198 : i32
    }
    %while3A_67 = arith.constant 1 : i32
    %while3A_68 = scf.for %while3A_149 = %while3A_64 to %while3A_60 step %while3A_67 iter_args(%while3A_150 = %while3A_66) -> (i32)  : i32 {
      %mul3A = arith.constant 2048 : i32
      %mul3A_151 = arith.muli %while3A_149, %mul3A : i32
      %add3A_152 = arith.constant 81920 : i32
      %add3A_153 = arith.addi %add3A_152, %mul3A_151 : i32
      %dma_start3A = arith.constant 0 : i32
      %dma_start3A_154 = arith.constant 0 : i32
      %dma_start3A_155 = tpu.memref_slice %arg3[%dma_start3A, %add3A_153, %dma_start3A_154] : memref<2x163840x128xf32, #tpu.memory_space<hbm>> -> memref<1x2048x128xf32, #tpu.memory_space<hbm>>
      %dma_start3A_156 = tpu.memref_squeeze %dma_start3A_155 : memref<1x2048x128xf32, #tpu.memory_space<hbm>> -> memref<2048x128xf32, #tpu.memory_space<hbm>>
      tpu.enqueue_dma source(%dma_start3A_156 : memref<2048x128xf32, #tpu.memory_space<hbm>>) target(%arg6 : memref<2048x128xf32, #tpu.memory_space<vmem>>) target_semaphore(%arg9 : memref<!tpu.dma_semaphore, #tpu.memory_space<semaphore_mem>>)
      %dma_start3A_157 = arith.constant 0 : i32
      %dma_start3A_158 = arith.constant 0 : i32
      %dma_start3A_159 = tpu.memref_slice %arg4[%dma_start3A_157, %add3A_153, %dma_start3A_158] : memref<2x163840x128xf32, #tpu.memory_space<hbm>> -> memref<1x2048x128xf32, #tpu.memory_space<hbm>>
      %dma_start3A_160 = tpu.memref_squeeze %dma_start3A_159 : memref<1x2048x128xf32, #tpu.memory_space<hbm>> -> memref<2048x128xf32, #tpu.memory_space<hbm>>
      tpu.enqueue_dma source(%dma_start3A_160 : memref<2048x128xf32, #tpu.memory_space<hbm>>) target(%arg7 : memref<2048x128xf32, #tpu.memory_space<vmem>>) target_semaphore(%arg10 : memref<!tpu.dma_semaphore, #tpu.memory_space<semaphore_mem>>)
      %dma_wait3A = arith.constant 0 : i32
      %dma_wait3A_161 = arith.constant 0 : i32
      %dma_wait3A_162 = tpu.memref_slice %arg3[%dma_wait3A, %add3A_153, %dma_wait3A_161] : memref<2x163840x128xf32, #tpu.memory_space<hbm>> -> memref<1x2048x128xf32, #tpu.memory_space<hbm>>
      %dma_wait3A_163 = tpu.memref_squeeze %dma_wait3A_162 : memref<1x2048x128xf32, #tpu.memory_space<hbm>> -> memref<2048x128xf32, #tpu.memory_space<hbm>>
      tpu.wait_dma2 semaphore(%arg9 : memref<!tpu.dma_semaphore, #tpu.memory_space<semaphore_mem>>) src(%dma_wait3A_163 : memref<2048x128xf32, #tpu.memory_space<hbm>>) dst(%arg6 : memref<2048x128xf32, #tpu.memory_space<vmem>>)
      %dma_wait3A_164 = arith.constant 0 : i32
      %dma_wait3A_165 = arith.constant 0 : i32
      %dma_wait3A_166 = tpu.memref_slice %arg4[%dma_wait3A_164, %add3A_153, %dma_wait3A_165] : memref<2x163840x128xf32, #tpu.memory_space<hbm>> -> memref<1x2048x128xf32, #tpu.memory_space<hbm>>
      %dma_wait3A_167 = tpu.memref_squeeze %dma_wait3A_166 : memref<1x2048x128xf32, #tpu.memory_space<hbm>> -> memref<2048x128xf32, #tpu.memory_space<hbm>>
      tpu.wait_dma2 semaphore(%arg10 : memref<!tpu.dma_semaphore, #tpu.memory_space<semaphore_mem>>) src(%dma_wait3A_167 : memref<2048x128xf32, #tpu.memory_space<hbm>>) dst(%arg7 : memref<2048x128xf32, #tpu.memory_space<vmem>>)
      %get3A_168 = arith.constant 0 : index
      %get3A_169 = arith.constant 0 : index
      %get3A_170 = vector.load %arg7[%get3A_168, %get3A_169] : memref<2048x128xf32, #tpu.memory_space<vmem>>, vector<2048x128xf32>
      %get3A_171 = arith.constant 1 : index
      %get3A_172 = arith.constant 0 : index
      %get3A_173 = arith.constant 0 : index
      %get3A_174 = vector.load %arg1[%get3A_171, %get3A_172, %get3A_173] : memref<2x128x128xf32, #tpu.memory_space<vmem>>, vector<1x128x128xf32>
      %get3A_175 = vector.shape_cast %get3A_174 : vector<1x128x128xf32> to vector<128x128xf32>
      %dot_general3A = arith.constant dense<0.000000e+00> : vector<2048x128xf32>
      %dot_general3A_176 = tpu.matmul %get3A_170, %get3A_175, %dot_general3A {dimension_numbers = #tpu.dot_dimension_numbers<[1], [0], [0], [1], [0, 0, 1, 1], [], []>, transpose_lhs_hint = false} : vector<2048x128xf32>, vector<128x128xf32>, vector<2048x128xf32> -> vector<2048x128xf32>
      %get3A_177 = arith.constant 0 : index
      %get3A_178 = arith.constant 0 : index
      %get3A_179 = vector.load %arg2[%get3A_177, %get3A_178] : memref<1x128xf32, #tpu.memory_space<vmem>>, vector<1x128xf32>
      %add3A_180 = vector.broadcast %get3A_179 : vector<1x128xf32> to vector<2048x128xf32>
      %add3A_181 = arith.addf %dot_general3A_176, %add3A_180 : vector<2048x128xf32>
      %get3A_182 = arith.constant 0 : index
      %get3A_183 = arith.constant 0 : index
      %get3A_184 = vector.load %arg6[%get3A_182, %get3A_183] : memref<2048x128xf32, #tpu.memory_space<vmem>>, vector<2048x128xf32>
      %add3A_185 = arith.addf %get3A_184, %add3A_181 : vector<2048x128xf32>
      %max3A = arith.constant 0.000000e+00 : f32
      %max3A_186 = vector.broadcast %max3A : f32 to vector<2048x128xf32>
      %max3A_187 = arith.maximumf %add3A_185, %max3A_186 : vector<2048x128xf32>
      %swap3A = arith.constant 0 : index
      %swap3A_188 = arith.constant 0 : index
      %swap3A_189 = vector.load %arg8[%swap3A, %swap3A_188] : memref<2048x128xf32, #tpu.memory_space<vmem>>, vector<2048x128xf32>
      tpu.vector_store %arg8[%swap3A, %swap3A_188], %max3A_187 {strides = array<i32>} : memref<2048x128xf32, #tpu.memory_space<vmem>>, vector<2048x128xf32>,
      %dma_start3A_190 = arith.constant 0 : i32
      %dma_start3A_191 = arith.constant 0 : i32
      %dma_start3A_192 = tpu.memref_slice %arg5[%dma_start3A_190, %add3A_153, %dma_start3A_191] : memref<2x163840x128xf32, #tpu.memory_space<hbm>> -> memref<1x2048x128xf32, #tpu.memory_space<hbm>>
      %dma_start3A_193 = tpu.memref_squeeze %dma_start3A_192 : memref<1x2048x128xf32, #tpu.memory_space<hbm>> -> memref<2048x128xf32, #tpu.memory_space<hbm>>
      tpu.enqueue_dma source(%arg8 : memref<2048x128xf32, #tpu.memory_space<vmem>>) target(%dma_start3A_193 : memref<2048x128xf32, #tpu.memory_space<hbm>>) target_semaphore(%arg11 : memref<!tpu.dma_semaphore, #tpu.memory_space<semaphore_mem>>)
      %dma_wait3A_194 = arith.constant 0 : i32
      %dma_wait3A_195 = arith.constant 0 : i32
      %dma_wait3A_196 = tpu.memref_slice %arg5[%dma_wait3A_194, %add3A_153, %dma_wait3A_195] : memref<2x163840x128xf32, #tpu.memory_space<hbm>> -> memref<1x2048x128xf32, #tpu.memory_space<hbm>>
      %dma_wait3A_197 = tpu.memref_squeeze %dma_wait3A_196 : memref<1x2048x128xf32, #tpu.memory_space<hbm>> -> memref<2048x128xf32, #tpu.memory_space<hbm>>
      tpu.wait_dma2 semaphore(%arg11 : memref<!tpu.dma_semaphore, #tpu.memory_space<semaphore_mem>>) src(%arg8 : memref<2048x128xf32, #tpu.memory_space<vmem>>) dst(%dma_wait3A_197 : memref<2048x128xf32, #tpu.memory_space<hbm>>)
      %while3A_198 = arith.constant 0 : i32
      scf.yield %while3A_198 : i32
    }
    %get3A_69 = arith.constant 16 : index
    %get3A_70 = memref.load %arg0[%get3A_69] : memref<32xi32, #tpu.memory_space<smem>>
    %add3A_71 = arith.constant 2047 : i32
    %add3A_72 = arith.addi %get3A_70, %add3A_71 : i32
    %jit3A_73 = arith.constant 2048 : i32
    %div3A_74 = arith.divsi %add3A_72, %jit3A_73 : i32
    %sign3A_75 = arith.constant 0 : i32
    %sign3A_76 = arith.cmpi sgt, %add3A_72, %sign3A_75 : i32
    %sign3A_77 = arith.extui %sign3A_76 : i1 to i32
    %sign3A_78 = arith.constant 0 : i32
    %sign3A_79 = arith.cmpi slt, %add3A_72, %sign3A_78 : i32
    %sign3A_80 = arith.extui %sign3A_79 : i1 to i32
    %sign3A_81 = arith.subi %sign3A_77, %sign3A_80 : i32
    %sign3A_82 = arith.constant 0 : i32
    %sign3A_83 = arith.cmpi sgt, %jit3A_73, %sign3A_82 : i32
    %sign3A_84 = arith.extui %sign3A_83 : i1 to i32
    %sign3A_85 = arith.constant 0 : i32
    %sign3A_86 = arith.cmpi slt, %jit3A_73, %sign3A_85 : i32
    %sign3A_87 = arith.extui %sign3A_86 : i1 to i32
    %sign3A_88 = arith.subi %sign3A_84, %sign3A_87 : i32
    %ne3A_89 = arith.cmpi ne, %sign3A_81, %sign3A_88 : i32
    %rem3A_90 = arith.remsi %add3A_72, %jit3A_73 : i32
    %ne3A_91 = arith.constant 0 : i32
    %ne3A_92 = arith.cmpi ne, %rem3A_90, %ne3A_91 : i32
    %and3A_93 = arith.andi %ne3A_89, %ne3A_92 : i1
    %sub3A_94 = arith.constant 1 : i32
    %sub3A_95 = arith.subi %div3A_74, %sub3A_94 : i32
    %select_n3A_96 = arith.select %and3A_93, %sub3A_95, %div3A_74 : i32
    %while3A_97 = arith.constant 0 : i32
    %while3A_98 = arith.constant 0 : i32
    %while3A_99 = arith.subi %select_n3A_96, %while3A_97 : i32
    %while3A_100 = arith.addi %while3A_97, %while3A_99 : i32
    %while3A_101 = arith.constant 1 : i32
    %while3A_102 = arith.divsi %while3A_99, %while3A_101 : i32
    %while3A_103 = arith.muli %while3A_102, %while3A_101 : i32
    %while3A_104 = arith.addi %while3A_97, %while3A_103 : i32
    %while3A_105 = arith.constant 1 : i32
    %while3A_106 = scf.for %while3A_149 = %while3A_97 to %while3A_104 step %while3A_105 iter_args(%while3A_150 = %while3A_98) -> (i32)  : i32 {
      %mul3A = arith.constant 2048 : i32
      %mul3A_151 = arith.muli %while3A_149, %mul3A : i32
      %add3A_152 = arith.constant 0 : i32
      %add3A_153 = arith.addi %add3A_152, %mul3A_151 : i32
      %dma_start3A = arith.constant 1 : i32
      %dma_start3A_154 = arith.constant 0 : i32
      %dma_start3A_155 = tpu.memref_slice %arg3[%dma_start3A, %add3A_153, %dma_start3A_154] : memref<2x163840x128xf32, #tpu.memory_space<hbm>> -> memref<1x2048x128xf32, #tpu.memory_space<hbm>>
      %dma_start3A_156 = tpu.memref_squeeze %dma_start3A_155 : memref<1x2048x128xf32, #tpu.memory_space<hbm>> -> memref<2048x128xf32, #tpu.memory_space<hbm>>
      tpu.enqueue_dma source(%dma_start3A_156 : memref<2048x128xf32, #tpu.memory_space<hbm>>) target(%arg6 : memref<2048x128xf32, #tpu.memory_space<vmem>>) target_semaphore(%arg9 : memref<!tpu.dma_semaphore, #tpu.memory_space<semaphore_mem>>)
      %dma_start3A_157 = arith.constant 1 : i32
      %dma_start3A_158 = arith.constant 0 : i32
      %dma_start3A_159 = tpu.memref_slice %arg4[%dma_start3A_157, %add3A_153, %dma_start3A_158] : memref<2x163840x128xf32, #tpu.memory_space<hbm>> -> memref<1x2048x128xf32, #tpu.memory_space<hbm>>
      %dma_start3A_160 = tpu.memref_squeeze %dma_start3A_159 : memref<1x2048x128xf32, #tpu.memory_space<hbm>> -> memref<2048x128xf32, #tpu.memory_space<hbm>>
      tpu.enqueue_dma source(%dma_start3A_160 : memref<2048x128xf32, #tpu.memory_space<hbm>>) target(%arg7 : memref<2048x128xf32, #tpu.memory_space<vmem>>) target_semaphore(%arg10 : memref<!tpu.dma_semaphore, #tpu.memory_space<semaphore_mem>>)
      %dma_wait3A = arith.constant 1 : i32
      %dma_wait3A_161 = arith.constant 0 : i32
      %dma_wait3A_162 = tpu.memref_slice %arg3[%dma_wait3A, %add3A_153, %dma_wait3A_161] : memref<2x163840x128xf32, #tpu.memory_space<hbm>> -> memref<1x2048x128xf32, #tpu.memory_space<hbm>>
      %dma_wait3A_163 = tpu.memref_squeeze %dma_wait3A_162 : memref<1x2048x128xf32, #tpu.memory_space<hbm>> -> memref<2048x128xf32, #tpu.memory_space<hbm>>
      tpu.wait_dma2 semaphore(%arg9 : memref<!tpu.dma_semaphore, #tpu.memory_space<semaphore_mem>>) src(%dma_wait3A_163 : memref<2048x128xf32, #tpu.memory_space<hbm>>) dst(%arg6 : memref<2048x128xf32, #tpu.memory_space<vmem>>)
      %dma_wait3A_164 = arith.constant 1 : i32
      %dma_wait3A_165 = arith.constant 0 : i32
      %dma_wait3A_166 = tpu.memref_slice %arg4[%dma_wait3A_164, %add3A_153, %dma_wait3A_165] : memref<2x163840x128xf32, #tpu.memory_space<hbm>> -> memref<1x2048x128xf32, #tpu.memory_space<hbm>>
      %dma_wait3A_167 = tpu.memref_squeeze %dma_wait3A_166 : memref<1x2048x128xf32, #tpu.memory_space<hbm>> -> memref<2048x128xf32, #tpu.memory_space<hbm>>
      tpu.wait_dma2 semaphore(%arg10 : memref<!tpu.dma_semaphore, #tpu.memory_space<semaphore_mem>>) src(%dma_wait3A_167 : memref<2048x128xf32, #tpu.memory_space<hbm>>) dst(%arg7 : memref<2048x128xf32, #tpu.memory_space<vmem>>)
      %get3A_168 = arith.constant 0 : index
      %get3A_169 = arith.constant 0 : index
      %get3A_170 = vector.load %arg7[%get3A_168, %get3A_169] : memref<2048x128xf32, #tpu.memory_space<vmem>>, vector<2048x128xf32>
      %get3A_171 = arith.constant 0 : index
      %get3A_172 = arith.constant 0 : index
      %get3A_173 = arith.constant 0 : index
      %get3A_174 = vector.load %arg1[%get3A_171, %get3A_172, %get3A_173] : memref<2x128x128xf32, #tpu.memory_space<vmem>>, vector<1x128x128xf32>
      %get3A_175 = vector.shape_cast %get3A_174 : vector<1x128x128xf32> to vector<128x128xf32>
      %dot_general3A = arith.constant dense<0.000000e+00> : vector<2048x128xf32>
      %dot_general3A_176 = tpu.matmul %get3A_170, %get3A_175, %dot_general3A {dimension_numbers = #tpu.dot_dimension_numbers<[1], [0], [0], [1], [0, 0, 1, 1], [], []>, transpose_lhs_hint = false} : vector<2048x128xf32>, vector<128x128xf32>, vector<2048x128xf32> -> vector<2048x128xf32>
      %get3A_177 = arith.constant 0 : index
      %get3A_178 = arith.constant 0 : index
      %get3A_179 = vector.load %arg2[%get3A_177, %get3A_178] : memref<1x128xf32, #tpu.memory_space<vmem>>, vector<1x128xf32>
      %add3A_180 = vector.broadcast %get3A_179 : vector<1x128xf32> to vector<2048x128xf32>
      %add3A_181 = arith.addf %dot_general3A_176, %add3A_180 : vector<2048x128xf32>
      %get3A_182 = arith.constant 0 : index
      %get3A_183 = arith.constant 0 : index
      %get3A_184 = vector.load %arg6[%get3A_182, %get3A_183] : memref<2048x128xf32, #tpu.memory_space<vmem>>, vector<2048x128xf32>
      %add3A_185 = arith.addf %get3A_184, %add3A_181 : vector<2048x128xf32>
      %max3A = arith.constant 0.000000e+00 : f32
      %max3A_186 = vector.broadcast %max3A : f32 to vector<2048x128xf32>
      %max3A_187 = arith.maximumf %add3A_185, %max3A_186 : vector<2048x128xf32>
      %swap3A = arith.constant 0 : index
      %swap3A_188 = arith.constant 0 : index
      %swap3A_189 = vector.load %arg8[%swap3A, %swap3A_188] : memref<2048x128xf32, #tpu.memory_space<vmem>>, vector<2048x128xf32>
      tpu.vector_store %arg8[%swap3A, %swap3A_188], %max3A_187 {strides = array<i32>} : memref<2048x128xf32, #tpu.memory_space<vmem>>, vector<2048x128xf32>,
      %dma_start3A_190 = arith.constant 1 : i32
      %dma_start3A_191 = arith.constant 0 : i32
      %dma_start3A_192 = tpu.memref_slice %arg5[%dma_start3A_190, %add3A_153, %dma_start3A_191] : memref<2x163840x128xf32, #tpu.memory_space<hbm>> -> memref<1x2048x128xf32, #tpu.memory_space<hbm>>
      %dma_start3A_193 = tpu.memref_squeeze %dma_start3A_192 : memref<1x2048x128xf32, #tpu.memory_space<hbm>> -> memref<2048x128xf32, #tpu.memory_space<hbm>>
      tpu.enqueue_dma source(%arg8 : memref<2048x128xf32, #tpu.memory_space<vmem>>) target(%dma_start3A_193 : memref<2048x128xf32, #tpu.memory_space<hbm>>) target_semaphore(%arg11 : memref<!tpu.dma_semaphore, #tpu.memory_space<semaphore_mem>>)
      %dma_wait3A_194 = arith.constant 1 : i32
      %dma_wait3A_195 = arith.constant 0 : i32
      %dma_wait3A_196 = tpu.memref_slice %arg5[%dma_wait3A_194, %add3A_153, %dma_wait3A_195] : memref<2x163840x128xf32, #tpu.memory_space<hbm>> -> memref<1x2048x128xf32, #tpu.memory_space<hbm>>
      %dma_wait3A_197 = tpu.memref_squeeze %dma_wait3A_196 : memref<1x2048x128xf32, #tpu.memory_space<hbm>> -> memref<2048x128xf32, #tpu.memory_space<hbm>>
      tpu.wait_dma2 semaphore(%arg11 : memref<!tpu.dma_semaphore, #tpu.memory_space<semaphore_mem>>) src(%arg8 : memref<2048x128xf32, #tpu.memory_space<vmem>>) dst(%dma_wait3A_197 : memref<2048x128xf32, #tpu.memory_space<hbm>>)
      %while3A_198 = arith.constant 0 : i32
      scf.yield %while3A_198 : i32
    }
    %while3A_107 = arith.constant 1 : i32
    %while3A_108 = scf.for %while3A_149 = %while3A_104 to %while3A_100 step %while3A_107 iter_args(%while3A_150 = %while3A_106) -> (i32)  : i32 {
      %mul3A = arith.constant 2048 : i32
      %mul3A_151 = arith.muli %while3A_149, %mul3A : i32
      %add3A_152 = arith.constant 0 : i32
      %add3A_153 = arith.addi %add3A_152, %mul3A_151 : i32
      %dma_start3A = arith.constant 1 : i32
      %dma_start3A_154 = arith.constant 0 : i32
      %dma_start3A_155 = tpu.memref_slice %arg3[%dma_start3A, %add3A_153, %dma_start3A_154] : memref<2x163840x128xf32, #tpu.memory_space<hbm>> -> memref<1x2048x128xf32, #tpu.memory_space<hbm>>
      %dma_start3A_156 = tpu.memref_squeeze %dma_start3A_155 : memref<1x2048x128xf32, #tpu.memory_space<hbm>> -> memref<2048x128xf32, #tpu.memory_space<hbm>>
      tpu.enqueue_dma source(%dma_start3A_156 : memref<2048x128xf32, #tpu.memory_space<hbm>>) target(%arg6 : memref<2048x128xf32, #tpu.memory_space<vmem>>) target_semaphore(%arg9 : memref<!tpu.dma_semaphore, #tpu.memory_space<semaphore_mem>>)
      %dma_start3A_157 = arith.constant 1 : i32
      %dma_start3A_158 = arith.constant 0 : i32
      %dma_start3A_159 = tpu.memref_slice %arg4[%dma_start3A_157, %add3A_153, %dma_start3A_158] : memref<2x163840x128xf32, #tpu.memory_space<hbm>> -> memref<1x2048x128xf32, #tpu.memory_space<hbm>>
      %dma_start3A_160 = tpu.memref_squeeze %dma_start3A_159 : memref<1x2048x128xf32, #tpu.memory_space<hbm>> -> memref<2048x128xf32, #tpu.memory_space<hbm>>
      tpu.enqueue_dma source(%dma_start3A_160 : memref<2048x128xf32, #tpu.memory_space<hbm>>) target(%arg7 : memref<2048x128xf32, #tpu.memory_space<vmem>>) target_semaphore(%arg10 : memref<!tpu.dma_semaphore, #tpu.memory_space<semaphore_mem>>)
      %dma_wait3A = arith.constant 1 : i32
      %dma_wait3A_161 = arith.constant 0 : i32
      %dma_wait3A_162 = tpu.memref_slice %arg3[%dma_wait3A, %add3A_153, %dma_wait3A_161] : memref<2x163840x128xf32, #tpu.memory_space<hbm>> -> memref<1x2048x128xf32, #tpu.memory_space<hbm>>
      %dma_wait3A_163 = tpu.memref_squeeze %dma_wait3A_162 : memref<1x2048x128xf32, #tpu.memory_space<hbm>> -> memref<2048x128xf32, #tpu.memory_space<hbm>>
      tpu.wait_dma2 semaphore(%arg9 : memref<!tpu.dma_semaphore, #tpu.memory_space<semaphore_mem>>) src(%dma_wait3A_163 : memref<2048x128xf32, #tpu.memory_space<hbm>>) dst(%arg6 : memref<2048x128xf32, #tpu.memory_space<vmem>>)
      %dma_wait3A_164 = arith.constant 1 : i32
      %dma_wait3A_165 = arith.constant 0 : i32
      %dma_wait3A_166 = tpu.memref_slice %arg4[%dma_wait3A_164, %add3A_153, %dma_wait3A_165] : memref<2x163840x128xf32, #tpu.memory_space<hbm>> -> memref<1x2048x128xf32, #tpu.memory_space<hbm>>
      %dma_wait3A_167 = tpu.memref_squeeze %dma_wait3A_166 : memref<1x2048x128xf32, #tpu.memory_space<hbm>> -> memref<2048x128xf32, #tpu.memory_space<hbm>>
      tpu.wait_dma2 semaphore(%arg10 : memref<!tpu.dma_semaphore, #tpu.memory_space<semaphore_mem>>) src(%dma_wait3A_167 : memref<2048x128xf32, #tpu.memory_space<hbm>>) dst(%arg7 : memref<2048x128xf32, #tpu.memory_space<vmem>>)
      %get3A_168 = arith.constant 0 : index
      %get3A_169 = arith.constant 0 : index
      %get3A_170 = vector.load %arg7[%get3A_168, %get3A_169] : memref<2048x128xf32, #tpu.memory_space<vmem>>, vector<2048x128xf32>
      %get3A_171 = arith.constant 0 : index
      %get3A_172 = arith.constant 0 : index
      %get3A_173 = arith.constant 0 : index
      %get3A_174 = vector.load %arg1[%get3A_171, %get3A_172, %get3A_173] : memref<2x128x128xf32, #tpu.memory_space<vmem>>, vector<1x128x128xf32>
      %get3A_175 = vector.shape_cast %get3A_174 : vector<1x128x128xf32> to vector<128x128xf32>
      %dot_general3A = arith.constant dense<0.000000e+00> : vector<2048x128xf32>
      %dot_general3A_176 = tpu.matmul %get3A_170, %get3A_175, %dot_general3A {dimension_numbers = #tpu.dot_dimension_numbers<[1], [0], [0], [1], [0, 0, 1, 1], [], []>, transpose_lhs_hint = false} : vector<2048x128xf32>, vector<128x128xf32>, vector<2048x128xf32> -> vector<2048x128xf32>
      %get3A_177 = arith.constant 0 : index
      %get3A_178 = arith.constant 0 : index
      %get3A_179 = vector.load %arg2[%get3A_177, %get3A_178] : memref<1x128xf32, #tpu.memory_space<vmem>>, vector<1x128xf32>
      %add3A_180 = vector.broadcast %get3A_179 : vector<1x128xf32> to vector<2048x128xf32>
      %add3A_181 = arith.addf %dot_general3A_176, %add3A_180 : vector<2048x128xf32>
      %get3A_182 = arith.constant 0 : index
      %get3A_183 = arith.constant 0 : index
      %get3A_184 = vector.load %arg6[%get3A_182, %get3A_183] : memref<2048x128xf32, #tpu.memory_space<vmem>>, vector<2048x128xf32>
      %add3A_185 = arith.addf %get3A_184, %add3A_181 : vector<2048x128xf32>
      %max3A = arith.constant 0.000000e+00 : f32
      %max3A_186 = vector.broadcast %max3A : f32 to vector<2048x128xf32>
      %max3A_187 = arith.maximumf %add3A_185, %max3A_186 : vector<2048x128xf32>
      %swap3A = arith.constant 0 : index
      %swap3A_188 = arith.constant 0 : index
      %swap3A_189 = vector.load %arg8[%swap3A, %swap3A_188] : memref<2048x128xf32, #tpu.memory_space<vmem>>, vector<2048x128xf32>
      tpu.vector_store %arg8[%swap3A, %swap3A_188], %max3A_187 {strides = array<i32>} : memref<2048x128xf32, #tpu.memory_space<vmem>>, vector<2048x128xf32>,
      %dma_start3A_190 = arith.constant 1 : i32
      %dma_start3A_191 = arith.constant 0 : i32
      %dma_start3A_192 = tpu.memref_slice %arg5[%dma_start3A_190, %add3A_153, %dma_start3A_191] : memref<2x163840x128xf32, #tpu.memory_space<hbm>> -> memref<1x2048x128xf32, #tpu.memory_space<hbm>>
      %dma_start3A_193 = tpu.memref_squeeze %dma_start3A_192 : memref<1x2048x128xf32, #tpu.memory_space<hbm>> -> memref<2048x128xf32, #tpu.memory_space<hbm>>
      tpu.enqueue_dma source(%arg8 : memref<2048x128xf32, #tpu.memory_space<vmem>>) target(%dma_start3A_193 : memref<2048x128xf32, #tpu.memory_space<hbm>>) target_semaphore(%arg11 : memref<!tpu.dma_semaphore, #tpu.memory_space<semaphore_mem>>)
      %dma_wait3A_194 = arith.constant 1 : i32
      %dma_wait3A_195 = arith.constant 0 : i32
      %dma_wait3A_196 = tpu.memref_slice %arg5[%dma_wait3A_194, %add3A_153, %dma_wait3A_195] : memref<2x163840x128xf32, #tpu.memory_space<hbm>> -> memref<1x2048x128xf32, #tpu.memory_space<hbm>>
      %dma_wait3A_197 = tpu.memref_squeeze %dma_wait3A_196 : memref<1x2048x128xf32, #tpu.memory_space<hbm>> -> memref<2048x128xf32, #tpu.memory_space<hbm>>
      tpu.wait_dma2 semaphore(%arg11 : memref<!tpu.dma_semaphore, #tpu.memory_space<semaphore_mem>>) src(%arg8 : memref<2048x128xf32, #tpu.memory_space<vmem>>) dst(%dma_wait3A_197 : memref<2048x128xf32, #tpu.memory_space<hbm>>)
      %while3A_198 = arith.constant 0 : i32
      scf.yield %while3A_198 : i32
    }
    %get3A_109 = arith.constant 17 : index
    %get3A_110 = memref.load %arg0[%get3A_109] : memref<32xi32, #tpu.memory_space<smem>>
    %add3A_111 = arith.constant 2047 : i32
    %add3A_112 = arith.addi %get3A_110, %add3A_111 : i32
    %jit3A_113 = arith.constant 2048 : i32
    %div3A_114 = arith.divsi %add3A_112, %jit3A_113 : i32
    %sign3A_115 = arith.constant 0 : i32
    %sign3A_116 = arith.cmpi sgt, %add3A_112, %sign3A_115 : i32
    %sign3A_117 = arith.extui %sign3A_116 : i1 to i32
    %sign3A_118 = arith.constant 0 : i32
    %sign3A_119 = arith.cmpi slt, %add3A_112, %sign3A_118 : i32
    %sign3A_120 = arith.extui %sign3A_119 : i1 to i32
    %sign3A_121 = arith.subi %sign3A_117, %sign3A_120 : i32
    %sign3A_122 = arith.constant 0 : i32
    %sign3A_123 = arith.cmpi sgt, %jit3A_113, %sign3A_122 : i32
    %sign3A_124 = arith.extui %sign3A_123 : i1 to i32
    %sign3A_125 = arith.constant 0 : i32
    %sign3A_126 = arith.cmpi slt, %jit3A_113, %sign3A_125 : i32
    %sign3A_127 = arith.extui %sign3A_126 : i1 to i32
    %sign3A_128 = arith.subi %sign3A_124, %sign3A_127 : i32
    %ne3A_129 = arith.cmpi ne, %sign3A_121, %sign3A_128 : i32
    %rem3A_130 = arith.remsi %add3A_112, %jit3A_113 : i32
    %ne3A_131 = arith.constant 0 : i32
    %ne3A_132 = arith.cmpi ne, %rem3A_130, %ne3A_131 : i32
    %and3A_133 = arith.andi %ne3A_129, %ne3A_132 : i1
    %sub3A_134 = arith.constant 1 : i32
    %sub3A_135 = arith.subi %div3A_114, %sub3A_134 : i32
    %select_n3A_136 = arith.select %and3A_133, %sub3A_135, %div3A_114 : i32
    %while3A_137 = arith.constant 0 : i32
    %while3A_138 = arith.constant 0 : i32
    %while3A_139 = arith.subi %select_n3A_136, %while3A_137 : i32
    %while3A_140 = arith.addi %while3A_137, %while3A_139 : i32
    %while3A_141 = arith.constant 1 : i32
    %while3A_142 = arith.divsi %while3A_139, %while3A_141 : i32
    %while3A_143 = arith.muli %while3A_142, %while3A_141 : i32
    %while3A_144 = arith.addi %while3A_137, %while3A_143 : i32
    %while3A_145 = arith.constant 1 : i32
    %while3A_146 = scf.for %while3A_149 = %while3A_137 to %while3A_144 step %while3A_145 iter_args(%while3A_150 = %while3A_138) -> (i32)  : i32 {
      %mul3A = arith.constant 2048 : i32
      %mul3A_151 = arith.muli %while3A_149, %mul3A : i32
      %add3A_152 = arith.constant 81920 : i32
      %add3A_153 = arith.addi %add3A_152, %mul3A_151 : i32
      %dma_start3A = arith.constant 1 : i32
      %dma_start3A_154 = arith.constant 0 : i32
      %dma_start3A_155 = tpu.memref_slice %arg3[%dma_start3A, %add3A_153, %dma_start3A_154] : memref<2x163840x128xf32, #tpu.memory_space<hbm>> -> memref<1x2048x128xf32, #tpu.memory_space<hbm>>
      %dma_start3A_156 = tpu.memref_squeeze %dma_start3A_155 : memref<1x2048x128xf32, #tpu.memory_space<hbm>> -> memref<2048x128xf32, #tpu.memory_space<hbm>>
      tpu.enqueue_dma source(%dma_start3A_156 : memref<2048x128xf32, #tpu.memory_space<hbm>>) target(%arg6 : memref<2048x128xf32, #tpu.memory_space<vmem>>) target_semaphore(%arg9 : memref<!tpu.dma_semaphore, #tpu.memory_space<semaphore_mem>>)
      %dma_start3A_157 = arith.constant 1 : i32
      %dma_start3A_158 = arith.constant 0 : i32
      %dma_start3A_159 = tpu.memref_slice %arg4[%dma_start3A_157, %add3A_153, %dma_start3A_158] : memref<2x163840x128xf32, #tpu.memory_space<hbm>> -> memref<1x2048x128xf32, #tpu.memory_space<hbm>>
      %dma_start3A_160 = tpu.memref_squeeze %dma_start3A_159 : memref<1x2048x128xf32, #tpu.memory_space<hbm>> -> memref<2048x128xf32, #tpu.memory_space<hbm>>
      tpu.enqueue_dma source(%dma_start3A_160 : memref<2048x128xf32, #tpu.memory_space<hbm>>) target(%arg7 : memref<2048x128xf32, #tpu.memory_space<vmem>>) target_semaphore(%arg10 : memref<!tpu.dma_semaphore, #tpu.memory_space<semaphore_mem>>)
      %dma_wait3A = arith.constant 1 : i32
      %dma_wait3A_161 = arith.constant 0 : i32
      %dma_wait3A_162 = tpu.memref_slice %arg3[%dma_wait3A, %add3A_153, %dma_wait3A_161] : memref<2x163840x128xf32, #tpu.memory_space<hbm>> -> memref<1x2048x128xf32, #tpu.memory_space<hbm>>
      %dma_wait3A_163 = tpu.memref_squeeze %dma_wait3A_162 : memref<1x2048x128xf32, #tpu.memory_space<hbm>> -> memref<2048x128xf32, #tpu.memory_space<hbm>>
      tpu.wait_dma2 semaphore(%arg9 : memref<!tpu.dma_semaphore, #tpu.memory_space<semaphore_mem>>) src(%dma_wait3A_163 : memref<2048x128xf32, #tpu.memory_space<hbm>>) dst(%arg6 : memref<2048x128xf32, #tpu.memory_space<vmem>>)
      %dma_wait3A_164 = arith.constant 1 : i32
      %dma_wait3A_165 = arith.constant 0 : i32
      %dma_wait3A_166 = tpu.memref_slice %arg4[%dma_wait3A_164, %add3A_153, %dma_wait3A_165] : memref<2x163840x128xf32, #tpu.memory_space<hbm>> -> memref<1x2048x128xf32, #tpu.memory_space<hbm>>
      %dma_wait3A_167 = tpu.memref_squeeze %dma_wait3A_166 : memref<1x2048x128xf32, #tpu.memory_space<hbm>> -> memref<2048x128xf32, #tpu.memory_space<hbm>>
      tpu.wait_dma2 semaphore(%arg10 : memref<!tpu.dma_semaphore, #tpu.memory_space<semaphore_mem>>) src(%dma_wait3A_167 : memref<2048x128xf32, #tpu.memory_space<hbm>>) dst(%arg7 : memref<2048x128xf32, #tpu.memory_space<vmem>>)
      %get3A_168 = arith.constant 0 : index
      %get3A_169 = arith.constant 0 : index
      %get3A_170 = vector.load %arg7[%get3A_168, %get3A_169] : memref<2048x128xf32, #tpu.memory_space<vmem>>, vector<2048x128xf32>
      %get3A_171 = arith.constant 1 : index
      %get3A_172 = arith.constant 0 : index
      %get3A_173 = arith.constant 0 : index
      %get3A_174 = vector.load %arg1[%get3A_171, %get3A_172, %get3A_173] : memref<2x128x128xf32, #tpu.memory_space<vmem>>, vector<1x128x128xf32>
      %get3A_175 = vector.shape_cast %get3A_174 : vector<1x128x128xf32> to vector<128x128xf32>
      %dot_general3A = arith.constant dense<0.000000e+00> : vector<2048x128xf32>
      %dot_general3A_176 = tpu.matmul %get3A_170, %get3A_175, %dot_general3A {dimension_numbers = #tpu.dot_dimension_numbers<[1], [0], [0], [1], [0, 0, 1, 1], [], []>, transpose_lhs_hint = false} : vector<2048x128xf32>, vector<128x128xf32>, vector<2048x128xf32> -> vector<2048x128xf32>
      %get3A_177 = arith.constant 0 : index
      %get3A_178 = arith.constant 0 : index
      %get3A_179 = vector.load %arg2[%get3A_177, %get3A_178] : memref<1x128xf32, #tpu.memory_space<vmem>>, vector<1x128xf32>
      %add3A_180 = vector.broadcast %get3A_179 : vector<1x128xf32> to vector<2048x128xf32>
      %add3A_181 = arith.addf %dot_general3A_176, %add3A_180 : vector<2048x128xf32>
      %get3A_182 = arith.constant 0 : index
      %get3A_183 = arith.constant 0 : index
      %get3A_184 = vector.load %arg6[%get3A_182, %get3A_183] : memref<2048x128xf32, #tpu.memory_space<vmem>>, vector<2048x128xf32>
      %add3A_185 = arith.addf %get3A_184, %add3A_181 : vector<2048x128xf32>
      %max3A = arith.constant 0.000000e+00 : f32
      %max3A_186 = vector.broadcast %max3A : f32 to vector<2048x128xf32>
      %max3A_187 = arith.maximumf %add3A_185, %max3A_186 : vector<2048x128xf32>
      %swap3A = arith.constant 0 : index
      %swap3A_188 = arith.constant 0 : index
      %swap3A_189 = vector.load %arg8[%swap3A, %swap3A_188] : memref<2048x128xf32, #tpu.memory_space<vmem>>, vector<2048x128xf32>
      tpu.vector_store %arg8[%swap3A, %swap3A_188], %max3A_187 {strides = array<i32>} : memref<2048x128xf32, #tpu.memory_space<vmem>>, vector<2048x128xf32>,
      %dma_start3A_190 = arith.constant 1 : i32
      %dma_start3A_191 = arith.constant 0 : i32
      %dma_start3A_192 = tpu.memref_slice %arg5[%dma_start3A_190, %add3A_153, %dma_start3A_191] : memref<2x163840x128xf32, #tpu.memory_space<hbm>> -> memref<1x2048x128xf32, #tpu.memory_space<hbm>>
      %dma_start3A_193 = tpu.memref_squeeze %dma_start3A_192 : memref<1x2048x128xf32, #tpu.memory_space<hbm>> -> memref<2048x128xf32, #tpu.memory_space<hbm>>
      tpu.enqueue_dma source(%arg8 : memref<2048x128xf32, #tpu.memory_space<vmem>>) target(%dma_start3A_193 : memref<2048x128xf32, #tpu.memory_space<hbm>>) target_semaphore(%arg11 : memref<!tpu.dma_semaphore, #tpu.memory_space<semaphore_mem>>)
      %dma_wait3A_194 = arith.constant 1 : i32
      %dma_wait3A_195 = arith.constant 0 : i32
      %dma_wait3A_196 = tpu.memref_slice %arg5[%dma_wait3A_194, %add3A_153, %dma_wait3A_195] : memref<2x163840x128xf32, #tpu.memory_space<hbm>> -> memref<1x2048x128xf32, #tpu.memory_space<hbm>>
      %dma_wait3A_197 = tpu.memref_squeeze %dma_wait3A_196 : memref<1x2048x128xf32, #tpu.memory_space<hbm>> -> memref<2048x128xf32, #tpu.memory_space<hbm>>
      tpu.wait_dma2 semaphore(%arg11 : memref<!tpu.dma_semaphore, #tpu.memory_space<semaphore_mem>>) src(%arg8 : memref<2048x128xf32, #tpu.memory_space<vmem>>) dst(%dma_wait3A_197 : memref<2048x128xf32, #tpu.memory_space<hbm>>)
      %while3A_198 = arith.constant 0 : i32
      scf.yield %while3A_198 : i32
    }
    %while3A_147 = arith.constant 1 : i32
    %while3A_148 = scf.for %while3A_149 = %while3A_144 to %while3A_140 step %while3A_147 iter_args(%while3A_150 = %while3A_146) -> (i32)  : i32 {
      %mul3A = arith.constant 2048 : i32
      %mul3A_151 = arith.muli %while3A_149, %mul3A : i32
      %add3A_152 = arith.constant 81920 : i32
      %add3A_153 = arith.addi %add3A_152, %mul3A_151 : i32
      %dma_start3A = arith.constant 1 : i32
      %dma_start3A_154 = arith.constant 0 : i32
      %dma_start3A_155 = tpu.memref_slice %arg3[%dma_start3A, %add3A_153, %dma_start3A_154] : memref<2x163840x128xf32, #tpu.memory_space<hbm>> -> memref<1x2048x128xf32, #tpu.memory_space<hbm>>
      %dma_start3A_156 = tpu.memref_squeeze %dma_start3A_155 : memref<1x2048x128xf32, #tpu.memory_space<hbm>> -> memref<2048x128xf32, #tpu.memory_space<hbm>>
      tpu.enqueue_dma source(%dma_start3A_156 : memref<2048x128xf32, #tpu.memory_space<hbm>>) target(%arg6 : memref<2048x128xf32, #tpu.memory_space<vmem>>) target_semaphore(%arg9 : memref<!tpu.dma_semaphore, #tpu.memory_space<semaphore_mem>>)
      %dma_start3A_157 = arith.constant 1 : i32
      %dma_start3A_158 = arith.constant 0 : i32
      %dma_start3A_159 = tpu.memref_slice %arg4[%dma_start3A_157, %add3A_153, %dma_start3A_158] : memref<2x163840x128xf32, #tpu.memory_space<hbm>> -> memref<1x2048x128xf32, #tpu.memory_space<hbm>>
      %dma_start3A_160 = tpu.memref_squeeze %dma_start3A_159 : memref<1x2048x128xf32, #tpu.memory_space<hbm>> -> memref<2048x128xf32, #tpu.memory_space<hbm>>
      tpu.enqueue_dma source(%dma_start3A_160 : memref<2048x128xf32, #tpu.memory_space<hbm>>) target(%arg7 : memref<2048x128xf32, #tpu.memory_space<vmem>>) target_semaphore(%arg10 : memref<!tpu.dma_semaphore, #tpu.memory_space<semaphore_mem>>)
      %dma_wait3A = arith.constant 1 : i32
      %dma_wait3A_161 = arith.constant 0 : i32
      %dma_wait3A_162 = tpu.memref_slice %arg3[%dma_wait3A, %add3A_153, %dma_wait3A_161] : memref<2x163840x128xf32, #tpu.memory_space<hbm>> -> memref<1x2048x128xf32, #tpu.memory_space<hbm>>
      %dma_wait3A_163 = tpu.memref_squeeze %dma_wait3A_162 : memref<1x2048x128xf32, #tpu.memory_space<hbm>> -> memref<2048x128xf32, #tpu.memory_space<hbm>>
      tpu.wait_dma2 semaphore(%arg9 : memref<!tpu.dma_semaphore, #tpu.memory_space<semaphore_mem>>) src(%dma_wait3A_163 : memref<2048x128xf32, #tpu.memory_space<hbm>>) dst(%arg6 : memref<2048x128xf32, #tpu.memory_space<vmem>>)
      %dma_wait3A_164 = arith.constant 1 : i32
      %dma_wait3A_165 = arith.constant 0 : i32
      %dma_wait3A_166 = tpu.memref_slice %arg4[%dma_wait3A_164, %add3A_153, %dma_wait3A_165] : memref<2x163840x128xf32, #tpu.memory_space<hbm>> -> memref<1x2048x128xf32, #tpu.memory_space<hbm>>
      %dma_wait3A_167 = tpu.memref_squeeze %dma_wait3A_166 : memref<1x2048x128xf32, #tpu.memory_space<hbm>> -> memref<2048x128xf32, #tpu.memory_space<hbm>>
      tpu.wait_dma2 semaphore(%arg10 : memref<!tpu.dma_semaphore, #tpu.memory_space<semaphore_mem>>) src(%dma_wait3A_167 : memref<2048x128xf32, #tpu.memory_space<hbm>>) dst(%arg7 : memref<2048x128xf32, #tpu.memory_space<vmem>>)
      %get3A_168 = arith.constant 0 : index
      %get3A_169 = arith.constant 0 : index
      %get3A_170 = vector.load %arg7[%get3A_168, %get3A_169] : memref<2048x128xf32, #tpu.memory_space<vmem>>, vector<2048x128xf32>
      %get3A_171 = arith.constant 1 : index
      %get3A_172 = arith.constant 0 : index
      %get3A_173 = arith.constant 0 : index
      %get3A_174 = vector.load %arg1[%get3A_171, %get3A_172, %get3A_173] : memref<2x128x128xf32, #tpu.memory_space<vmem>>, vector<1x128x128xf32>
      %get3A_175 = vector.shape_cast %get3A_174 : vector<1x128x128xf32> to vector<128x128xf32>
      %dot_general3A = arith.constant dense<0.000000e+00> : vector<2048x128xf32>
      %dot_general3A_176 = tpu.matmul %get3A_170, %get3A_175, %dot_general3A {dimension_numbers = #tpu.dot_dimension_numbers<[1], [0], [0], [1], [0, 0, 1, 1], [], []>, transpose_lhs_hint = false} : vector<2048x128xf32>, vector<128x128xf32>, vector<2048x128xf32> -> vector<2048x128xf32>
      %get3A_177 = arith.constant 0 : index
      %get3A_178 = arith.constant 0 : index
      %get3A_179 = vector.load %arg2[%get3A_177, %get3A_178] : memref<1x128xf32, #tpu.memory_space<vmem>>, vector<1x128xf32>
      %add3A_180 = vector.broadcast %get3A_179 : vector<1x128xf32> to vector<2048x128xf32>
      %add3A_181 = arith.addf %dot_general3A_176, %add3A_180 : vector<2048x128xf32>
      %get3A_182 = arith.constant 0 : index
      %get3A_183 = arith.constant 0 : index
      %get3A_184 = vector.load %arg6[%get3A_182, %get3A_183] : memref<2048x128xf32, #tpu.memory_space<vmem>>, vector<2048x128xf32>
      %add3A_185 = arith.addf %get3A_184, %add3A_181 : vector<2048x128xf32>
      %max3A = arith.constant 0.000000e+00 : f32
      %max3A_186 = vector.broadcast %max3A : f32 to vector<2048x128xf32>
      %max3A_187 = arith.maximumf %add3A_185, %max3A_186 : vector<2048x128xf32>
      %swap3A = arith.constant 0 : index
      %swap3A_188 = arith.constant 0 : index
      %swap3A_189 = vector.load %arg8[%swap3A, %swap3A_188] : memref<2048x128xf32, #tpu.memory_space<vmem>>, vector<2048x128xf32>
      tpu.vector_store %arg8[%swap3A, %swap3A_188], %max3A_187 {strides = array<i32>} : memref<2048x128xf32, #tpu.memory_space<vmem>>, vector<2048x128xf32>,
      %dma_start3A_190 = arith.constant 1 : i32
      %dma_start3A_191 = arith.constant 0 : i32
      %dma_start3A_192 = tpu.memref_slice %arg5[%dma_start3A_190, %add3A_153, %dma_start3A_191] : memref<2x163840x128xf32, #tpu.memory_space<hbm>> -> memref<1x2048x128xf32, #tpu.memory_space<hbm>>
      %dma_start3A_193 = tpu.memref_squeeze %dma_start3A_192 : memref<1x2048x128xf32, #tpu.memory_space<hbm>> -> memref<2048x128xf32, #tpu.memory_space<hbm>>
      tpu.enqueue_dma source(%arg8 : memref<2048x128xf32, #tpu.memory_space<vmem>>) target(%dma_start3A_193 : memref<2048x128xf32, #tpu.memory_space<hbm>>) target_semaphore(%arg11 : memref<!tpu.dma_semaphore, #tpu.memory_space<semaphore_mem>>)
      %dma_wait3A_194 = arith.constant 1 : i32
      %dma_wait3A_195 = arith.constant 0 : i32
      %dma_wait3A_196 = tpu.memref_slice %arg5[%dma_wait3A_194, %add3A_153, %dma_wait3A_195] : memref<2x163840x128xf32, #tpu.memory_space<hbm>> -> memref<1x2048x128xf32, #tpu.memory_space<hbm>>
      %dma_wait3A_197 = tpu.memref_squeeze %dma_wait3A_196 : memref<1x2048x128xf32, #tpu.memory_space<hbm>> -> memref<2048x128xf32, #tpu.memory_space<hbm>>
      tpu.wait_dma2 semaphore(%arg11 : memref<!tpu.dma_semaphore, #tpu.memory_space<semaphore_mem>>) src(%arg8 : memref<2048x128xf32, #tpu.memory_space<vmem>>) dst(%dma_wait3A_197 : memref<2048x128xf32, #tpu.memory_space<hbm>>)
      %while3A_198 = arith.constant 0 : i32
      scf.yield %while3A_198 : i32
    }
    return
  }
}

module attributes {stable_mosaic.version = 14 : i64} {
  func.func @_readout_kernel(%arg0: memref<384x128xf32, #tpu.memory_space<vmem>>, %arg1: memref<2x384x128xf32, #tpu.memory_space<vmem>>, %arg2: memref<128x128xf32, #tpu.memory_space<vmem>>, %arg3: memref<1x128xf32, #tpu.memory_space<vmem>>, %arg4: memref<128x128xf32, #tpu.memory_space<vmem>>, %arg5: memref<1x128xf32, #tpu.memory_space<vmem>>, %arg6: memref<1x128xf32, #tpu.memory_space<vmem>>, %arg7: memref<8x128xf32, #tpu.memory_space<vmem>>) attributes {dimension_semantics = [], scalar_prefetch = 0 : i64, scratch_operands = 0 : i64, tpu.core_type = #tpu.core_type<tc>} {
    %get3A = arith.constant 0 : index
    %get3A_0 = arith.constant 0 : index
    %get3A_1 = vector.load %arg0[%get3A, %get3A_0] : memref<384x128xf32, #tpu.memory_space<vmem>>, vector<384x128xf32>
    %get3A_2 = arith.constant 0 : index
    %get3A_3 = arith.constant 0 : index
    %get3A_4 = arith.constant 0 : index
    %get3A_5 = vector.load %arg1[%get3A_2, %get3A_3, %get3A_4] : memref<2x384x128xf32, #tpu.memory_space<vmem>>, vector<1x384x128xf32>
    %get3A_6 = vector.shape_cast %get3A_5 : vector<1x384x128xf32> to vector<384x128xf32>
    %add3A = arith.addf %get3A_1, %get3A_6 : vector<384x128xf32>
    %get3A_7 = arith.constant 1 : index
    %get3A_8 = arith.constant 0 : index
    %get3A_9 = arith.constant 0 : index
    %get3A_10 = vector.load %arg1[%get3A_7, %get3A_8, %get3A_9] : memref<2x384x128xf32, #tpu.memory_space<vmem>>, vector<1x384x128xf32>
    %get3A_11 = vector.shape_cast %get3A_10 : vector<1x384x128xf32> to vector<384x128xf32>
    %add3A_12 = arith.addf %add3A, %get3A_11 : vector<384x128xf32>
    %get3A_13 = arith.constant 0 : index
    %get3A_14 = arith.constant 0 : index
    %get3A_15 = vector.load %arg2[%get3A_13, %get3A_14] : memref<128x128xf32, #tpu.memory_space<vmem>>, vector<128x128xf32>
    %dot_general3A = arith.constant dense<0.000000e+00> : vector<384x128xf32>
    %dot_general3A_16 = tpu.matmul %add3A_12, %get3A_15, %dot_general3A {dimension_numbers = #tpu.dot_dimension_numbers<[1], [0], [0], [1], [0, 0, 1, 1], [], []>, transpose_lhs_hint = false} : vector<384x128xf32>, vector<128x128xf32>, vector<384x128xf32> -> vector<384x128xf32>
    %get3A_17 = arith.constant 0 : index
    %get3A_18 = arith.constant 0 : index
    %get3A_19 = vector.load %arg3[%get3A_17, %get3A_18] : memref<1x128xf32, #tpu.memory_space<vmem>>, vector<1x128xf32>
    %add3A_20 = vector.broadcast %get3A_19 : vector<1x128xf32> to vector<384x128xf32>
    %add3A_21 = arith.addf %dot_general3A_16, %add3A_20 : vector<384x128xf32>
    %max3A = arith.constant 0.000000e+00 : f32
    %max3A_22 = vector.broadcast %max3A : f32 to vector<384x128xf32>
    %max3A_23 = arith.maximumf %add3A_21, %max3A_22 : vector<384x128xf32>
    %get3A_24 = arith.constant 0 : index
    %get3A_25 = arith.constant 0 : index
    %get3A_26 = vector.load %arg4[%get3A_24, %get3A_25] : memref<128x128xf32, #tpu.memory_space<vmem>>, vector<128x128xf32>
    %dot_general3A_27 = arith.constant dense<0.000000e+00> : vector<384x128xf32>
    %dot_general3A_28 = tpu.matmul %max3A_23, %get3A_26, %dot_general3A_27 {dimension_numbers = #tpu.dot_dimension_numbers<[1], [0], [0], [1], [0, 0, 1, 1], [], []>, transpose_lhs_hint = false} : vector<384x128xf32>, vector<128x128xf32>, vector<384x128xf32> -> vector<384x128xf32>
    %get3A_29 = arith.constant 0 : index
    %get3A_30 = arith.constant 0 : index
    %get3A_31 = vector.load %arg5[%get3A_29, %get3A_30] : memref<1x128xf32, #tpu.memory_space<vmem>>, vector<1x128xf32>
    %add3A_32 = vector.broadcast %get3A_31 : vector<1x128xf32> to vector<384x128xf32>
    %add3A_33 = arith.addf %dot_general3A_28, %add3A_32 : vector<384x128xf32>
    %mul3A = arith.mulf %add3A_33, %add3A_33 : vector<384x128xf32>
    %reduce_sum3A = arith.constant dense<0.000000e+00> : vector<384xf32>
    %reduce_sum3A_34 = vector.multi_reduction <add>, %mul3A, %reduce_sum3A [1] : vector<384x128xf32> to vector<384xf32>
    %broadcast_in_dim3A = vector.shape_cast %reduce_sum3A_34 : vector<384xf32> to vector<384x1xf32>
    %sqrt3A = math.sqrt %broadcast_in_dim3A : vector<384x1xf32>
    %max3A_35 = arith.constant 9.99999996E-13 : f32
    %max3A_36 = vector.broadcast %max3A_35 : f32 to vector<384x1xf32>
    %max3A_37 = arith.maximumf %sqrt3A, %max3A_36 : vector<384x1xf32>
    %div3A = vector.broadcast %max3A_37 : vector<384x1xf32> to vector<384x128xf32>
    %div3A_38 = arith.divf %add3A_33, %div3A : vector<384x128xf32>
    %slice3A = vector.extract_strided_slice %div3A_38 {offsets = [0, 0], sizes = [1, 128], strides = [1, 1]} : vector<384x128xf32> to vector<1x128xf32>
    %mul3A_39 = vector.broadcast %slice3A : vector<1x128xf32> to vector<384x128xf32>
    %mul3A_40 = arith.mulf %div3A_38, %mul3A_39 : vector<384x128xf32>
    %reduce_sum3A_41 = arith.constant dense<0.000000e+00> : vector<384xf32>
    %reduce_sum3A_42 = vector.multi_reduction <add>, %mul3A_40, %reduce_sum3A_41 [1] : vector<384x128xf32> to vector<384xf32>
    %broadcast_in_dim3A_43 = vector.shape_cast %reduce_sum3A_42 : vector<384xf32> to vector<384x1xf32>
    %iota3A = tpu.iota {dimensions = array<i32: 0>} : vector<384x1xi32>
    %ge3A = arith.constant 8 : i32
    %ge3A_44 = vector.broadcast %ge3A : i32 to vector<384x1xi32>
    %ge3A_45 = arith.cmpi sge, %iota3A, %ge3A_44 : vector<384x1xi32>
    %lt3A = arith.constant 136 : i32
    %lt3A_46 = vector.broadcast %lt3A : i32 to vector<384x1xi32>
    %lt3A_47 = arith.cmpi slt, %iota3A, %lt3A_46 : vector<384x1xi32>
    %and3A = arith.andi %ge3A_45, %lt3A_47 : vector<384x1xi1>
    %ge3A_48 = arith.constant 136 : i32
    %ge3A_49 = vector.broadcast %ge3A_48 : i32 to vector<384x1xi32>
    %ge3A_50 = arith.cmpi sge, %iota3A, %ge3A_49 : vector<384x1xi32>
    %lt3A_51 = arith.constant 264 : i32
    %lt3A_52 = vector.broadcast %lt3A_51 : i32 to vector<384x1xi32>
    %lt3A_53 = arith.cmpi slt, %iota3A, %lt3A_52 : vector<384x1xi32>
    %and3A_54 = arith.andi %ge3A_50, %lt3A_53 : vector<384x1xi1>
    %jit3A = arith.constant 0.000000e+00 : f32
    %broadcast_in_dim3A_55 = vector.broadcast %jit3A : f32 to vector<384x1xf32>
    %select_n3A = arith.select %and3A, %broadcast_in_dim3A_43, %broadcast_in_dim3A_55 : vector<384x1xi1>, vector<384x1xf32>
    %reduce_sum3A_56 = vector.shape_cast %select_n3A : vector<384x1xf32> to vector<1x384x1xf32>
    %reduce_sum3A_57 = arith.constant dense<0.000000e+00> : vector<1xf32>
    %reduce_sum3A_58 = vector.multi_reduction <add>, %reduce_sum3A_56, %reduce_sum3A_57 [1, 2] : vector<1x384x1xf32> to vector<1xf32>
    %reduce_sum3A_59 = vector.shape_cast %reduce_sum3A_58 : vector<1xf32> to vector<1x1x1xf32>
    %reduce_sum3A_60 = vector.extract %reduce_sum3A_59[0, 0, 0] : f32 from vector<1x1x1xf32>
    %div3A_61 = arith.constant 1.280000e+02 : f32
    %div3A_62 = arith.divf %reduce_sum3A_60, %div3A_61 : f32
    %jit3A_63 = arith.constant 0.000000e+00 : f32
    %broadcast_in_dim3A_64 = vector.broadcast %jit3A_63 : f32 to vector<384x1xf32>
    %select_n3A_65 = arith.select %and3A_54, %broadcast_in_dim3A_43, %broadcast_in_dim3A_64 : vector<384x1xi1>, vector<384x1xf32>
    %reduce_sum3A_66 = vector.shape_cast %select_n3A_65 : vector<384x1xf32> to vector<1x384x1xf32>
    %reduce_sum3A_67 = arith.constant dense<0.000000e+00> : vector<1xf32>
    %reduce_sum3A_68 = vector.multi_reduction <add>, %reduce_sum3A_66, %reduce_sum3A_67 [1, 2] : vector<1x384x1xf32> to vector<1xf32>
    %reduce_sum3A_69 = vector.shape_cast %reduce_sum3A_68 : vector<1xf32> to vector<1x1x1xf32>
    %reduce_sum3A_70 = vector.extract %reduce_sum3A_69[0, 0, 0] : f32 from vector<1x1x1xf32>
    %div3A_71 = arith.constant 1.280000e+02 : f32
    %div3A_72 = arith.divf %reduce_sum3A_70, %div3A_71 : f32
    %get3A_73 = arith.constant 0 : index
    %get3A_74 = arith.constant 0 : index
    %get3A_75 = vector.load %arg6[%get3A_73, %get3A_74] : memref<1x128xf32, #tpu.memory_space<vmem>>, vector<1x128xf32>
    %mul3A_76 = arith.mulf %get3A_75, %get3A_75 : vector<1x128xf32>
    %reduce_sum3A_77 = vector.shape_cast %mul3A_76 : vector<1x128xf32> to vector<1x1x128xf32>
    %reduce_sum3A_78 = arith.constant dense<0.000000e+00> : vector<1xf32>
    %reduce_sum3A_79 = vector.multi_reduction <add>, %reduce_sum3A_77, %reduce_sum3A_78 [1, 2] : vector<1x1x128xf32> to vector<1xf32>
    %reduce_sum3A_80 = vector.shape_cast %reduce_sum3A_79 : vector<1xf32> to vector<1x1x1xf32>
    %reduce_sum3A_81 = vector.extract %reduce_sum3A_80[0, 0, 0] : f32 from vector<1x1x1xf32>
    %sqrt3A_82 = math.sqrt %reduce_sum3A_81 : f32
    %max3A_83 = arith.constant 9.99999996E-13 : f32
    %max3A_84 = arith.maximumf %sqrt3A_82, %max3A_83 : f32
    %div3A_85 = vector.broadcast %max3A_84 : f32 to vector<1x128xf32>
    %div3A_86 = arith.divf %get3A_75, %div3A_85 : vector<1x128xf32>
    %mul3A_87 = arith.mulf %slice3A, %div3A_86 : vector<1x128xf32>
    %reduce_sum3A_88 = vector.shape_cast %mul3A_87 : vector<1x128xf32> to vector<1x1x128xf32>
    %reduce_sum3A_89 = arith.constant dense<0.000000e+00> : vector<1xf32>
    %reduce_sum3A_90 = vector.multi_reduction <add>, %reduce_sum3A_88, %reduce_sum3A_89 [1, 2] : vector<1x1x128xf32> to vector<1xf32>
    %reduce_sum3A_91 = vector.shape_cast %reduce_sum3A_90 : vector<1xf32> to vector<1x1x1xf32>
    %reduce_sum3A_92 = vector.extract %reduce_sum3A_91[0, 0, 0] : f32 from vector<1x1x1xf32>
    %sub3A = arith.subf %div3A_62, %reduce_sum3A_92 : f32
    %logistic3A = arith.negf %sub3A : f32
    %logistic3A_93 = math.exp %logistic3A : f32
    %logistic3A_94 = arith.constant 1.000000e+00 : f32
    %logistic3A_95 = arith.addf %logistic3A_94, %logistic3A_93 : f32
    %logistic3A_96 = arith.divf %logistic3A_94, %logistic3A_95 : f32
    %max3A_97 = arith.constant 9.99999996E-13 : f32
    %max3A_98 = arith.maximumf %logistic3A_96, %max3A_97 : f32
    %log3A = math.log %max3A_98 : f32
    %sub3A_99 = arith.subf %reduce_sum3A_92, %div3A_72 : f32
    %logistic3A_100 = arith.negf %sub3A_99 : f32
    %logistic3A_101 = math.exp %logistic3A_100 : f32
    %logistic3A_102 = arith.constant 1.000000e+00 : f32
    %logistic3A_103 = arith.addf %logistic3A_102, %logistic3A_101 : f32
    %logistic3A_104 = arith.divf %logistic3A_102, %logistic3A_103 : f32
    %max3A_105 = arith.constant 9.99999996E-13 : f32
    %max3A_106 = arith.maximumf %logistic3A_104, %max3A_105 : f32
    %log3A_107 = math.log %max3A_106 : f32
    %add3A_108 = arith.addf %log3A, %log3A_107 : f32
    %neg3A = arith.constant 0.000000e+00 : f32
    %neg3A_109 = arith.subf %neg3A, %add3A_108 : f32
    %broadcast_in_dim3A_110 = vector.broadcast %neg3A_109 : f32 to vector<8x128xf32>
    %swap3A = arith.constant 0 : index
    %swap3A_111 = arith.constant 0 : index
    %swap3A_112 = vector.load %arg7[%swap3A, %swap3A_111] : memref<8x128xf32, #tpu.memory_space<vmem>>, vector<8x128xf32>
    tpu.vector_store %arg7[%swap3A, %swap3A_111], %broadcast_in_dim3A_110 {strides = array<i32>} : memref<8x128xf32, #tpu.memory_space<vmem>>, vector<8x128xf32>,
    return
  }
}

</mosaic_0001>

<sc_bundles>
// kernel: kernel.10.cloned.1.call-start
scs
__scs_entry_jumppad:
0x0: {  	(pc) =	sbr.rel $0x88, $3  }
0x1: {  	(tag) =	ssettag $0x0;
	lr =	simm.s32 $0x1  }
0x2: {  	[smem:$0x3F95] =	sst lr;
	_ =	strace $0xD0000000  }
0x3: {  	_ = 	snop  }
0x4: {  	_ = 	snop  }
0x5: {  	_ = 	snop  }
0x6: {  	_ = 	snop  }
0x7: {  	_ = 	snop  }
__scs_overlays_trampoline_lowered:
0x8: {  	[smem:$0x3FA4] =	sst s0  }
0x9: {  	[smem:$0x3FA5] =	sst s1  }
0xa: {  	[smem:$0x3FA6] =	sst s2  }
0xb: {  	[smem:$0x3FA7] =	sst s3  }
0xc: {  	[smem:$0x3FA8] =	sst s4  }
0xd: {  	[smem:$0x3FA9] =	sst s5  }
0xe: {  	[smem:$0x3FAA] =	sst s6  }
0xf: {  	[smem:$0x3FAB] =	sst s7  }
0x10: {  	[smem:$0x3FAC] =	sst s8  }
0x11: {  	[smem:$0x3FAD] =	sst s9;
	s0 =	simm.s32 @!p0 $0x0  }
0x12: {  	s1 =	sld [smem:$0x3F93];
	s0 =	simm.s32 @p0 $0x1  }
0x13: {  	[smem:$0x3FAE] =	sst s0;
	s0 =	simm.s32 @!p1 $0x0  }
0x14: {  	s2 =	sld [smem:$0x3F92];
	s0 =	simm.s32 @p1 $0x1  }
0x15: {  	[smem:$0x3FAF] =	sst s0;
	s0 =	simm.s32 @!p2 $0x0  }
0x16: {  	s3 =	sld [smem:$0x3FDB];
	s0 =	simm.s32 @p2 $0x1  }
0x17: {  	s4 =	simm.s32 $0x1BF5;
	[smem:$0x3FB1] =	sst s0  }
0x18: {  	s0 =	sld [smem:$0x3F94];
	_ =	swait.ge [sflag:s4], $0x0  }
0x19: {  	s7 =	sld [smem:$0x3F95]  }
0x1a: {  	s8 =	sadd.s32 $0xFFFFE003, lr  }
0x1b: {  	s9 =	sadd.s32 $0xFFFFFEF7, lr;
	s5 =	simm.s32 $0xFFFFFFFF;
	p2 =	slt.u32 s8, $0xFFFFF086  }
0x1c: {  	p1 =	slt.u32 s9, $0xF7A;
	s5 =	simm.s32 @!p2 $0x0  }
0x1d: {  	s5 =	simm.s32 @p1 $0x1;
	p0 =	seq.s32 s7, s2  }
0x1e: {  	s7 =	smul.u32 @!p0 $0xF7A, s2;
	p2 =	seq.s32 @!p0 s5, $0x0  }
0x1f: {  	s9 =	smul.u32 $0xF7A, s1;
	s8 =	simm.s32 @!p0 $0x1BF5;
	p2 =	por !p2, p0  }
0x20: {  	[sflag:s8] =	ssyncset.s32 @!p0 $0xFFFFF086;
	s6 =	sadd.s32 @!p0 s3, s7;
	s7 =	simm.s32 @!p0 $0x108  }
0x21: {  	s3 =	sadd.s32 s3, s9;
	s6 =	sadd.s32 @!p0 $0x88, s6;
	s7 =	simm.s32 @p2 $0x1082  }
0x22: {  	[simem:s7], [sflag:s8] =	dma.local @!p0 [hbm:s6], $0xF7A  }
0x23: {  	s9 =	sor.u32 $0xD0000000, s2;
	s6 =	simm.s32 $0x108;
	_ =	swait.ge @!p0 [sflag:s8], $0x0  }
0x24: {  	s3 =	sadd.s32 $0x88, s3;
	s6 =	simm.s32 @!p1 $0x1082;
	[sflag:s4] =	ssyncset.s32 $0xFFFFF086  }
0x25: {  	[simem:s6], [sflag:s4] =	dma.local [hbm:s3], $0xF7A  }
0x26: {  	[smem:$0x3F95] =	sst s1;
	(tag) =	ssettag s2;
	_ =	strace s9  }
0x27: {  	s1 =	sld [smem:$0x3FA5]  }
0x28: {  	s2 =	sld [smem:$0x3FA6]  }
0x29: {  	s4 =	sld [smem:$0x3FA8]  }
0x2a: {  	p0 =	seq.s32 s5, $0x0;
	s5 =	sld [smem:$0x3FA9]  }
0x2b: {  	s6 =	sld [smem:$0x3FAA]  }
0x2c: {  	s7 =	sld [smem:$0x3FAB]  }
0x2d: {  	s3 =	simm.s32 $0x108;
	s8 =	sld [smem:$0x3FAC]  }
0x2e: {  	s3 =	simm.s32 @!p0 $0x1082;
	s9 =	sld [smem:$0x3FAD]  }
0x2f: {  	lr =	sadd.s32 s0, s3;
	s0 =	sld [smem:$0x3FA4]  }
0x30: {  	s3 =	sld [smem:$0x3FA7]  }
0x31: {  	[smem:$0x3FB0] =	sst s10  }
0x32: {  	s10 =	sld [smem:$0x3FAE];
	_ =	sdelay $0x3  }
0x33: {  	p0 =	seq.s32 s10, $0x1;
	s10 =	sld [smem:$0x3FB0];
	_ =	sdelay $0x3  }
0x34: {  	[smem:$0x3FB0] =	sst s10  }
0x35: {  	s10 =	sld [smem:$0x3FAF];
	_ =	sdelay $0x3  }
0x36: {  	p1 =	seq.s32 s10, $0x1;
	s10 =	sld [smem:$0x3FB0];
	_ =	sdelay $0x3  }
0x37: {  	[smem:$0x3FB0] =	sst s10  }
0x38: {  	s10 =	sld [smem:$0x3FB1]  }
0x39: {  	_ = 	snop;
	(pc) =	sbr.ind lr, $3  }
0x3a: {  	_ = 	snop  }
0x3b: {  	_ = 	snop  }
0x3c: {  	p2 =	seq.s32 s10, $0x1;
	s10 =	sld [smem:$0x3FB0]  }
0x3d: {  	_ =	shalt  }
0x3e: {  	_ =	shalt  }
0x3f: {  	_ =	shalt  }
0x40: {  	_ =	shalt  }
0x41: {  	_ =	shalt  }
0x42: {  	_ =	shalt  }
0x43: {  	_ =	shalt  }
0x44: {  	_ =	shalt  }
0x45: {  	_ =	shalt  }
0x46: {  	_ =	shalt  }
0x47: {  	_ =	shalt  }
0x48: {  	_ =	shalt  }
0x49: {  	_ =	shalt  }
0x4a: {  	_ =	shalt  }
0x4b: {  	_ =	shalt  }
0x4c: {  	_ =	shalt  }
0x4d: {  	_ =	shalt  }
0x4e: {  	_ =	shalt  }
0x4f: {  	_ =	shalt  }
0x50: {  	_ =	shalt  }
0x51: {  	_ =	shalt  }
0x52: {  	_ =	shalt  }
0x53: {  	_ =	shalt  }
0x54: {  	_ =	shalt  }
0x55: {  	_ =	shalt  }
0x56: {  	_ =	shalt  }
0x57: {  	_ =	shalt  }
0x58: {  	_ =	shalt  }
0x59: {  	_ =	shalt  }
0x5a: {  	_ =	shalt  }
0x5b: {  	_ =	shalt  }
0x5c: {  	_ =	shalt  }
0x5d: {  	_ =	shalt  }
0x5e: {  	_ =	shalt  }
0x5f: {  	_ =	shalt  }
0x60: {  	_ =	shalt  }
0x61: {  	_ =	shalt  }
0x62: {  	_ =	shalt  }
0x63: {  	_ =	shalt  }
0x64: {  	_ =	shalt  }
0x65: {  	_ =	shalt  }
0x66: {  	_ =	shalt  }
0x67: {  	_ =	shalt  }
0x68: {  	_ =	shalt  }
0x69: {  	_ =	shalt  }
0x6a: {  	_ =	shalt  }
0x6b: {  	_ =	shalt  }
0x6c: {  	_ =	shalt  }
0x6d: {  	_ =	shalt  }
0x6e: {  	_ =	shalt  }
0x6f: {  	_ =	shalt  }
0x70: {  	_ =	shalt  }
0x71: {  	_ =	shalt  }
0x72: {  	_ =	shalt  }
0x73: {  	_ =	shalt  }
0x74: {  	_ =	shalt  }
0x75: {  	_ =	shalt  }
0x76: {  	_ =	shalt  }
0x77: {  	_ =	shalt  }
0x78: {  	_ =	shalt  }
0x79: {  	_ =	shalt  }
0x7a: {  	_ =	shalt  }
0x7b: {  	_ =	shalt  }
0x7c: {  	_ =	shalt  }
0x7d: {  	_ =	shalt  }
0x7e: {  	_ =	shalt  }
0x7f: {  	_ =	shalt  }
0x80: {  	_ =	shalt  }
0x81: {  	_ =	shalt  }
0x82: {  	_ =	shalt  }
0x83: {  	_ =	shalt  }
0x84: {  	_ =	shalt  }
0x85: {  	_ =	shalt  }
0x86: {  	_ =	shalt  }
0x87: {  	_ =	shalt  }
.Lfunc_end0:
.L_simem_size_0:
called_computation.1_lowered:
.L_overlay_start_0:
0x88: {  	s2 =	sld [smem:$0x3FD9]  }
0x89: {  	s3 =	sld [smem:$0x3FFE];
	_ =	sdelay $0x1  }
0x8a: {  	s1 =	srdreg.scid  }
0x8b: {  	s0 =	sand.u32 $0x1, s1  }
0x8c: {  	s17 =	sshll.u32 s0, $0xA;
	s2 =	sadd.s32 s3, s2  }
0x8d: {  	s2 =	sadd.s32 s2, s17  }
0x8e: {  	[smem:$0x3FBC] =	sst s2  }
0x8f: {  	_ = 	snop  }
0x90: {  	s2 =	sld [smem:$0x3FD0];
	(tm) =	ssettm $0x1  }
0x91: {  	s18 =	sld [smem:$0x3FFB];
	_ =	sdelay $0x3  }
0x92: {  	_ =	strace s18  }
0x93: {  	s3 =	sld [smem:$0x3FFC];
	_ =	sdelay $0x3  }
0x94: {  	_ =	strace s3  }
0x95: {  	s3 =	sld [smem:$0x3FFD];
	_ =	sdelay $0x3  }
0x96: {  	_ =	strace s3  }
0x97: {  	_ =	strace $0x8FFFFFFF  }
0x98: {  	s19 =	sld [smem:$0x3FDB];
	_ =	sdelay $0x1  }
0x99: {  	s4 =	simm.s32 $_scs_section_size  }
0x9a: {  	s5 =	simm.s32 $_size__tile_overlayer_lowered;
	s6 =	simm.s32 $_tile_overlayer_lowered  }
0x9b: {  	s22 =	simm.s32 $0x1BFF;
	s21 =	sshll.u32 s6, $0x1;
	s3 =	sadd.s32 s4, s19  }
0x9c: {  	s7 =	simm.s32 $0x0;
	s20 =	sshll.u32 s5, $0x1;
	s5 =	sadd.s32 s21, s3  }
0x9d: {  	[timem:s7], [sflag:s22] =	dma.local [hbm:s5], s20  }
0x9e: {  	_ =	swait.ge [sflag:s22], s20  }
0x9f: {  	s4 =	ssub.s32 $0x0, s20;
	[sflag:s22] =	ssyncset.done $0x0  }
0xa0: {  	[sflag:s22] =	ssyncadd.s32 s4;
	_ =	sdelay $0x1  }
0xa1: {  	s23 =	simm.s32 $0x1B8B  }
0xa2: {  	_ =	swait.ge [sflag:s23], $0x1  }
0xa3: {  	[sflag:s23] =	ssyncset.done $0x0  }
0xa4: {  	s25 =	simm.s32 $0x1B8E;
	s24 =	sld [smem:$0x3FFE];
	[sflag:s23] =	ssyncadd.s32 $0xFFFFFFFF  }
0xa5: {  	s26 =	simm.s32 $execute0_lowered;
	[smem:$0x3FD2] =	sst s25  }
0xa6: {  	s5 =	sshll.u32 s26, $0x1;
	_ =	strace $0x80000049;
	[dreg:$0x1] =	wrdreg $0xFFFFFFFF  }
0xa7: {  	s28 =	simm.s32 $_size_execute0_lowered;
	s3 =	sadd.s32 s3, s5;
	[dreg:$0x0] =	wrdreg $0x0  }
0xa8: {  	s5 =	sshll.u32 s28, $0x1;
	[dreg:$0x2] =	wrdreg s3  }
0xa9: {  	[dreg:$0x3] =	wrdreg s5  }
0xaa: {  	[dreg:$0x4] =	wrdreg $0xC0  }
0xab: {  	_ =	task [dreg:s7], $0x5FFFF  }
0xac: {  	[dreg:$0x1] =	wrdreg $0xFFFFFFFF  }
0xad: {  	[dreg:$0x0] =	wrdreg $0x60  }
0xae: {  	[dreg:$0x2] =	wrdreg s24  }
0xaf: {  	[dreg:$0x3] =	wrdreg s2  }
0xb0: {  	[dreg:$0x4] =	wrdreg $0x9  }
0xb1: {  	_ =	task.clear_ibuf [dreg:s7], $0x5FFFF;
	_ =	strace $0x90000049  }
0xb2: {  	s29 =	simm.s32 $0x9;
	_ =	strace $0x8000004B  }
0xb3: {  	_ =	swait.ge [sflag:s29], $0x1  }
0xb4: {  	[sflag:s29] =	ssyncadd.s32 $0xFFFFFFFF  }
0xb5: {  	_ =	strace $0x9000004B  }
0xb6: {  	_ =	sfence  }
0xb7: {  	s30 =	sld [smem:$0x0];
	_ =	sdelay $0x2  }
0xb8: {  	s31 =	sshll.u32 s1, $0xD;
	s1 =	sshrl.u32 s1, $0x2  }
0xb9: {  	s3 =	sand.u32 $0x4000, s31;
	s1 =	sadd.s32 s1, s30  }
0xba: {  	s0 =	sor.u32 s3, s0;
	s1 =	sshll.u32 s1, $0x11  }
0xbb: {  	s0 =	sor.u32 s1, s0  }
0xbc: {  	s0 =	sadd.s32 $0x8F2B, s0  }
0xbd: {  	[sflag:s0] =	ssyncadd.remote.s32 $0x1  }
0xbe: {  	_ =	sfence.sel $0xFFFF  }
0xbf: {  	[dreg:$0x0] =	wrdreg $0xFFFFFFFF;
	(pc) =	sbr.abs _section_cstart, $3  }
0xc0: {  	[dreg:$0x1] =	wrdreg $0xFFFFFFFF  }
0xc1: {  	_ =	task.clear_ibuf [dreg:s7], $0x2FFFF;
	_ =	strace $0x9FFFFFFF  }
0xc2: {  	(tm) =	ssettm $0x7FFFFFFF  }
0xc3: {  	_ =	shalt  }
tec
execute0_lowered:
.L_overlay_start_1:
0x0: {  	(tag) =	ssettag $0x1  }
0x1: {  	s2 =	rddreg [dreg:$0x0]  }
0x2: {  	s7 =	rddreg [dreg:$0x1]  }
0x3: {  	s0 =	rddreg [dreg:$0x2]  }
0x4: {  	s1 =	simm.s32 $0x0;
	s3 =	srdreg.scid;
	s11 =	simm.s32 $0x4080  }
0x5: {  	s12 =	simm.s32 $0x2;
	s13 =	simm.s32 $0x1;
	s14 =	simm.s32 $0x80  }
0x6: {  	s15 =	simm.s32 $0x0;
	[smem:$0x7FF] =	sst s1;
	s8 =	sand.u32 $0x1, s3  }
.Ltmp0:
0x7: {  	s3 =	sadd.s32 $0xA0DE00, s2;
	s4 =	sadd.s32 $0x16600, s2;
	(pc) =	sbr.rel .LBB2_1-.Ltmp0, $4  }
0x8: {  	s5 =	sadd.s32 $0xC7EE00, s2;
	s2 =	stileid.u32;
	s6 =	ssub.s32 $0x2, s8  }
0x9: {  	_ =	strace $0x8000004A;
	s10 =	sshll.u32 s8, $0x1;
	s9 =	sshrl.u32 s6, $0x1  }
0xa: {  	s7 =	sadd.s32 s7, s10;
	s9 =	ssub.s32 s6, s9;
	s6 =	smul.u32 $0x28000, s8  }
0xb: {  	s10 =	sshll.u32 s2, $0x7;
	s8 =	smul.u32 $0x1400000, s8;
	s9 =	smax.u32 s9, $0x1  }
.LBB2_5:
0xc: {  	s16 =	sshrl.u32 s22, $0x3  }
0xd: {  	[sflag:s12] =	ssyncadd.s32 @p0 $0xFFFFC000;
	s16 =	sadd.s32 s4, s16  }
0xe: {  	[tilespmem:s1], [sflag:$0x2] =	stream.linear.gather [hbm4b:s16+s1], $0x80, $0x38;
	[tilespmem:$0x4100] =	vst v63  }
0xf: {  	_ =	swait.ge [sflag:s12], $0x80  }
0x10: {  	[sflag:s12] =	ssyncset.done $0x0  }
0x11: {  	[sflag:s12] =	ssyncadd.s32 $0xFFFFFF80  }
0x12: {  	[tilespmem:s14], [sflag:$0x1] =	stream.indirect.gather [hbm4b:s3+s14], $0x80, s1, s14, $0xb8;
	[tilespmem:$0x4100] =	vst v63  }
0x13: {  	s31 =	sadd.s32 s8, s20;
	_ =	swait.ge [sflag:s13], $0x4000  }
0x14: {  	s16 =	sshrl.u32 s31, $0x3;
	[sflag:s13] =	ssyncset.done $0x0  }
0x15: {  	s16 =	sadd.s32 s5, s16;
	[sflag:s13] =	ssyncadd.s32 $0xFFFFC000  }
0x16: {  	[hbm4b:s16+s1] =	stream.linear.scatter [tilespmem:s14], [sflag:$0x2], $0x4000, $0x38;
	[tilespmem:$0x4100] =	vst v63  }
0x17: {  	_ =	swait.ge [sflag:s12], $0x4000  }
0x18: {  	[sflag:s12] =	ssyncset.done $0x0  }
0x19: {  	[sflag:s12] =	ssyncadd.s32 $0xFFFFC000  }
.LBB2_6:
0x1a: {  	s15 =	sadd.s32 $0x1, s15  }
0x1b: {  	p0 =	sne.s32 s15, s9  }
.Ltmp1:
0x1c: {  	_ = 	snop;
	(pc) =	sbr.rel @!p0 .LBB2_7-.Ltmp1, $1  }
0x1d: {  	_ =	sdelay $0x3  }
.LBB2_1:
0x1e: {  	[tilespmem:s11], [sflag:$0x2] =	stream.linear.gather [hbm4b:s7+s1], $0x10, $0x38;
	[tilespmem:$0x4100] =	vst v63  }
0x1f: {  	_ =	swait.ge [sflag:s12], $0x10  }
0x20: {  	[sflag:s12] =	ssyncset.done $0x0  }
0x21: {  	[sflag:s12] =	ssyncadd.s32 $0xFFFFFFF0  }
0x22: {  	v0 =	vld [tilespmem:$0x4080];
	_ =	sdelay $0x4  }
0x23: {  	v0 =	vadd.s32 $0x7F, v0  }
0x24: {  	(v2sf) =	vpush v0, $0x0;
	_ =	sdelay $0x1  }
0x25: {  	(v2sf) =	vpush v0, $0x1;
	_ =	sdelay $0xc  }
0x26: {  	s16 =	spop (v2sf)  }
0x27: {  	s17 =	sshra.s32 s16, $0x1F;
	s18 =	sand.u32 $0x7F, s16;
	p0 =	slt.s32 s16, $0x1  }
0x28: {  	s26 =	spop (v2sf);
	s17 =	sshrl.u32 s17, $0x19;
	p1 =	sne.s32 s18, $0x0  }
0x29: {  	s28 =	sshra.s32 s26, $0x1F;
	s19 =	sand.u32 $0x7F, s26;
	p4 =	slt.s32 s26, $0x1  }
0x2a: {  	s17 =	sadd.s32 s17, s16;
	p0 =	por !p0, !p1;
	s18 =	sshrl.u32 s28, $0x19  }
0x2b: {  	p2 =	sne.s32 s19, $0x0;
	s19 =	simm.s32 $0x1;
	s17 =	sshra.s32 s17, $0x7  }
0x2c: {  	p0 =	por !p0, !p0;
	s16 =	sadd.s32 s18, s26;
	p1 =	por !p4, !p2  }
0x2d: {  	s18 =	simm.s32 $0x1;
	s16 =	sshra.s32 s16, $0x7;
	p1 =	por !p1, !p1  }
0x2e: {  	s19 =	simm.s32 @!p0 $0x0;
	s20 =	ssub.s32 s16, s2;
	s18 =	simm.s32 @!p1 $0x0  }
0x2f: {  	s16 =	ssub.s32 s17, s19;
	s18 =	ssub.s32 s20, s18  }
0x30: {  	s18 =	sadd.s32 s16, s18  }
0x31: {  	s29 =	sadd.s32 $0xF, s18  }
0x32: {  	s30 =	sand.u32 $0xF, s29  }
0x33: {  	p5 =	slt.s32 s18, $0xFFFFFFF2;
	s31 =	sshra.s32 s29, $0x1F;
	p6 =	sne.s32 s30, $0x0  }
0x34: {  	s18 =	sshrl.u32 s31, $0x1C;
	p1 =	por !p5, !p6  }
0x35: {  	s19 =	simm.s32 $0x1;
	s18 =	sadd.s32 s18, s29;
	p1 =	por !p1, !p1  }
0x36: {  	s18 =	sshra.s32 s18, $0x4;
	s19 =	simm.s32 @!p1 $0x0  }
0x37: {  	s18 =	ssub.s32 s18, s19  }
0x38: {  	p1 =	slt.s32 s18, $0x1  }
.Ltmp2:
0x39: {  	_ = 	snop;
	(pc) =	sbr.rel @p1 .LBB2_6-.Ltmp2, $1  }
0x3a: {  	_ =	sdelay $0x3  }
0x3b: {  	s19 =	simm.s32 $0xFFFFFFFF  }
0x3c: {  	s19 =	simm.s32 @!p0 $0x0  }
0x3d: {  	s17 =	sshll.u32 s17, $0x7;
	p1 =	sne.s32 s18, $0x1;
	s19 =	sshll.u32 s19, $0x7  }
.Ltmp3:
0x3e: {  	s17 =	sadd.s32 s19, s17;
	(pc) =	sbr.rel @!p1 .LBB2_5-.Ltmp3, $4  }
0x3f: {  	s17 =	ssub.s32 $0x14000, s17  }
0x40: {  	p0 =	slt.s32 s2, s16;
	s19 =	sadd.s32 s10, s17  }
0x41: {  	s21 =	sadd.s32 $0xFFFFFFFF, s18;
	s19 =	smov.u32 @p0 s10  }
0x42: {  	p0 =	por $0x0, $0x0;
	s22 =	sadd.s32 s6, s19;
	s20 =	sshll.u32 s19, $0x7  }
0x43: {  	s18 =	sshrl.u32 s22, $0x3  }
0x44: {  	s18 =	sadd.s32 s4, s18  }
0x45: {  	[tilespmem:s1], [sflag:$0x2] =	stream.linear.gather [hbm4b:s18+s1], $0x80, $0x38;
	[tilespmem:$0x4100] =	vst v63  }
0x46: {  	_ =	swait.ge [sflag:s12], $0x80  }
0x47: {  	s20 =	sadd.s32 s8, s20;
	s19 =	sadd.s32 $0x10, s2;
	[sflag:s12] =	ssyncset.done $0x0  }
0x48: {  	p1 =	sne.s32 s21, $0x1;
	s21 =	sadd.s32 $0xFFFFFFFF, s21;
	[sflag:s12] =	ssyncadd.s32 $0xFFFFFF80  }
0x49: {  	[tilespmem:s14], [sflag:$0x1] =	stream.indirect.gather [hbm4b:s3+s14], $0x80, s1, s14, $0xb8;
	[tilespmem:$0x4100] =	vst v63  }
0x4a: {  	p0 =	slt.s32 s19, s16;
	s20 =	sshrl.u32 s20, $0x3;
	_ =	swait.ge [sflag:s13], $0x4000  }
.Ltmp4:
0x4b: {  	s18 =	sadd.s32 $0x800, s10;
	[sflag:s13] =	ssyncset.done $0x0;
	(pc) =	sbr.rel @!p1 .LBB2_5-.Ltmp4, $4  }
0x4c: {  	s20 =	sadd.s32 s5, s20;
	s23 =	sadd.s32 s18, s17;
	[sflag:s13] =	ssyncadd.s32 $0xFFFFC000  }
0x4d: {  	[hbm4b:s20+s1] =	stream.linear.scatter [tilespmem:s14], [sflag:$0x2], $0x4000, $0x38;
	[tilespmem:$0x4100] =	vst v63  }
0x4e: {  	s23 =	smov.u32 @p0 s18;
	p0 =	por $0x1, $0x1;
	_ =	swait.ge [sflag:s12], $0x4000  }
0x4f: {  	s22 =	sadd.s32 s6, s23;
	s20 =	sshll.u32 s23, $0x7;
	[sflag:s12] =	ssyncset.done $0x0  }
.LBB2_4:
0x50: {  	p1 =	sne.s32 s21, $0x1;
	s22 =	sshrl.u32 s22, $0x3;
	[sflag:s12] =	ssyncadd.s32 $0xFFFFC000  }
0x51: {  	s21 =	sadd.s32 $0xFFFFFFFF, s21;
	s22 =	sadd.s32 s4, s22  }
0x52: {  	[tilespmem:s1], [sflag:$0x2] =	stream.linear.gather [hbm4b:s22+s1], $0x80, $0x38;
	[tilespmem:$0x4100] =	vst v63  }
0x53: {  	_ =	swait.ge [sflag:s12], $0x80  }
0x54: {  	[sflag:s12] =	ssyncset.done $0x0  }
0x55: {  	s18 =	sadd.s32 $0x800, s18;
	s19 =	sadd.s32 $0x10, s19;
	[sflag:s12] =	ssyncadd.s32 $0xFFFFFF80  }
0x56: {  	[tilespmem:s14], [sflag:$0x1] =	stream.indirect.gather [hbm4b:s3+s14], $0x80, s1, s14, $0xb8;
	[tilespmem:$0x4100] =	vst v63  }
0x57: {  	s20 =	sadd.s32 s8, s20;
	p2 =	slt.s32 s19, s16;
	_ =	swait.ge [sflag:s13], $0x4000  }
.Ltmp5:
0x58: {  	s20 =	sshrl.u32 s20, $0x3;
	[sflag:s13] =	ssyncset.done $0x0;
	(pc) =	sbr.rel @p1 .LBB2_4-.Ltmp5, $4  }
0x59: {  	s23 =	sadd.s32 s18, s17;
	s20 =	sadd.s32 s5, s20;
	[sflag:s13] =	ssyncadd.s32 $0xFFFFC000  }
0x5a: {  	[hbm4b:s20+s1] =	stream.linear.scatter [tilespmem:s14], [sflag:$0x2], $0x4000, $0x38;
	[tilespmem:$0x4100] =	vst v63  }
0x5b: {  	s23 =	smov.u32 @p2 s18;
	_ =	swait.ge [sflag:s12], $0x4000  }
0x5c: {  	s22 =	sadd.s32 s6, s23;
	s20 =	sshll.u32 s23, $0x7;
	[sflag:s12] =	ssyncset.done $0x0  }
.Ltmp6:
0x5d: {  	_ = 	snop;
	(pc) =	sbr.rel .LBB2_5-.Ltmp6, $1  }
0x5e: {  	_ =	sdelay $0x3  }
.LBB2_7:
0x5f: {  	_ =	sfence.sel $0x180000  }
0x60: {  	[bflag:$0x0] =	sbarrier.arrive $0xFFFF  }
0x61: {  	p0 =	sne.s32 s2, $0x0;
	_ =	strace $0x9000004A  }
0x62: {  	s0 =	sadd.s32 @!p0 $0x100000, s0;
	[bflag:$0x2] =	sbarrier.arrive $0xFFFF  }
0x63: {  	[sflag:s0] =	ssyncadd.tile.s32 @!p0 $0x1;
	_ =	shalt  }
.Lfunc_end2:
_tile_overlayer_lowered:
.L_overlay_start_2:
0x64: {  	(tag) =	ssettag $0x2  }
0x65: {  	s0 =	rddreg [dreg:$0x0];
	s2 =	stileid.u32  }
0x66: {  	s1 =	rddreg [dreg:$0x1];
	p0 =	sne.s32 s2, $0x0  }
0x67: {  	s3 =	rddreg [dreg:$0x2];
	[bflag:$0x3] =	sbarrier.arrive $0xFFFF;
	s2 =	simm.s32 @!p0 $0x1C02  }
0x68: {  	[timem:s3], [sflag:s2] =	dma.local @!p0 [hbm:s0], s1  }
0x69: {  	s0 =	simm.s32 @!p0 $0x2  }
0x6a: {  	_ =	swait.ge @!p0 [sflag:s0], s1  }
0x6b: {  	s1 =	ssub.s32 @!p0 $0x0, s1;
	[sflag:s0] =	ssyncset.done @!p0 $0x0  }
0x6c: {  	[sflag:s0] =	ssyncadd.s32 @!p0 s1  }
0x6d: {  	[bflag:$0x3] =	sbarrier.arrive $0xFFFF  }
0x6e: {  	_ =	shalt  }

// kernel: kernel.13.cloned.1.call-start
scs
__scs_entry_jumppad:
0x0: {  	(pc) =	sbr.rel $0x88, $3  }
0x1: {  	(tag) =	ssettag $0x0;
	lr =	simm.s32 $0x1  }
0x2: {  	[smem:$0x3F95] =	sst lr;
	_ =	strace $0xD0000000  }
0x3: {  	_ = 	snop  }
0x4: {  	_ = 	snop  }
0x5: {  	_ = 	snop  }
0x6: {  	_ = 	snop  }
0x7: {  	_ = 	snop  }
__scs_overlays_trampoline_lowered:
0x8: {  	[smem:$0x3FA4] =	sst s0  }
0x9: {  	[smem:$0x3FA5] =	sst s1  }
0xa: {  	[smem:$0x3FA6] =	sst s2  }
0xb: {  	[smem:$0x3FA7] =	sst s3  }
0xc: {  	[smem:$0x3FA8] =	sst s4  }
0xd: {  	[smem:$0x3FA9] =	sst s5  }
0xe: {  	[smem:$0x3FAA] =	sst s6  }
0xf: {  	[smem:$0x3FAB] =	sst s7  }
0x10: {  	[smem:$0x3FAC] =	sst s8  }
0x11: {  	[smem:$0x3FAD] =	sst s9;
	s0 =	simm.s32 @!p0 $0x0  }
0x12: {  	s1 =	sld [smem:$0x3F93];
	s0 =	simm.s32 @p0 $0x1  }
0x13: {  	[smem:$0x3FAE] =	sst s0;
	s0 =	simm.s32 @!p1 $0x0  }
0x14: {  	s2 =	sld [smem:$0x3F92];
	s0 =	simm.s32 @p1 $0x1  }
0x15: {  	[smem:$0x3FAF] =	sst s0;
	s0 =	simm.s32 @!p2 $0x0  }
0x16: {  	s3 =	sld [smem:$0x3FDB];
	s0 =	simm.s32 @p2 $0x1  }
0x17: {  	s4 =	simm.s32 $0x1BF5;
	[smem:$0x3FB1] =	sst s0  }
0x18: {  	s0 =	sld [smem:$0x3F94];
	_ =	swait.ge [sflag:s4], $0x0  }
0x19: {  	s7 =	sld [smem:$0x3F95]  }
0x1a: {  	s8 =	sadd.s32 $0xFFFFE003, lr  }
0x1b: {  	s9 =	sadd.s32 $0xFFFFFEF7, lr;
	s5 =	simm.s32 $0xFFFFFFFF;
	p2 =	slt.u32 s8, $0xFFFFF086  }
0x1c: {  	p1 =	slt.u32 s9, $0xF7A;
	s5 =	simm.s32 @!p2 $0x0  }
0x1d: {  	s5 =	simm.s32 @p1 $0x1;
	p0 =	seq.s32 s7, s2  }
0x1e: {  	s7 =	smul.u32 @!p0 $0xF7A, s2;
	p2 =	seq.s32 @!p0 s5, $0x0  }
0x1f: {  	s9 =	smul.u32 $0xF7A, s1;
	s8 =	simm.s32 @!p0 $0x1BF5;
	p2 =	por !p2, p0  }
0x20: {  	[sflag:s8] =	ssyncset.s32 @!p0 $0xFFFFF086;
	s6 =	sadd.s32 @!p0 s3, s7;
	s7 =	simm.s32 @!p0 $0x108  }
0x21: {  	s3 =	sadd.s32 s3, s9;
	s6 =	sadd.s32 @!p0 $0x88, s6;
	s7 =	simm.s32 @p2 $0x1082  }
0x22: {  	[simem:s7], [sflag:s8] =	dma.local @!p0 [hbm:s6], $0xF7A  }
0x23: {  	s9 =	sor.u32 $0xD0000000, s2;
	s6 =	simm.s32 $0x108;
	_ =	swait.ge @!p0 [sflag:s8], $0x0  }
0x24: {  	s3 =	sadd.s32 $0x88, s3;
	s6 =	simm.s32 @!p1 $0x1082;
	[sflag:s4] =	ssyncset.s32 $0xFFFFF086  }
0x25: {  	[simem:s6], [sflag:s4] =	dma.local [hbm:s3], $0xF7A  }
0x26: {  	[smem:$0x3F95] =	sst s1;
	(tag) =	ssettag s2;
	_ =	strace s9  }
0x27: {  	s1 =	sld [smem:$0x3FA5]  }
0x28: {  	s2 =	sld [smem:$0x3FA6]  }
0x29: {  	s4 =	sld [smem:$0x3FA8]  }
0x2a: {  	p0 =	seq.s32 s5, $0x0;
	s5 =	sld [smem:$0x3FA9]  }
0x2b: {  	s6 =	sld [smem:$0x3FAA]  }
0x2c: {  	s7 =	sld [smem:$0x3FAB]  }
0x2d: {  	s3 =	simm.s32 $0x108;
	s8 =	sld [smem:$0x3FAC]  }
0x2e: {  	s3 =	simm.s32 @!p0 $0x1082;
	s9 =	sld [smem:$0x3FAD]  }
0x2f: {  	lr =	sadd.s32 s0, s3;
	s0 =	sld [smem:$0x3FA4]  }
0x30: {  	s3 =	sld [smem:$0x3FA7]  }
0x31: {  	[smem:$0x3FB0] =	sst s10  }
0x32: {  	s10 =	sld [smem:$0x3FAE];
	_ =	sdelay $0x3  }
0x33: {  	p0 =	seq.s32 s10, $0x1;
	s10 =	sld [smem:$0x3FB0];
	_ =	sdelay $0x3  }
0x34: {  	[smem:$0x3FB0] =	sst s10  }
0x35: {  	s10 =	sld [smem:$0x3FAF];
	_ =	sdelay $0x3  }
0x36: {  	p1 =	seq.s32 s10, $0x1;
	s10 =	sld [smem:$0x3FB0];
	_ =	sdelay $0x3  }
0x37: {  	[smem:$0x3FB0] =	sst s10  }
0x38: {  	s10 =	sld [smem:$0x3FB1]  }
0x39: {  	_ = 	snop;
	(pc) =	sbr.ind lr, $3  }
0x3a: {  	_ = 	snop  }
0x3b: {  	_ = 	snop  }
0x3c: {  	p2 =	seq.s32 s10, $0x1;
	s10 =	sld [smem:$0x3FB0]  }
0x3d: {  	_ =	shalt  }
0x3e: {  	_ =	shalt  }
0x3f: {  	_ =	shalt  }
0x40: {  	_ =	shalt  }
0x41: {  	_ =	shalt  }
0x42: {  	_ =	shalt  }
0x43: {  	_ =	shalt  }
0x44: {  	_ =	shalt  }
0x45: {  	_ =	shalt  }
0x46: {  	_ =	shalt  }
0x47: {  	_ =	shalt  }
0x48: {  	_ =	shalt  }
0x49: {  	_ =	shalt  }
0x4a: {  	_ =	shalt  }
0x4b: {  	_ =	shalt  }
0x4c: {  	_ =	shalt  }
0x4d: {  	_ =	shalt  }
0x4e: {  	_ =	shalt  }
0x4f: {  	_ =	shalt  }
0x50: {  	_ =	shalt  }
0x51: {  	_ =	shalt  }
0x52: {  	_ =	shalt  }
0x53: {  	_ =	shalt  }
0x54: {  	_ =	shalt  }
0x55: {  	_ =	shalt  }
0x56: {  	_ =	shalt  }
0x57: {  	_ =	shalt  }
0x58: {  	_ =	shalt  }
0x59: {  	_ =	shalt  }
0x5a: {  	_ =	shalt  }
0x5b: {  	_ =	shalt  }
0x5c: {  	_ =	shalt  }
0x5d: {  	_ =	shalt  }
0x5e: {  	_ =	shalt  }
0x5f: {  	_ =	shalt  }
0x60: {  	_ =	shalt  }
0x61: {  	_ =	shalt  }
0x62: {  	_ =	shalt  }
0x63: {  	_ =	shalt  }
0x64: {  	_ =	shalt  }
0x65: {  	_ =	shalt  }
0x66: {  	_ =	shalt  }
0x67: {  	_ =	shalt  }
0x68: {  	_ =	shalt  }
0x69: {  	_ =	shalt  }
0x6a: {  	_ =	shalt  }
0x6b: {  	_ =	shalt  }
0x6c: {  	_ =	shalt  }
0x6d: {  	_ =	shalt  }
0x6e: {  	_ =	shalt  }
0x6f: {  	_ =	shalt  }
0x70: {  	_ =	shalt  }
0x71: {  	_ =	shalt  }
0x72: {  	_ =	shalt  }
0x73: {  	_ =	shalt  }
0x74: {  	_ =	shalt  }
0x75: {  	_ =	shalt  }
0x76: {  	_ =	shalt  }
0x77: {  	_ =	shalt  }
0x78: {  	_ =	shalt  }
0x79: {  	_ =	shalt  }
0x7a: {  	_ =	shalt  }
0x7b: {  	_ =	shalt  }
0x7c: {  	_ =	shalt  }
0x7d: {  	_ =	shalt  }
0x7e: {  	_ =	shalt  }
0x7f: {  	_ =	shalt  }
0x80: {  	_ =	shalt  }
0x81: {  	_ =	shalt  }
0x82: {  	_ =	shalt  }
0x83: {  	_ =	shalt  }
0x84: {  	_ =	shalt  }
0x85: {  	_ =	shalt  }
0x86: {  	_ =	shalt  }
0x87: {  	_ =	shalt  }
.Lfunc_end0:
.L_simem_size_0:
called_computation.2_lowered:
.L_overlay_start_0:
0x88: {  	s2 =	sld [smem:$0x3FD9]  }
0x89: {  	s3 =	sld [smem:$0x3FFE];
	_ =	sdelay $0x1  }
0x8a: {  	s1 =	srdreg.scid  }
0x8b: {  	s0 =	sand.u32 $0x1, s1  }
0x8c: {  	s17 =	sshll.u32 s0, $0xA;
	s2 =	sadd.s32 s3, s2  }
0x8d: {  	s2 =	sadd.s32 s2, s17  }
0x8e: {  	[smem:$0x3FBC] =	sst s2  }
0x8f: {  	_ = 	snop  }
0x90: {  	s2 =	sld [smem:$0x3FD0];
	(tm) =	ssettm $0x1  }
0x91: {  	s18 =	sld [smem:$0x3FFB];
	_ =	sdelay $0x3  }
0x92: {  	_ =	strace s18  }
0x93: {  	s3 =	sld [smem:$0x3FFC];
	_ =	sdelay $0x3  }
0x94: {  	_ =	strace s3  }
0x95: {  	s3 =	sld [smem:$0x3FFD];
	_ =	sdelay $0x3  }
0x96: {  	_ =	strace s3  }
0x97: {  	_ =	strace $0x8FFFFFFF  }
0x98: {  	s19 =	sld [smem:$0x3FDB];
	_ =	sdelay $0x1  }
0x99: {  	s4 =	simm.s32 $_scs_section_size  }
0x9a: {  	s5 =	simm.s32 $_size__tile_overlayer_lowered;
	s6 =	simm.s32 $_tile_overlayer_lowered  }
0x9b: {  	s22 =	simm.s32 $0x1BFF;
	s21 =	sshll.u32 s6, $0x1;
	s3 =	sadd.s32 s4, s19  }
0x9c: {  	s7 =	simm.s32 $0x0;
	s20 =	sshll.u32 s5, $0x1;
	s5 =	sadd.s32 s21, s3  }
0x9d: {  	[timem:s7], [sflag:s22] =	dma.local [hbm:s5], s20  }
0x9e: {  	_ =	swait.ge [sflag:s22], s20  }
0x9f: {  	s4 =	ssub.s32 $0x0, s20;
	[sflag:s22] =	ssyncset.done $0x0  }
0xa0: {  	[sflag:s22] =	ssyncadd.s32 s4;
	_ =	sdelay $0x1  }
0xa1: {  	s23 =	simm.s32 $0x1B8B  }
0xa2: {  	_ =	swait.ge [sflag:s23], $0x1  }
0xa3: {  	[sflag:s23] =	ssyncset.done $0x0  }
0xa4: {  	s25 =	simm.s32 $0x1B8E;
	s24 =	sld [smem:$0x3FFE];
	[sflag:s23] =	ssyncadd.s32 $0xFFFFFFFF  }
0xa5: {  	s26 =	simm.s32 $execute0_lowered;
	[smem:$0x3FD2] =	sst s25  }
0xa6: {  	s5 =	sshll.u32 s26, $0x1;
	_ =	strace $0x8000004C;
	[dreg:$0x1] =	wrdreg $0xFFFFFFFF  }
0xa7: {  	s28 =	simm.s32 $_size_execute0_lowered;
	s3 =	sadd.s32 s3, s5;
	[dreg:$0x0] =	wrdreg $0x0  }
0xa8: {  	s5 =	sshll.u32 s28, $0x1;
	[dreg:$0x2] =	wrdreg s3  }
0xa9: {  	[dreg:$0x3] =	wrdreg s5  }
0xaa: {  	[dreg:$0x4] =	wrdreg $0xC0  }
0xab: {  	_ =	task [dreg:s7], $0x5FFFF  }
0xac: {  	[dreg:$0x1] =	wrdreg $0xFFFFFFFF  }
0xad: {  	[dreg:$0x0] =	wrdreg $0x60  }
0xae: {  	[dreg:$0x2] =	wrdreg s24  }
0xaf: {  	[dreg:$0x3] =	wrdreg s2  }
0xb0: {  	[dreg:$0x4] =	wrdreg $0x0  }
0xb1: {  	[dreg:$0x5] =	wrdreg $0x9  }
0xb2: {  	_ =	task.clear_ibuf [dreg:s7], $0x6FFFF;
	_ =	strace $0x9000004C  }
0xb3: {  	s29 =	simm.s32 $0x9;
	_ =	strace $0x8000004E  }
0xb4: {  	_ =	swait.ge [sflag:s29], $0x1  }
0xb5: {  	[sflag:s29] =	ssyncadd.s32 $0xFFFFFFFF  }
0xb6: {  	_ =	strace $0x9000004E  }
0xb7: {  	_ =	sfence  }
0xb8: {  	s30 =	sld [smem:$0x0];
	_ =	sdelay $0x2  }
0xb9: {  	s31 =	sshll.u32 s1, $0xD;
	s1 =	sshrl.u32 s1, $0x2  }
0xba: {  	s3 =	sand.u32 $0x4000, s31;
	s1 =	sadd.s32 s1, s30  }
0xbb: {  	s0 =	sor.u32 s3, s0;
	s1 =	sshll.u32 s1, $0x11  }
0xbc: {  	s0 =	sor.u32 s1, s0  }
0xbd: {  	s0 =	sadd.s32 $0x8F2B, s0  }
0xbe: {  	[sflag:s0] =	ssyncadd.remote.s32 $0x1  }
0xbf: {  	_ =	sfence.sel $0xFFFF  }
0xc0: {  	[dreg:$0x0] =	wrdreg $0xFFFFFFFF;
	(pc) =	sbr.abs _section_cstart, $3  }
0xc1: {  	[dreg:$0x1] =	wrdreg $0xFFFFFFFF  }
0xc2: {  	_ =	task.clear_ibuf [dreg:s7], $0x2FFFF;
	_ =	strace $0x9FFFFFFF  }
0xc3: {  	(tm) =	ssettm $0x7FFFFFFF  }
tec
execute0_lowered:
.L_overlay_start_1:
0x0: {  	(tag) =	ssettag $0x1  }
0x1: {  	s0 =	rddreg [dreg:$0x0]  }
0x2: {  	s8 =	rddreg [dreg:$0x1]  }
0x3: {  	s1 =	rddreg [dreg:$0x2];
	s2 =	simm.s32 $0x0  }
0x4: {  	s3 =	srdreg.scid;
	s19 =	simm.s32 $0x14080;
	s20 =	simm.s32 $0x2  }
0x5: {  	s21 =	simm.s32 $0x18080;
	s22 =	simm.s32 $0x14000;
	s23 =	simm.s32 $0x80  }
0x6: {  	s24 =	simm.s32 $0x0;
	[smem:$0x7FF] =	sst s2;
	s11 =	sand.u32 $0x1, s3  }
0x7: {  	s3 =	stileid.u32;
	s4 =	sadd.s32 $0x52BE00, s0;
	s5 =	sadd.s32 $0x520600, s0  }
0x8: {  	_ =	strace $0x8000004D;
	s6 =	smul.u32 $0xC000, s11;
	s7 =	sshll.u32 s3, $0xE  }
0x9: {  	s9 =	smul.u32 $0x50000, s3;
	s10 =	ssub.s32 $0x2, s11;
	s31 =	sshll.u32 s11, $0x1  }
0xa: {  	p0 =	sgt.u32 s3, $0x2;
	s30 =	sshrl.u32 s10, $0x1;
	s8 =	sadd.s32 s8, s31  }
0xb: {  	s7 =	sadd.s32 s7, s6;
	s6 =	sadd.s32 $0x15E00, s0;
	s9 =	sshrl.u32 s9, $0x2  }
.Ltmp0:
0xc: {  	s14 =	ssub.s32 s10, s30;
	s10 =	sshll.u32 s3, $0x7;
	(pc) =	sbr.rel .LBB2_1-.Ltmp0, $4  }
0xd: {  	s7 =	sshrl.u32 s7, $0x3;
	s12 =	sadd.s32 $0x18100, s10;
	s14 =	smax.u32 s14, $0x1  }
0xe: {  	s0 =	sadd.s32 s7, s0;
	s7 =	sadd.s32 s9, s1;
	s9 =	smul.u32 $0x28000, s11  }
0xf: {  	s11 =	smul.u32 $0x1400000, s11;
	s13 =	sadd.s32 $0x2200, s0;
	s15 =	sadd.s32 $0x4000, s7  }
0x10: {  	v0 =	vimm.f32 $0.0e+00;
	s16 =	sadd.s32 $0x8000, s7;
	s17 =	sadd.s32 $0xC000, s7;
	s18 =	sadd.s32 $0x10000, s7  }
.LBB2_7:
0x11: {  	s0 =	sshrl.u32 s0, $0x3  }
0x12: {  	[sflag:s20] =	ssyncadd.s32 @p1 $0xFFFFC000;
	s25 =	sshll.u32 s30, $0x7;
	s0 =	sadd.s32 s5, s0  }
0x13: {  	[tilespmem:s22], [sflag:$0x2] =	stream.linear.gather [hbm4b:s0+s2], $0x80, $0x38;
	[tilespmem:$0x18280] =	vst v63  }
0x14: {  	s31 =	sadd.s32 s11, s25;
	_ =	swait.ge [sflag:s20], $0x80  }
0x15: {  	s0 =	sshrl.u32 s31, $0x3;
	[sflag:s20] =	ssyncset.done $0x0  }
0x16: {  	s0 =	sadd.s32 s4, s0;
	[sflag:s20] =	ssyncadd.s32 $0xFFFFFF80  }
0x17: {  	[tilespmem:s19], [sflag:$0x2] =	stream.linear.gather [hbm4b:s0+s2], $0x4000, $0x38;
	[tilespmem:$0x18280] =	vst v63  }
0x18: {  	_ =	swait.ge [sflag:s20], $0x4000  }
0x19: {  	[sflag:s20] =	ssyncset.done $0x0  }
0x1a: {  	[sflag:s20] =	ssyncadd.s32 $0xFFFFC000  }
0x1b: {  	[spmem:s1] =	stream.indirect.scatter.add.f32 [tilespmem:s19], [sflag:$0x2], $0x80, s22, s23, $0xb8;
	[tilespmem:$0x18280] =	vst v63  }
0x1c: {  	_ =	swait.ge [sflag:s20], $0x4000  }
0x1d: {  	[sflag:s20] =	ssyncset.done $0x0  }
0x1e: {  	[sflag:s20] =	ssyncadd.s32 $0xFFFFC000  }
.LBB2_8:
0x1f: {  	[bflag:$0x0] =	sbarrier.arrive $0xFFFF;
	s0 =	simm.s32 @!p0 $0x0;
	s25 =	simm.s32 @!p0 $0x18100  }
0x20: {  	[tilespmem:s25], [sflag:$0x2] =	stream.linear.gather @!p0 [hbm4b:s6+s0], $0x180, $0x38;
	[tilespmem:$0x18280] =	vst v63  }
0x21: {  	s25 =	simm.s32 @!p0 $0x2  }
0x22: {  	_ =	swait.ge @!p0 [sflag:s25], $0x180  }
0x23: {  	[sflag:s25] =	ssyncset.done @!p0 $0x0  }
0x24: {  	s26 =	simm.s32 @!p0 $0x80;
	s28 =	simm.s32 @!p0 $0x14080;
	[sflag:s25] =	ssyncadd.s32 @!p0 $0xFFFFFE80  }
0x25: {  	[tilespmem:s28], [sflag:$0x1] =	stream.indirect.gather @!p0 [spmem:s1], $0x80, s12, s26, $0xb8;
	[tilespmem:$0x18280] =	vst v63  }
0x26: {  	s26 =	simm.s32 @!p0 $0x1  }
0x27: {  	s24 =	sadd.s32 $0x1, s24;
	_ =	swait.ge @!p0 [sflag:s26], $0x4000  }
0x28: {  	p1 =	sne.s32 s24, s14;
	[sflag:s26] =	ssyncset.done @!p0 $0x0  }
.Ltmp1:
0x29: {  	[sflag:s26] =	ssyncadd.s32 @!p0 $0xFFFFC000;
	(pc) =	sbr.rel @!p1 .LBB2_9-.Ltmp1, $4  }
0x2a: {  	[hbm4b:s13+s0] =	stream.linear.scatter @!p0 [tilespmem:s28], [sflag:$0x2], $0x4000, $0x38;
	[tilespmem:$0x18280] =	vst v63  }
0x2b: {  	_ =	swait.ge @!p0 [sflag:s25], $0x4000  }
0x2c: {  	[sflag:s25] =	ssyncset.done @!p0 $0x0  }
0x2d: {  	[sflag:s25] =	ssyncadd.s32 @!p0 $0xFFFFC000  }
.LBB2_1:
0x2e: {  	s0 =	sand.u32 $0xFE00, s2  }
0x2f: {  	s26 =	sand.u32 $0x70, s2;
	s0 =	sshrl.u32 s0, $0x2  }
0x30: {  	s25 =	simm.s32 $0x40;
	s26 =	sor.u32 s26, s0;
	s0 =	simm.s32 $0x0  }
.LBB2_2:
0x31: {  	p1 =	sne.s32 s25, $0xFFC0  }
0x32: {  	[tilespmem:s26+$0x14080] =	vst v0;
	s0 =	sadd.s32 $0x10, s0;
	s26 =	smov.u32 s25;
	s25 =	sadd.s32 $0x40, s25  }
.Ltmp2:
0x33: {  	(pc) =	sbr.rel @p1 .LBB2_2-.Ltmp2, $4  }
0x34: {  	_ = 	snop  }
0x35: {  	s26 =	sand.u32 $0xFE00, s26  }
0x36: {  	s28 =	sand.u32 $0x70, s0;
	s26 =	sshrl.u32 s26, $0x2  }
0x37: {  	s26 =	sor.u32 s28, s26  }
0x38: {  	[tilespmem:s26+$0x14080] =	vst v0  }
0x39: {  	[spmem:s7] =	stream.linear.scatter [tilespmem:s19], [sflag:$0x2], $0x4000, $0x38;
	[tilespmem:$0x18280] =	vst v63  }
0x3a: {  	_ =	swait.ge [sflag:s20], $0x4000  }
0x3b: {  	[sflag:s20] =	ssyncset.done $0x0  }
0x3c: {  	[sflag:s20] =	ssyncadd.s32 $0xFFFFC000  }
0x3d: {  	[spmem:s15] =	stream.linear.scatter [tilespmem:s19], [sflag:$0x2], $0x4000, $0x38;
	[tilespmem:$0x18280] =	vst v63  }
0x3e: {  	_ =	swait.ge [sflag:s20], $0x4000  }
0x3f: {  	[sflag:s20] =	ssyncset.done $0x0  }
0x40: {  	[sflag:s20] =	ssyncadd.s32 $0xFFFFC000  }
0x41: {  	[spmem:s16] =	stream.linear.scatter [tilespmem:s19], [sflag:$0x2], $0x4000, $0x38;
	[tilespmem:$0x18280] =	vst v63  }
0x42: {  	_ =	swait.ge [sflag:s20], $0x4000  }
0x43: {  	[sflag:s20] =	ssyncset.done $0x0  }
0x44: {  	[sflag:s20] =	ssyncadd.s32 $0xFFFFC000  }
0x45: {  	[spmem:s17] =	stream.linear.scatter [tilespmem:s19], [sflag:$0x2], $0x4000, $0x38;
	[tilespmem:$0x18280] =	vst v63  }
0x46: {  	_ =	swait.ge [sflag:s20], $0x4000  }
0x47: {  	[sflag:s20] =	ssyncset.done $0x0  }
0x48: {  	[sflag:s20] =	ssyncadd.s32 $0xFFFFC000  }
0x49: {  	[spmem:s18] =	stream.linear.scatter [tilespmem:s19], [sflag:$0x2], $0x4000, $0x38;
	[tilespmem:$0x18280] =	vst v63  }
0x4a: {  	_ =	swait.ge [sflag:s20], $0x4000  }
0x4b: {  	[sflag:s20] =	ssyncset.done $0x0  }
0x4c: {  	[sflag:s20] =	ssyncadd.s32 $0xFFFFC000  }
0x4d: {  	[bflag:$0x0] =	sbarrier.arrive $0xFFFF  }
0x4e: {  	[tilespmem:s21], [sflag:$0x2] =	stream.linear.gather [hbm4b:s8+s2], $0x10, $0x38;
	[tilespmem:$0x18280] =	vst v63  }
0x4f: {  	_ =	swait.ge [sflag:s20], $0x10  }
0x50: {  	[sflag:s20] =	ssyncset.done $0x0  }
0x51: {  	[sflag:s20] =	ssyncadd.s32 $0xFFFFFFF0  }
0x52: {  	v1 =	vld [tilespmem:$0x18080];
	_ =	sdelay $0x4  }
0x53: {  	v1 =	vadd.s32 $0x7F, v1  }
0x54: {  	(v2sf) =	vpush v1, $0x0;
	_ =	sdelay $0x1  }
0x55: {  	(v2sf) =	vpush v1, $0x1;
	_ =	sdelay $0xc  }
0x56: {  	s0 =	spop (v2sf)  }
0x57: {  	s25 =	sshra.s32 s0, $0x1F;
	s30 =	sand.u32 $0x7F, s0;
	p1 =	slt.s32 s0, $0x1  }
0x58: {  	s31 =	spop (v2sf);
	s25 =	sshrl.u32 s25, $0x19;
	p2 =	sne.s32 s30, $0x0  }
0x59: {  	s29 =	sshra.s32 s31, $0x1F;
	s28 =	sand.u32 $0x7F, s31;
	p4 =	slt.s32 s31, $0x1  }
0x5a: {  	s25 =	sadd.s32 s25, s0;
	p1 =	por !p1, !p2;
	p3 =	sne.s32 s28, $0x0  }
0x5b: {  	s28 =	simm.s32 $0x1;
	s26 =	sshra.s32 s25, $0x7;
	s25 =	sshrl.u32 s29, $0x19  }
0x5c: {  	p1 =	por !p1, !p1;
	p2 =	por !p4, !p3;
	s0 =	sadd.s32 s25, s31  }
0x5d: {  	s29 =	simm.s32 $0x1;
	p2 =	por !p2, !p2;
	s0 =	sshra.s32 s0, $0x7  }
0x5e: {  	s28 =	simm.s32 @!p1 $0x0;
	s29 =	simm.s32 @!p2 $0x0;
	s0 =	ssub.s32 s0, s3  }
0x5f: {  	s25 =	ssub.s32 s26, s28;
	s0 =	ssub.s32 s0, s29  }
0x60: {  	s0 =	sadd.s32 s25, s0  }
0x61: {  	s28 =	sadd.s32 $0xF, s0  }
0x62: {  	s30 =	sand.u32 $0xF, s28  }
0x63: {  	p5 =	slt.s32 s0, $0xFFFFFFF2;
	s31 =	sshra.s32 s28, $0x1F;
	p6 =	sne.s32 s30, $0x0  }
0x64: {  	s0 =	sshrl.u32 s31, $0x1C;
	p2 =	por !p5, !p6  }
0x65: {  	s0 =	sadd.s32 s0, s28;
	s28 =	simm.s32 $0x1;
	p2 =	por !p2, !p2  }
0x66: {  	s0 =	sshra.s32 s0, $0x4;
	s28 =	simm.s32 @!p2 $0x0  }
0x67: {  	s0 =	ssub.s32 s0, s28  }
0x68: {  	p2 =	slt.s32 s0, $0x1  }
.Ltmp3:
0x69: {  	_ = 	snop;
	(pc) =	sbr.rel @p2 .LBB2_8-.Ltmp3, $1  }
0x6a: {  	_ =	sdelay $0x3  }
0x6b: {  	s28 =	simm.s32 $0xFFFFFFFF  }
0x6c: {  	s28 =	simm.s32 @!p1 $0x0  }
0x6d: {  	s26 =	sshll.u32 s26, $0x7;
	p2 =	sne.s32 s0, $0x1;
	s28 =	sshll.u32 s28, $0x7  }
.Ltmp4:
0x6e: {  	s26 =	sadd.s32 s28, s26;
	(pc) =	sbr.rel @!p2 .LBB2_7-.Ltmp4, $4  }
0x6f: {  	s26 =	ssub.s32 $0x14000, s26  }
0x70: {  	p1 =	slt.s32 s3, s25;
	s30 =	sadd.s32 s10, s26  }
0x71: {  	s30 =	smov.u32 @p1 s10  }
0x72: {  	s31 =	sadd.s32 $0xFFFFFFFF, s0;
	p1 =	por $0x0, $0x0;
	s0 =	sadd.s32 s9, s30  }
0x73: {  	s0 =	sshrl.u32 s0, $0x3  }
0x74: {  	s28 =	sshll.u32 s30, $0x7;
	s0 =	sadd.s32 s5, s0  }
0x75: {  	[tilespmem:s22], [sflag:$0x2] =	stream.linear.gather [hbm4b:s0+s2], $0x80, $0x38;
	[tilespmem:$0x18280] =	vst v63  }
0x76: {  	s0 =	sadd.s32 s11, s28;
	_ =	swait.ge [sflag:s20], $0x80  }
0x77: {  	s0 =	sshrl.u32 s0, $0x3;
	[sflag:s20] =	ssyncset.done $0x0  }
0x78: {  	s0 =	sadd.s32 s4, s0;
	[sflag:s20] =	ssyncadd.s32 $0xFFFFFF80  }
0x79: {  	[tilespmem:s19], [sflag:$0x2] =	stream.linear.gather [hbm4b:s0+s2], $0x4000, $0x38;
	[tilespmem:$0x18280] =	vst v63  }
0x7a: {  	p2 =	sne.s32 s31, $0x1;
	s29 =	sadd.s32 $0x800, s10;
	_ =	swait.ge [sflag:s20], $0x4000  }
.Ltmp5:
0x7b: {  	s28 =	sadd.s32 $0x10, s3;
	[sflag:s20] =	ssyncset.done $0x0;
	(pc) =	sbr.rel @!p2 .LBB2_7-.Ltmp5, $4  }
0x7c: {  	s30 =	sadd.s32 s29, s26;
	p1 =	slt.s32 s28, s25;
	[sflag:s20] =	ssyncadd.s32 $0xFFFFC000  }
0x7d: {  	[spmem:s1] =	stream.indirect.scatter.add.f32 [tilespmem:s19], [sflag:$0x2], $0x80, s22, s23, $0xb8;
	[tilespmem:$0x18280] =	vst v63  }
0x7e: {  	s31 =	sadd.s32 $0xFFFFFFFF, s31;
	s30 =	smov.u32 @p1 s29;
	_ =	swait.ge [sflag:s20], $0x4000  }
0x7f: {  	p1 =	por $0x1, $0x1;
	s0 =	sadd.s32 s9, s30;
	[sflag:s20] =	ssyncset.done $0x0  }
.LBB2_6:
0x80: {  	p2 =	sne.s32 s31, $0x1;
	s0 =	sshrl.u32 s0, $0x3;
	[sflag:s20] =	ssyncadd.s32 $0xFFFFC000  }
0x81: {  	s31 =	sadd.s32 $0xFFFFFFFF, s31;
	s30 =	sshll.u32 s30, $0x7;
	s0 =	sadd.s32 s5, s0  }
0x82: {  	[tilespmem:s22], [sflag:$0x2] =	stream.linear.gather [hbm4b:s0+s2], $0x80, $0x38;
	[tilespmem:$0x18280] =	vst v63  }
0x83: {  	s0 =	sadd.s32 s11, s30;
	_ =	swait.ge [sflag:s20], $0x80  }
0x84: {  	s0 =	sshrl.u32 s0, $0x3;
	[sflag:s20] =	ssyncset.done $0x0  }
0x85: {  	s0 =	sadd.s32 s4, s0;
	[sflag:s20] =	ssyncadd.s32 $0xFFFFFF80  }
0x86: {  	[tilespmem:s19], [sflag:$0x2] =	stream.linear.gather [hbm4b:s0+s2], $0x4000, $0x38;
	[tilespmem:$0x18280] =	vst v63  }
0x87: {  	s28 =	sadd.s32 $0x10, s28;
	_ =	swait.ge [sflag:s20], $0x4000  }
.Ltmp6:
0x88: {  	s29 =	sadd.s32 $0x800, s29;
	[sflag:s20] =	ssyncset.done $0x0;
	(pc) =	sbr.rel @p2 .LBB2_6-.Ltmp6, $4  }
0x89: {  	p3 =	slt.s32 s28, s25;
	s30 =	sadd.s32 s29, s26;
	[sflag:s20] =	ssyncadd.s32 $0xFFFFC000  }
0x8a: {  	[spmem:s1] =	stream.indirect.scatter.add.f32 [tilespmem:s19], [sflag:$0x2], $0x80, s22, s23, $0xb8;
	[tilespmem:$0x18280] =	vst v63  }
0x8b: {  	s30 =	smov.u32 @p3 s29;
	_ =	swait.ge [sflag:s20], $0x4000  }
0x8c: {  	s0 =	sadd.s32 s9, s30;
	[sflag:s20] =	ssyncset.done $0x0  }
.Ltmp7:
0x8d: {  	_ = 	snop;
	(pc) =	sbr.rel .LBB2_7-.Ltmp7, $1  }
0x8e: {  	_ =	sdelay $0x3  }
.LBB2_9:
0x8f: {  	_ =	sfence.sel $0x180000  }
0x90: {  	[bflag:$0x0] =	sbarrier.arrive $0xFFFF  }
0x91: {  	_ =	strace $0x9000004D  }
0x92: {  	[bflag:$0x2] =	sbarrier.arrive $0xFFFF  }
0x93: {  	p0 =	sne.s32 s3, $0x0;
	s0 =	rddreg [dreg:$0x3]  }
0x94: {  	s0 =	sadd.s32 @!p0 $0x100000, s0  }
0x95: {  	[sflag:s0] =	ssyncadd.tile.s32 @!p0 $0x1;
	_ =	shalt  }
.Lfunc_end2:
_tile_overlayer_lowered:
.L_overlay_start_2:
0x96: {  	(tag) =	ssettag $0x2  }
0x97: {  	s0 =	rddreg [dreg:$0x0];
	s2 =	stileid.u32  }
0x98: {  	s1 =	rddreg [dreg:$0x1];
	p0 =	sne.s32 s2, $0x0  }
0x99: {  	s3 =	rddreg [dreg:$0x2];
	[bflag:$0x3] =	sbarrier.arrive $0xFFFF;
	s2 =	simm.s32 @!p0 $0x1C02  }
0x9a: {  	[timem:s3], [sflag:s2] =	dma.local @!p0 [hbm:s0], s1  }
0x9b: {  	s0 =	simm.s32 @!p0 $0x2  }
0x9c: {  	_ =	swait.ge @!p0 [sflag:s0], s1  }
0x9d: {  	s1 =	ssub.s32 @!p0 $0x0, s1;
	[sflag:s0] =	ssyncset.done @!p0 $0x0  }
0x9e: {  	[sflag:s0] =	ssyncadd.s32 @!p0 s1  }
0x9f: {  	[bflag:$0x3] =	sbarrier.arrive $0xFFFF  }
0xa0: {  	_ =	shalt  }

// kernel: kernel.7.cloned.1.call-start
scs
__scs_entry_jumppad:
0x0: {  	(pc) =	sbr.rel $0x88, $3  }
0x1: {  	(tag) =	ssettag $0x0;
	lr =	simm.s32 $0x1  }
0x2: {  	[smem:$0x3F95] =	sst lr;
	_ =	strace $0xD0000000  }
0x3: {  	_ = 	snop  }
0x4: {  	_ = 	snop  }
0x5: {  	_ = 	snop  }
0x6: {  	_ = 	snop  }
0x7: {  	_ = 	snop  }
__scs_overlays_trampoline_lowered:
0x8: {  	[smem:$0x3FA4] =	sst s0  }
0x9: {  	[smem:$0x3FA5] =	sst s1  }
0xa: {  	[smem:$0x3FA6] =	sst s2  }
0xb: {  	[smem:$0x3FA7] =	sst s3  }
0xc: {  	[smem:$0x3FA8] =	sst s4  }
0xd: {  	[smem:$0x3FA9] =	sst s5  }
0xe: {  	[smem:$0x3FAA] =	sst s6  }
0xf: {  	[smem:$0x3FAB] =	sst s7  }
0x10: {  	[smem:$0x3FAC] =	sst s8  }
0x11: {  	[smem:$0x3FAD] =	sst s9;
	s0 =	simm.s32 @!p0 $0x0  }
0x12: {  	s1 =	sld [smem:$0x3F93];
	s0 =	simm.s32 @p0 $0x1  }
0x13: {  	[smem:$0x3FAE] =	sst s0;
	s0 =	simm.s32 @!p1 $0x0  }
0x14: {  	s2 =	sld [smem:$0x3F92];
	s0 =	simm.s32 @p1 $0x1  }
0x15: {  	[smem:$0x3FAF] =	sst s0;
	s0 =	simm.s32 @!p2 $0x0  }
0x16: {  	s3 =	sld [smem:$0x3FDB];
	s0 =	simm.s32 @p2 $0x1  }
0x17: {  	s4 =	simm.s32 $0x1BF5;
	[smem:$0x3FB1] =	sst s0  }
0x18: {  	s0 =	sld [smem:$0x3F94];
	_ =	swait.ge [sflag:s4], $0x0  }
0x19: {  	s7 =	sld [smem:$0x3F95]  }
0x1a: {  	s8 =	sadd.s32 $0xFFFFE003, lr  }
0x1b: {  	s9 =	sadd.s32 $0xFFFFFEF7, lr;
	s5 =	simm.s32 $0xFFFFFFFF;
	p2 =	slt.u32 s8, $0xFFFFF086  }
0x1c: {  	p1 =	slt.u32 s9, $0xF7A;
	s5 =	simm.s32 @!p2 $0x0  }
0x1d: {  	s5 =	simm.s32 @p1 $0x1;
	p0 =	seq.s32 s7, s2  }
0x1e: {  	s7 =	smul.u32 @!p0 $0xF7A, s2;
	p2 =	seq.s32 @!p0 s5, $0x0  }
0x1f: {  	s9 =	smul.u32 $0xF7A, s1;
	s8 =	simm.s32 @!p0 $0x1BF5;
	p2 =	por !p2, p0  }
0x20: {  	[sflag:s8] =	ssyncset.s32 @!p0 $0xFFFFF086;
	s6 =	sadd.s32 @!p0 s3, s7;
	s7 =	simm.s32 @!p0 $0x108  }
0x21: {  	s3 =	sadd.s32 s3, s9;
	s6 =	sadd.s32 @!p0 $0x88, s6;
	s7 =	simm.s32 @p2 $0x1082  }
0x22: {  	[simem:s7], [sflag:s8] =	dma.local @!p0 [hbm:s6], $0xF7A  }
0x23: {  	s9 =	sor.u32 $0xD0000000, s2;
	s6 =	simm.s32 $0x108;
	_ =	swait.ge @!p0 [sflag:s8], $0x0  }
0x24: {  	s3 =	sadd.s32 $0x88, s3;
	s6 =	simm.s32 @!p1 $0x1082;
	[sflag:s4] =	ssyncset.s32 $0xFFFFF086  }
0x25: {  	[simem:s6], [sflag:s4] =	dma.local [hbm:s3], $0xF7A  }
0x26: {  	[smem:$0x3F95] =	sst s1;
	(tag) =	ssettag s2;
	_ =	strace s9  }
0x27: {  	s1 =	sld [smem:$0x3FA5]  }
0x28: {  	s2 =	sld [smem:$0x3FA6]  }
0x29: {  	s4 =	sld [smem:$0x3FA8]  }
0x2a: {  	p0 =	seq.s32 s5, $0x0;
	s5 =	sld [smem:$0x3FA9]  }
0x2b: {  	s6 =	sld [smem:$0x3FAA]  }
0x2c: {  	s7 =	sld [smem:$0x3FAB]  }
0x2d: {  	s3 =	simm.s32 $0x108;
	s8 =	sld [smem:$0x3FAC]  }
0x2e: {  	s3 =	simm.s32 @!p0 $0x1082;
	s9 =	sld [smem:$0x3FAD]  }
0x2f: {  	lr =	sadd.s32 s0, s3;
	s0 =	sld [smem:$0x3FA4]  }
0x30: {  	s3 =	sld [smem:$0x3FA7]  }
0x31: {  	[smem:$0x3FB0] =	sst s10  }
0x32: {  	s10 =	sld [smem:$0x3FAE];
	_ =	sdelay $0x3  }
0x33: {  	p0 =	seq.s32 s10, $0x1;
	s10 =	sld [smem:$0x3FB0];
	_ =	sdelay $0x3  }
0x34: {  	[smem:$0x3FB0] =	sst s10  }
0x35: {  	s10 =	sld [smem:$0x3FAF];
	_ =	sdelay $0x3  }
0x36: {  	p1 =	seq.s32 s10, $0x1;
	s10 =	sld [smem:$0x3FB0];
	_ =	sdelay $0x3  }
0x37: {  	[smem:$0x3FB0] =	sst s10  }
0x38: {  	s10 =	sld [smem:$0x3FB1]  }
0x39: {  	_ = 	snop;
	(pc) =	sbr.ind lr, $3  }
0x3a: {  	_ = 	snop  }
0x3b: {  	_ = 	snop  }
0x3c: {  	p2 =	seq.s32 s10, $0x1;
	s10 =	sld [smem:$0x3FB0]  }
0x3d: {  	_ =	shalt  }
0x3e: {  	_ =	shalt  }
0x3f: {  	_ =	shalt  }
0x40: {  	_ =	shalt  }
0x41: {  	_ =	shalt  }
0x42: {  	_ =	shalt  }
0x43: {  	_ =	shalt  }
0x44: {  	_ =	shalt  }
0x45: {  	_ =	shalt  }
0x46: {  	_ =	shalt  }
0x47: {  	_ =	shalt  }
0x48: {  	_ =	shalt  }
0x49: {  	_ =	shalt  }
0x4a: {  	_ =	shalt  }
0x4b: {  	_ =	shalt  }
0x4c: {  	_ =	shalt  }
0x4d: {  	_ =	shalt  }
0x4e: {  	_ =	shalt  }
0x4f: {  	_ =	shalt  }
0x50: {  	_ =	shalt  }
0x51: {  	_ =	shalt  }
0x52: {  	_ =	shalt  }
0x53: {  	_ =	shalt  }
0x54: {  	_ =	shalt  }
0x55: {  	_ =	shalt  }
0x56: {  	_ =	shalt  }
0x57: {  	_ =	shalt  }
0x58: {  	_ =	shalt  }
0x59: {  	_ =	shalt  }
0x5a: {  	_ =	shalt  }
0x5b: {  	_ =	shalt  }
0x5c: {  	_ =	shalt  }
0x5d: {  	_ =	shalt  }
0x5e: {  	_ =	shalt  }
0x5f: {  	_ =	shalt  }
0x60: {  	_ =	shalt  }
0x61: {  	_ =	shalt  }
0x62: {  	_ =	shalt  }
0x63: {  	_ =	shalt  }
0x64: {  	_ =	shalt  }
0x65: {  	_ =	shalt  }
0x66: {  	_ =	shalt  }
0x67: {  	_ =	shalt  }
0x68: {  	_ =	shalt  }
0x69: {  	_ =	shalt  }
0x6a: {  	_ =	shalt  }
0x6b: {  	_ =	shalt  }
0x6c: {  	_ =	shalt  }
0x6d: {  	_ =	shalt  }
0x6e: {  	_ =	shalt  }
0x6f: {  	_ =	shalt  }
0x70: {  	_ =	shalt  }
0x71: {  	_ =	shalt  }
0x72: {  	_ =	shalt  }
0x73: {  	_ =	shalt  }
0x74: {  	_ =	shalt  }
0x75: {  	_ =	shalt  }
0x76: {  	_ =	shalt  }
0x77: {  	_ =	shalt  }
0x78: {  	_ =	shalt  }
0x79: {  	_ =	shalt  }
0x7a: {  	_ =	shalt  }
0x7b: {  	_ =	shalt  }
0x7c: {  	_ =	shalt  }
0x7d: {  	_ =	shalt  }
0x7e: {  	_ =	shalt  }
0x7f: {  	_ =	shalt  }
0x80: {  	_ =	shalt  }
0x81: {  	_ =	shalt  }
0x82: {  	_ =	shalt  }
0x83: {  	_ =	shalt  }
0x84: {  	_ =	shalt  }
0x85: {  	_ =	shalt  }
0x86: {  	_ =	shalt  }
0x87: {  	_ =	shalt  }
.Lfunc_end0:
.L_simem_size_0:
called_computation_lowered:
.L_overlay_start_0:
0x88: {  	s2 =	sld [smem:$0x3FD9]  }
0x89: {  	s3 =	sld [smem:$0x3FFE];
	_ =	sdelay $0x1  }
0x8a: {  	s1 =	srdreg.scid  }
0x8b: {  	s0 =	sand.u32 $0x1, s1  }
0x8c: {  	s17 =	sshll.u32 s0, $0xA;
	s2 =	sadd.s32 s3, s2  }
0x8d: {  	s2 =	sadd.s32 s2, s17  }
0x8e: {  	[smem:$0x3FBC] =	sst s2  }
0x8f: {  	_ = 	snop  }
0x90: {  	s2 =	sld [smem:$0x3FC9]  }
0x91: {  	s18 =	sld [smem:$0x3FD0];
	(tm) =	ssettm $0x1  }
0x92: {  	s4 =	sld [smem:$0x3FFB];
	_ =	sdelay $0x3  }
0x93: {  	_ =	strace s4  }
0x94: {  	s4 =	sld [smem:$0x3FFC];
	_ =	sdelay $0x3  }
0x95: {  	_ =	strace s4  }
0x96: {  	s4 =	sld [smem:$0x3FFD];
	_ =	sdelay $0x3  }
0x97: {  	_ =	strace s4  }
0x98: {  	_ =	strace $0x8FFFFFFF  }
0x99: {  	s19 =	sld [smem:$0x3FDB];
	_ =	sdelay $0x1  }
0x9a: {  	s5 =	simm.s32 $_scs_section_size  }
0x9b: {  	s6 =	simm.s32 $_size__tile_overlayer_lowered;
	s7 =	simm.s32 $_tile_overlayer_lowered  }
0x9c: {  	s22 =	simm.s32 $0x1BFF;
	s21 =	sshll.u32 s7, $0x1;
	s4 =	sadd.s32 s5, s19  }
0x9d: {  	s8 =	simm.s32 $0x0;
	s20 =	sshll.u32 s6, $0x1;
	s6 =	sadd.s32 s21, s4  }
0x9e: {  	[timem:s8], [sflag:s22] =	dma.local [hbm:s6], s20  }
0x9f: {  	_ =	swait.ge [sflag:s22], s20  }
0xa0: {  	s5 =	ssub.s32 $0x0, s20;
	[sflag:s22] =	ssyncset.done $0x0  }
0xa1: {  	[sflag:s22] =	ssyncadd.s32 s5;
	_ =	sdelay $0x1  }
0xa2: {  	s23 =	simm.s32 $0x1B8B  }
0xa3: {  	_ =	swait.ge [sflag:s23], $0x1  }
0xa4: {  	[sflag:s23] =	ssyncset.done $0x0  }
0xa5: {  	s25 =	simm.s32 $0x1B8E;
	s24 =	sld [smem:$0x3FFE];
	[sflag:s23] =	ssyncadd.s32 $0xFFFFFFFF  }
0xa6: {  	s26 =	simm.s32 $execute0_lowered;
	[smem:$0x3FD2] =	sst s25  }
0xa7: {  	s6 =	sshll.u32 s26, $0x1;
	_ =	strace $0x80000046;
	[dreg:$0x1] =	wrdreg $0xFFFFFFFF  }
0xa8: {  	s28 =	simm.s32 $_size_execute0_lowered;
	s4 =	sadd.s32 s4, s6;
	[dreg:$0x0] =	wrdreg $0x0  }
0xa9: {  	s6 =	sshll.u32 s28, $0x1;
	[dreg:$0x2] =	wrdreg s4  }
0xaa: {  	[dreg:$0x3] =	wrdreg s6  }
0xab: {  	[dreg:$0x4] =	wrdreg $0xC0  }
0xac: {  	_ =	task [dreg:s8], $0x5FFFF  }
0xad: {  	[dreg:$0x1] =	wrdreg $0xFFFFFFFF  }
0xae: {  	[dreg:$0x0] =	wrdreg $0x60  }
0xaf: {  	[dreg:$0x2] =	wrdreg s24  }
0xb0: {  	[dreg:$0x3] =	wrdreg s2  }
0xb1: {  	[dreg:$0x4] =	wrdreg s18  }
0xb2: {  	[dreg:$0x5] =	wrdreg $0x9  }
0xb3: {  	_ =	task.clear_ibuf [dreg:s8], $0x6FFFF;
	_ =	strace $0x90000046  }
0xb4: {  	s29 =	simm.s32 $0x9;
	_ =	strace $0x80000048  }
0xb5: {  	_ =	swait.ge [sflag:s29], $0x1  }
0xb6: {  	[sflag:s29] =	ssyncadd.s32 $0xFFFFFFFF  }
0xb7: {  	_ =	strace $0x90000048  }
0xb8: {  	_ =	sfence  }
0xb9: {  	s30 =	sld [smem:$0x0];
	_ =	sdelay $0x2  }
0xba: {  	s31 =	sshll.u32 s1, $0xD;
	s1 =	sshrl.u32 s1, $0x2  }
0xbb: {  	s3 =	sand.u32 $0x4000, s31;
	s1 =	sadd.s32 s1, s30  }
0xbc: {  	s0 =	sor.u32 s3, s0;
	s1 =	sshll.u32 s1, $0x11  }
0xbd: {  	s0 =	sor.u32 s1, s0  }
0xbe: {  	s0 =	sadd.s32 $0x8F2B, s0  }
0xbf: {  	[sflag:s0] =	ssyncadd.remote.s32 $0x1  }
0xc0: {  	_ =	sfence.sel $0xFFFF  }
0xc1: {  	[dreg:$0x0] =	wrdreg $0xFFFFFFFF;
	(pc) =	sbr.abs _section_cstart, $3  }
0xc2: {  	[dreg:$0x1] =	wrdreg $0xFFFFFFFF  }
0xc3: {  	_ =	task.clear_ibuf [dreg:s8], $0x2FFFF;
	_ =	strace $0x9FFFFFFF  }
0xc4: {  	(tm) =	ssettm $0x7FFFFFFF  }
0xc5: {  	_ =	shalt  }
tec
execute0_lowered:
.L_overlay_start_1:
0x0: {  	(tag) =	ssettag $0x1  }
0x1: {  	s4 =	rddreg [dreg:$0x0]  }
0x2: {  	s0 =	srdreg.scid;
	s1 =	rddreg [dreg:$0x1]  }
0x3: {  	s5 =	stileid.u32;
	s9 =	rddreg [dreg:$0x2]  }
0x4: {  	s3 =	simm.s32 $0x0;
	s28 =	simm.s32 $0x3;
	s29 =	simm.s32 $0x2780  }
0x5: {  	s30 =	simm.s32 $0xB280;
	s31 =	simm.s32 $0x80;
	s0 =	sand.u32 $0x1, s0  }
0x6: {  	[smem:$0x7FF] =	sst s3;
	s17 =	sadd.s32 $0x15E00, s4;
	s18 =	sadd.s32 $0x16000, s4  }
0x7: {  	s7 =	sadd.s32 $0x20600, s4;
	s8 =	sadd.s32 $0x16600, s4;
	s13 =	sadd.s32 $0x52A600, s4  }
0x8: {  	s24 =	sadd.s32 $0x52AE00, s4;
	_ =	strace $0x80000047;
	[dreg:$0x4] =	wrdreg s17  }
0x9: {  	p0 =	sne.s32 s5, $0x0;
	s2 =	sshll.u32 s0, $0x4;
	[dreg:$0x5] =	wrdreg s18  }
0xa: {  	vm0 =	vcmask $0xB08;
	s11 =	ssub.s32 $0x2, s0;
	[dreg:$0x6] =	wrdreg s13;
	s21 =	smul.u32 $0x28000, s0  }
0xb: {  	vm1 =	vcmask $0x300;
	v1 =	vimm.s32 $0x1;
	vm2 =	vcmask $0x704;
	s20 =	sshll.u32 s0, $0x1;
	s22 =	smul.u32 $0x1400000, s0;
	s0 =	sor.u32 s5, s0  }
0xc: {  	vm3 =	vcmask $0x2B28;
	vm0 =	vmor vm1, vm0;
	vm1 =	vcmask $0x1310;
	[dreg:$0xd] =	wrdreg s24;
	s17 =	sadd.s32 $0x52B600, s4;
	s24 =	simm.s32 $0x8A80  }
0xd: {  	v2 =	vimm.s32 $0x0;
	vm0 =	vmor vm0, vm1;
	vm1 =	vcmask $0x1B18;
	s2 =	sor.u32 s5, s2;
	s12 =	sshrl.u32 s11, $0x1;
	s9 =	sadd.s32 s9, s20  }
0xe: {  	v3 =	vlaneseq.u32;
	vm0 =	vmor vm0, vm1;
	vm1 =	vcmask $0x2320;
	s20 =	simm.s32 $0x4;
	p1 =	sne.s32 s0, $0x0;
	[dreg:$0xa] =	wrdreg s9  }
0xf: {  	v4 =	vimm.s32 $0x2710;
	s0 =	simm.s32 $0xDC80;
	s2 =	smul.u32 $0x2710, s2;
	vm0 =	vmor vm0, vm1;
	vm1 =	vcmask $0xF0C;
	[dreg:$0xb] =	wrdreg s22  }
0x10: {  	s11 =	ssub.s32 s11, s12;
	s25 =	sadd.s32 $0xA00000, s22;
	[dreg:$0x8] =	wrdreg s21;
	vm1 =	vmor vm2, vm1;
	vm2 =	vcmask $0x1714;
	vm0 =	vmor vm0, vm3  }
0x11: {  	s26 =	sadd.s32 $0x14000, s21;
	s22 =	simm.s32 $0x4F00;
	s21 =	simm.s32 $0x0;
	vm3 =	vcmask $0x3330;
	vm1 =	vmor vm1, vm2;
	vm2 =	vcmask $0x1F1C  }
.Ltmp0:
0x12: {  	[dreg:$0xe] =	wrdreg s25;
	s6 =	sshrl.u32 s2, $0x3;
	v0 =	vmov s2;
	vm1 =	vmor vm1, vm2;
	vm2 =	vcmask $0x2724;
	(pc) =	sbr.rel .LBB2_1-.Ltmp0, $4  }
0x13: {  	s23 =	smax.u32 s11, $0x1;
	[dreg:$0xf] =	wrdreg s26;
	vm0 =	vmor vm0, vm3;
	s10 =	sadd.s32 s6, s4;
	vm1 =	vmor vm1, vm2;
	vm2 =	vcmask $0x2F2C  }
0x14: {  	s25 =	simm.s32 $0x1;
	[dreg:$0xc] =	wrdreg s23;
	vm3 =	vcmask $0x3B38;
	s19 =	sadd.s32 $0xC000, s10;
	vm1 =	vmor vm1, vm2;
	vm2 =	vcmask $0x3734  }
0x15: {  	s26 =	simm.s32 $0x2;
	vm0 =	vmor vm0, vm3;
	s10 =	sadd.s32 $0x2200, s10;
	[dreg:$0x7] =	wrdreg s19;
	vm1 =	vmor vm1, vm2;
	vm2 =	vcmask $0x3F3C  }
0x16: {  	s23 =	simm.s32 $0x7680;
	s6 =	sadd.s32 $0x520600, s4;
	vm3 =	vcmask @!p0 $0x704;
	[dreg:$0x9] =	wrdreg s10;
	vm1 =	vmor vm1, vm2;
	vm2 =	vcmask @!p0 $0x300  }
.LBB2_20:
0x17: {  	s10 =	simm.s32 $0x9E80  }
.LBB2_24:
0x18: {  	s12 =	sadd.s32 s6, s14;
	[sflag:s20] =	ssyncadd.s32 @p2 $0xFFFFC000  }
0x19: {  	[hbm4b:s12+s3] =	stream.linear.scatter [tilespmem:s9], [sflag:$0x4], $0x80, $0x38;
	[tilespmem:$0x11C80] =	vst v63  }
0x1a: {  	_ =	swait.ge [sflag:s20], $0x80  }
0x1b: {  	[sflag:s20] =	ssyncset.done $0x0  }
0x1c: {  	s19 =	sadd.s32 s8, s14;
	[sflag:s20] =	ssyncadd.s32 $0xFFFFFF80  }
0x1d: {  	[hbm4b:s19+s3] =	stream.linear.scatter [tilespmem:s5], [sflag:$0x4], $0x80, $0x38;
	[tilespmem:$0x11C80] =	vst v63  }
0x1e: {  	_ =	swait.ge [sflag:s20], $0x80  }
0x1f: {  	s5 =	sadd.s32 @p2 $0x80, s10;
	[sflag:s20] =	ssyncset.done $0x0  }
0x20: {  	s11 =	smov.u32 @p2 s5;
	[sflag:s20] =	ssyncadd.s32 $0xFFFFFF80  }
0x21: {  	[tilespmem:s0], [sflag:$0x1] =	stream.indirect.gather [hbm4b:s1+s31], $0x80, s11, s31, $0xb8;
	[tilespmem:$0x11C80] =	vst v63  }
0x22: {  	_ =	swait.ge [sflag:s25], $0x4000  }
0x23: {  	s4 =	sshrl.u32 s4, $0x3;
	[sflag:s25] =	ssyncset.done $0x0  }
0x24: {  	s4 =	sadd.s32 s7, s4;
	[sflag:s25] =	ssyncadd.s32 $0xFFFFC000  }
0x25: {  	[hbm4b:s4+s3] =	stream.linear.scatter [tilespmem:s0], [sflag:$0x4], $0x4000, $0x38;
	[tilespmem:$0x11C80] =	vst v63  }
0x26: {  	_ =	swait.ge [sflag:s20], $0x4000  }
0x27: {  	[sflag:s20] =	ssyncset.done $0x0  }
0x28: {  	[sflag:s20] =	ssyncadd.s32 $0xFFFFC000  }
.LBB2_25:
0x29: {  	s4 =	simm.s32 @!p1 $0x80;
	s5 =	simm.s32 @!p1 $0xDA80;
	s9 =	simm.s32 @!p1 $0xDC80  }
0x2a: {  	[tilespmem:s9], [sflag:$0x1] =	stream.indirect.gather @!p1 [hbm4b:s1+s4], $0x80, s5, s4, $0xb8;
	[tilespmem:$0x11C80] =	vst v63  }
0x2b: {  	s5 =	simm.s32 @!p1 $0x1  }
0x2c: {  	_ =	swait.ge @!p1 [sflag:s5], $0x4000  }
0x2d: {  	[sflag:s5] =	ssyncset.done @!p1 $0x0  }
0x2e: {  	s10 =	simm.s32 @!p1 $0x0;
	s11 =	rddreg [dreg:$0x6];
	[sflag:s5] =	ssyncadd.s32 @!p1 $0xFFFFC000  }
0x2f: {  	[hbm4b:s11+s10] =	stream.linear.scatter @!p1 [tilespmem:s9], [sflag:$0x4], $0x4000, $0x38;
	[tilespmem:$0x11C80] =	vst v63  }
0x30: {  	s11 =	simm.s32 @!p1 $0x4  }
0x31: {  	_ =	swait.ge @!p1 [sflag:s11], $0x4000  }
0x32: {  	[sflag:s11] =	ssyncset.done @!p1 $0x0  }
0x33: {  	s12 =	simm.s32 @!p1 $0xDB00;
	[sflag:s11] =	ssyncadd.s32 @!p1 $0xFFFFC000  }
0x34: {  	[tilespmem:s9], [sflag:$0x1] =	stream.indirect.gather @!p1 [hbm4b:s1+s4], $0x80, s12, s4, $0xb8;
	[tilespmem:$0x11C80] =	vst v63  }
0x35: {  	_ =	swait.ge @!p1 [sflag:s5], $0x4000  }
0x36: {  	[sflag:s5] =	ssyncset.done @!p1 $0x0  }
0x37: {  	s12 =	rddreg [dreg:$0xd];
	[sflag:s5] =	ssyncadd.s32 @!p1 $0xFFFFC000  }
0x38: {  	[hbm4b:s12+s10] =	stream.linear.scatter @!p1 [tilespmem:s9], [sflag:$0x4], $0x4000, $0x38;
	[tilespmem:$0x11C80] =	vst v63  }
0x39: {  	_ =	swait.ge @!p1 [sflag:s11], $0x4000  }
0x3a: {  	[sflag:s11] =	ssyncset.done @!p1 $0x0  }
0x3b: {  	s12 =	simm.s32 @!p1 $0xDB80;
	[sflag:s11] =	ssyncadd.s32 @!p1 $0xFFFFC000  }
0x3c: {  	[tilespmem:s9], [sflag:$0x1] =	stream.indirect.gather @!p1 [hbm4b:s1+s4], $0x80, s12, s4, $0xb8;
	[tilespmem:$0x11C80] =	vst v63  }
0x3d: {  	_ =	swait.ge @!p1 [sflag:s5], $0x4000  }
0x3e: {  	[sflag:s5] =	ssyncset.done @!p1 $0x0  }
0x3f: {  	[sflag:s5] =	ssyncadd.s32 @!p1 $0xFFFFC000  }
0x40: {  	[hbm4b:s17+s10] =	stream.linear.scatter @!p1 [tilespmem:s9], [sflag:$0x4], $0x4000, $0x38;
	[tilespmem:$0x11C80] =	vst v63  }
0x41: {  	_ =	swait.ge @!p1 [sflag:s11], $0x4000  }
0x42: {  	s21 =	sadd.s32 $0x1, s21;
	s19 =	rddreg [dreg:$0xc]  }
0x43: {  	p2 =	sne.s32 s21, s19  }
.Ltmp1:
0x44: {  	_ = 	snop;
	(pc) =	sbr.rel @!p2 .LBB2_26-.Ltmp1, $3  }
0x45: {  	_ =	sdelay $0x1  }
0x46: {  	[sflag:s11] =	ssyncset.done @!p1 $0x0  }
0x47: {  	[sflag:s11] =	ssyncadd.s32 @!p1 $0xFFFFC000  }
.LBB2_1:
0x48: {  	s4 =	simm.s32 @!p0 $0x0  }
0x49: {  	[smem:$0x0] =	sst @!p0 s4  }
0x4a: {  	[smem:$0x1] =	sst @!p0 s4  }
0x4b: {  	[bflag:$0x0] =	sbarrier.arrive $0xFFFF  }
0x4c: {  	s14 =	rddreg [dreg:$0x5]  }
0x4d: {  	[tilespmem:s3], [sflag:$0x4] =	stream.linear.gather [hbm4b:s14+s3], $0x2780, $0x38;
	[tilespmem:$0x11C80] =	vst v63  }
0x4e: {  	_ =	swait.ge [sflag:s20], $0x2780  }
0x4f: {  	[sflag:s20] =	ssyncset.done $0x0  }
0x50: {  	s5 =	simm.s32 $0xDA80;
	s15 =	rddreg [dreg:$0x4];
	[sflag:s20] =	ssyncadd.s32 $0xFFFFD880  }
0x51: {  	[tilespmem:s5], [sflag:$0x4] =	stream.linear.gather [hbm4b:s15+s3], $0x180, $0x38;
	[tilespmem:$0x11C80] =	vst v63  }
0x52: {  	_ =	swait.ge [sflag:s20], $0x180  }
0x53: {  	[sflag:s20] =	ssyncset.done $0x0  }
0x54: {  	s16 =	rddreg [dreg:$0x7];
	[sflag:s20] =	ssyncadd.s32 $0xFFFFFE80  }
0x55: {  	[tilespmem:s29], [sflag:$0x4] =	stream.linear.gather [hbm4b:s16+s3], $0x2710, $0x38;
	[tilespmem:$0x11C80] =	vst v63  }
0x56: {  	_ =	swait.ge [sflag:s20], $0x2710  }
0x57: {  	[sflag:s20] =	ssyncset.done $0x0  }
0x58: {  	s18 =	rddreg [dreg:$0x9];
	[sflag:s20] =	ssyncadd.s32 $0xFFFFD8F0  }
0x59: {  	[tilespmem:s22], [sflag:$0x4] =	stream.linear.gather [hbm4b:s18+s3], $0x2710, $0x38;
	[tilespmem:$0x11C80] =	vst v63  }
0x5a: {  	_ =	swait.ge [sflag:s20], $0x2710  }
0x5b: {  	[sflag:s20] =	ssyncset.done $0x0  }
0x5c: {  	[sflag:s20] =	ssyncadd.s32 $0xFFFFD8F0  }
0x5d: {  	v5 =	vld [tilespmem:$0xDA80];
	_ =	sdelay $0x7  }
0x5e: {  	[tilespmem:v5+s3+$0x0] =	vst.idx.msk $0xffff, v1  }
0x5f: {  	v5 =	vld [tilespmem:$0xDA90];
	_ =	sdelay $0x7  }
0x60: {  	[tilespmem:v5+s3+$0x0] =	vst.idx.msk $0xffff, v1  }
0x61: {  	v5 =	vld [tilespmem:$0xDAA0];
	_ =	sdelay $0x7  }
0x62: {  	[tilespmem:v5+s3+$0x0] =	vst.idx.msk $0xffff, v1  }
0x63: {  	v5 =	vld [tilespmem:$0xDAB0];
	_ =	sdelay $0x7  }
0x64: {  	[tilespmem:v5+s3+$0x0] =	vst.idx.msk $0xffff, v1  }
0x65: {  	v5 =	vld [tilespmem:$0xDAC0];
	_ =	sdelay $0x7  }
0x66: {  	[tilespmem:v5+s3+$0x0] =	vst.idx.msk $0xffff, v1  }
0x67: {  	v5 =	vld [tilespmem:$0xDAD0];
	_ =	sdelay $0x7  }
0x68: {  	[tilespmem:v5+s3+$0x0] =	vst.idx.msk $0xffff, v1  }
0x69: {  	v5 =	vld [tilespmem:$0xDAE0];
	_ =	sdelay $0x7  }
0x6a: {  	[tilespmem:v5+s3+$0x0] =	vst.idx.msk $0xffff, v1  }
0x6b: {  	v5 =	vld [tilespmem:$0xDAF0];
	_ =	sdelay $0x7  }
0x6c: {  	[tilespmem:v5+s3+$0x0] =	vst.idx.msk $0xffff, v1  }
0x6d: {  	v5 =	vld [tilespmem:$0xDB00];
	_ =	sdelay $0x7  }
0x6e: {  	[tilespmem:v5+s3+$0x0] =	vst.idx.msk $0xffff, v1  }
0x6f: {  	v5 =	vld [tilespmem:$0xDB10];
	_ =	sdelay $0x7  }
0x70: {  	[tilespmem:v5+s3+$0x0] =	vst.idx.msk $0xffff, v1  }
0x71: {  	v5 =	vld [tilespmem:$0xDB20];
	_ =	sdelay $0x7  }
0x72: {  	[tilespmem:v5+s3+$0x0] =	vst.idx.msk $0xffff, v1  }
0x73: {  	v5 =	vld [tilespmem:$0xDB30];
	_ =	sdelay $0x7  }
0x74: {  	[tilespmem:v5+s3+$0x0] =	vst.idx.msk $0xffff, v1  }
0x75: {  	v5 =	vld [tilespmem:$0xDB40];
	_ =	sdelay $0x7  }
0x76: {  	[tilespmem:v5+s3+$0x0] =	vst.idx.msk $0xffff, v1  }
0x77: {  	v5 =	vld [tilespmem:$0xDB50];
	_ =	sdelay $0x7  }
0x78: {  	[tilespmem:v5+s3+$0x0] =	vst.idx.msk $0xffff, v1  }
0x79: {  	v5 =	vld [tilespmem:$0xDB60];
	_ =	sdelay $0x7  }
0x7a: {  	[tilespmem:v5+s3+$0x0] =	vst.idx.msk $0xffff, v1  }
0x7b: {  	v5 =	vld [tilespmem:$0xDB70];
	_ =	sdelay $0x7  }
0x7c: {  	[tilespmem:v5+s3+$0x0] =	vst.idx.msk $0xffff, v1  }
0x7d: {  	v5 =	vld [tilespmem:$0xDB80];
	_ =	sdelay $0x7  }
0x7e: {  	[tilespmem:v5+s3+$0x0] =	vst.idx.msk $0xffff, v1  }
0x7f: {  	v5 =	vld [tilespmem:$0xDB90];
	_ =	sdelay $0x7  }
0x80: {  	[tilespmem:v5+s3+$0x0] =	vst.idx.msk $0xffff, v1  }
0x81: {  	v5 =	vld [tilespmem:$0xDBA0];
	_ =	sdelay $0x7  }
0x82: {  	[tilespmem:v5+s3+$0x0] =	vst.idx.msk $0xffff, v1  }
0x83: {  	v5 =	vld [tilespmem:$0xDBB0];
	_ =	sdelay $0x7  }
0x84: {  	[tilespmem:v5+s3+$0x0] =	vst.idx.msk $0xffff, v1  }
0x85: {  	v5 =	vld [tilespmem:$0xDBC0];
	_ =	sdelay $0x7  }
0x86: {  	[tilespmem:v5+s3+$0x0] =	vst.idx.msk $0xffff, v1  }
0x87: {  	v5 =	vld [tilespmem:$0xDBD0];
	_ =	sdelay $0x7  }
0x88: {  	[tilespmem:v5+s3+$0x0] =	vst.idx.msk $0xffff, v1  }
0x89: {  	v5 =	vld [tilespmem:$0xDBE0];
	_ =	sdelay $0x7  }
0x8a: {  	[tilespmem:v5+s3+$0x0] =	vst.idx.msk $0xffff, v1  }
0x8b: {  	v5 =	vld [tilespmem:$0xDBF0];
	_ =	sdelay $0x7  }
0x8c: {  	[tilespmem:v5+s3+$0x0] =	vst.idx.msk $0xffff, v1  }
0x8d: {  	v5 =	vld [tilespmem:s29+$0x0];
	_ =	sdelay $0x7  }
0x8e: {  	v5 =	vld.idx.msk [tilespmem:v5+s3+$0x0], $0xffff;
	_ =	sdelay $0x4  }
0x8f: {  	vm4 =	vgt.s32 v5, $0x0  }
0x90: {  	vm5 =	vmand vm4, vm0  }
0x91: {  	vm4 =	vmand vm4, vm1;
	v5 =	vsel vm5, $0x1, v2  }
0x92: {  	v6 =	vsel vm4, $0x1, v2;
	(xrf0) =	vadd.scan.msk.s32 $0xffff, v5  }
0x93: {  	(xrf0) =	vadd.scan.msk.s32 $0xffff, v6;
	_ =	sdelay $0x1  }
0x94: {  	v5 =	vmov s3  }
0x95: {  	v5 =	vadd.s32 $0xFFFFFFFF, v5  }
0x96: {  	v5 =	vbroadcast v5, $0x0  }
0x97: {  	v6, _, _ =	vpop (xrf0)  }
0x98: {  	v7 =	vadd.s32 v6, v5;
	v8, _, _ =	vpop (xrf0);
	(v2sf) =	vpush v6, $0xF  }
0x99: {  	v5 =	vadd.s32 v8, v5;
	(v2sf) =	vpush v8, $0xF;
	_ =	sdelay $0x1  }
0x9a: {  	s19 =	sadd.s32 $0x0, s2  }
0x9b: {  	v9 =	vor.u32 s19, v3  }
0x9c: {  	[tilespmem:v7+s23+$0x0] =	vst.idx.msk vm5, v9  }
0x9d: {  	s9 =	simm.s32 $0x2790;
	s11 =	simm.s32 $0x0;
	[tilespmem:v5+s24+$0x0] =	vst.idx.msk vm4, v9  }
0x9e: {  	s4 =	simm.s32 $0x10;
	s14 =	simm.s32 $0x20;
	s5 =	simm.s32 $0x0;
	v5 =	vld [tilespmem:s9+$0x0]  }
.LBB2_2:
0x9f: {  	p2 =	sne.s32 s14, $0x2700;
	_ =	sdelay $0x6  }
0xa0: {  	v5 =	vld.idx.msk [tilespmem:v5+s3+$0x0], $0xffff;
	s10 =	spop (v2sf)  }
0xa1: {  	s5 =	sadd.s32 s5, s10;
	s10 =	spop (v2sf)  }
0xa2: {  	v6 =	vmov s5;
	s11 =	sadd.s32 s11, s10  }
0xa3: {  	v6 =	vadd.s32 $0xFFFFFFFF, v6  }
0xa4: {  	v6 =	vbroadcast v6, $0x0;
	_ =	sdelay $0x1  }
0xa5: {  	vm4 =	vgt.s32 v5, $0x0  }
0xa6: {  	vm5 =	vmand vm4, vm0;
	vm4 =	vmand vm4, vm1  }
0xa7: {  	v5 =	vsel vm5, $0x1, v2  }
0xa8: {  	v7 =	vsel vm4, $0x1, v2;
	(xrf0) =	vadd.scan.msk.s32 $0xffff, v5  }
0xa9: {  	(xrf0) =	vadd.scan.msk.s32 $0xffff, v7;
	_ =	sdelay $0x2  }
0xaa: {  	v5 =	vmov s11  }
0xab: {  	v5 =	vadd.s32 $0xFFFFFFFF, v5  }
0xac: {  	v5 =	vbroadcast v5, $0x0;
	v7, _, _ =	vpop (xrf0)  }
0xad: {  	v6 =	vadd.s32 v7, v6;
	v8, _, _ =	vpop (xrf0);
	(v2sf) =	vpush v7, $0xF  }
0xae: {  	v5 =	vadd.s32 v8, v5;
	(v2sf) =	vpush v8, $0xF;
	_ =	sdelay $0x1  }
.Ltmp2:
0xaf: {  	s10 =	sadd.s32 s2, s4;
	s4 =	smov.u32 s14;
	(pc) =	sbr.rel @p2 .LBB2_2-.Ltmp2, $4  }
0xb0: {  	v7 =	vor.u32 s10, v3  }
0xb1: {  	[tilespmem:v6+s23+$0x0] =	vst.idx.msk vm5, v7  }
0xb2: {  	s9 =	sadd.s32 $0x10, s9;
	[tilespmem:v5+s24+$0x0] =	vst.idx.msk vm4, v7  }
0xb3: {  	s14 =	sadd.s32 $0x10, s14;
	v5 =	vld [tilespmem:s9+$0x0]  }
0xb4: {  	_ =	sdelay $0x7  }
0xb5: {  	v5 =	vld.idx.msk [tilespmem:v5+s3+$0x0], $0xffff;
	_ =	sdelay $0x4  }
0xb6: {  	vm5 =	vgt.s32 v5, $0x0  }
0xb7: {  	vm4 =	vmand vm5, vm0  }
0xb8: {  	v5 =	vsel vm4, $0x1, v2  }
0xb9: {  	(xrf0) =	vadd.scan.msk.s32 $0xffff, v5  }
0xba: {  	vm5 =	vmand vm5, vm1  }
0xbb: {  	v5 =	vsel vm5, $0x1, v2  }
0xbc: {  	(xrf0) =	vadd.scan.msk.s32 $0xffff, v5;
	_ =	sdelay $0x2  }
0xbd: {  	v5, _, _ =	vpop (xrf0)  }
0xbe: {  	(v2sf) =	vpush v5, $0xF;
	_ =	sdelay $0x1  }
0xbf: {  	v6, _, _ =	vpop (xrf0)  }
0xc0: {  	(v2sf) =	vpush v6, $0xF;
	_ =	sdelay $0x7  }
0xc1: {  	s9 =	spop (v2sf)  }
0xc2: {  	s10 =	spop (v2sf);
	s5 =	sadd.s32 s5, s9  }
0xc3: {  	v7 =	vmov s5;
	s15 =	sadd.s32 s11, s10  }
0xc4: {  	v7 =	vadd.s32 $0xFFFFFFFF, v7;
	v8 =	vmov s15  }
0xc5: {  	v7 =	vbroadcast v7, $0x0;
	v8 =	vadd.s32 $0xFFFFFFFF, v8;
	s16 =	spop (v2sf)  }
0xc6: {  	v8 =	vbroadcast v8, $0x0;
	s5 =	sadd.s32 s5, s16  }
0xc7: {  	v5 =	vadd.s32 v5, v7;
	s10 =	sadd.s32 $0x7F, s5  }
0xc8: {  	s4 =	sadd.s32 s2, s4;
	v6 =	vadd.s32 v6, v8;
	s19 =	spop (v2sf);
	s18 =	sand.u32 $0x7F, s10  }
0xc9: {  	s12 =	sshra.s32 s10, $0x1F;
	p2 =	slt.s32 s10, $0x1;
	p3 =	sne.s32 s18, $0x0  }
0xca: {  	s11 =	sadd.s32 s15, s19;
	s12 =	sshrl.u32 s12, $0x19;
	p2 =	por !p2, !p3  }
0xcb: {  	v7 =	vor.u32 s4, v3;
	s10 =	sadd.s32 s12, s10;
	s12 =	simm.s32 $0x1;
	p2 =	por !p2, !p2  }
0xcc: {  	[tilespmem:v5+s23+$0x0] =	vst.idx.msk vm4, v7;
	s9 =	sadd.s32 $0x7F, s11;
	s10 =	sshrl.u32 s10, $0x7;
	s12 =	simm.s32 @!p2 $0x0  }
0xcd: {  	[tilespmem:v6+s24+$0x0] =	vst.idx.msk vm5, v7;
	[sflag:s26] =	ssyncset.done $0x0;
	s15 =	sand.u32 $0x7F, s9;
	s4 =	ssub.s32 s10, s12  }
0xce: {  	p5 =	slt.s32 s9, $0x1;
	p6 =	sne.s32 s15, $0x0;
	s14 =	sshll.u32 s4, $0x7  }
0xcf: {  	s13 =	sshra.s32 s9, $0x1F;
	p2 =	por !p5, !p6;
	[smem:s3], [sflag:$0x2] =	smem.add.s32 s14  }
0xd0: {  	p2 =	por !p2, !p2;
	s4 =	sshrl.u32 s13, $0x19;
	_ =	swait.done [sflag:s26]  }
0xd1: {  	s10 =	simm.s32 $0x1;
	s9 =	sadd.s32 s4, s9;
	s4 =	ssyncread [sflag:$0x2]  }
0xd2: {  	s10 =	simm.s32 @!p2 $0x0;
	s9 =	sshrl.u32 s9, $0x7;
	[sflag:s26] =	ssyncset.s32 $0x0  }
0xd3: {  	s9 =	ssub.s32 s9, s10;
	[sflag:s26] =	ssyncset.done $0x0  }
0xd4: {  	s19 =	sshll.u32 s9, $0x7;
	[sflag:s28] =	ssyncset.done $0x0  }
0xd5: {  	[smem:s25], [sflag:$0x3] =	smem.add.s32 s19  }
0xd6: {  	_ =	swait.done [sflag:s28]  }
0xd7: {  	s18 =	ssyncread [sflag:$0x3]  }
0xd8: {  	[sflag:s28] =	ssyncset.s32 $0x0  }
0xd9: {  	[sflag:s28] =	ssyncset.done $0x0  }
0xda: {  	[bflag:$0x0] =	sbarrier.arrive $0xFFFF  }
0xdb: {  	s9 =	sld @!p0 [smem:$0x0];
	_ =	sdelay $0x1  }
0xdc: {  	s10 =	sld @!p0 [smem:$0x1]  }
0xdd: {  	v5 =	vmov @!p0 s9  }
0xde: {  	v5 =	vnsel @!p0 vm2, $0x0, v5  }
0xdf: {  	s16 =	sadd.s32 $0x10, s5;
	v5 =	vsel @!p0 vm3, s10, v5  }
0xe0: {  	s12 =	rddreg [dreg:$0xa];
	s9 =	simm.s32 @!p0 $0x0;
	s10 =	simm.s32 @!p0 $0xDC00;
	[tilespmem:$0xDC00] =	vst @!p0 v5  }
0xe1: {  	v5 =	vadd.s32 s5, v3;
	[hbm4b:s12+s9] =	stream.linear.scatter @!p0 [tilespmem:s10], [sflag:$0x4], $0x10, $0x38;
	[tilespmem:$0x11C80] =	vst v63  }
0xe2: {  	v6 =	vadd.s32 s16, v3;
	vm4 =	vlt.s32 v5, s14;
	s10 =	sadd.s32 $0x20, s5  }
0xe3: {  	vm5 =	vlt.s32 v6, s14;
	s12 =	sadd.s32 $0x30, s5;
	v7 =	vadd.s32 s10, v3  }
0xe4: {  	s13 =	sadd.s32 $0x40, s5;
	s10 =	simm.s32 @!p0 $0x4;
	v8 =	vadd.s32 s12, v3;
	vm6 =	vlt.s32 v7, s14  }
0xe5: {  	s15 =	sadd.s32 $0x50, s5;
	v9 =	vadd.s32 s13, v3;
	_ =	swait.ge @!p0 [sflag:s10], $0x10;
	vm7 =	vlt.s32 v8, s14  }
0xe6: {  	s16 =	sadd.s32 $0x60, s5;
	v10 =	vadd.s32 s15, v3;
	vm8 =	vlt.s32 v9, s14;
	[sflag:s10] =	ssyncset.done @!p0 $0x0  }
0xe7: {  	v11 =	vadd.s32 s16, v3;
	vm9 =	vlt.s32 v10, s14;
	s9 =	simm.s32 $0x7680;
	s5 =	sadd.s32 $0x70, s5;
	[sflag:s10] =	ssyncadd.s32 @!p0 $0xFFFFFFF0  }
0xe8: {  	v12 =	vadd.s32 s5, v3;
	[tilespmem:v5+s9+$0x0] =	vst.idx.msk vm4, v0;
	vm4 =	vlt.s32 v11, s14  }
0xe9: {  	s13 =	sshra.s32 s14, $0x4;
	[tilespmem:v6+s9+$0x0] =	vst.idx.msk vm5, v0;
	vm5 =	vlt.s32 v12, s14  }
0xea: {  	p2 =	sgt.s32 s13, $0x0;
	[tilespmem:v7+s9+$0x0] =	vst.idx.msk vm6, v0  }
.Ltmp3:
0xeb: {  	[tilespmem:v8+s9+$0x0] =	vst.idx.msk vm7, v0;
	(pc) =	sbr.rel @!p2 .LBB2_7-.Ltmp3, $4  }
0xec: {  	[tilespmem:v9+s9+$0x0] =	vst.idx.msk vm8, v0  }
0xed: {  	[tilespmem:v10+s9+$0x0] =	vst.idx.msk vm9, v0  }
0xee: {  	[tilespmem:v11+s9+$0x0] =	vst.idx.msk vm4, v0  }
0xef: {  	[tilespmem:v12+s9+$0x0] =	vst.idx.msk vm5, v0  }
0xf0: {  	v13 =	vld [tilespmem:s9+$0x0];
	_ =	sdelay $0x4  }
0xf1: {  	v14 =	vsub.s32 v13, v0;
	_ =	sdelay $0x4  }
0xf2: {  	v15 =	vld.idx.msk [tilespmem:v14+s22+$0x0], $0xffff;
	_ =	sdelay $0x3  }
0xf3: {  	s5 =	simm.s32 $0x9E80  }
0xf4: {  	[tilespmem:s5+$0x0] =	vst v15  }
0xf5: {  	p2 =	seq.s32 s13, $0x1;
	v14 =	vld.idx.msk [tilespmem:v14+s29+$0x0], $0xffff  }
.Ltmp4:
0xf6: {  	_ = 	snop;
	(pc) =	sbr.rel @p2 .LBB2_6-.Ltmp4, $3  }
0xf7: {  	_ =	sdelay $0x1  }
0xf8: {  	s10 =	simm.s32 $0xB280  }
0xf9: {  	s12 =	simm.s32 $0xC680;
	s13 =	sadd.s32 $0xFFFFFFFF, s13;
	s15 =	simm.s32 $0xC690;
	v13 =	vshra.s32 v13, $0x1;
	[tilespmem:s10+$0x0] =	vst v14  }
.LBB2_5:
0xfa: {  	[tilespmem:s12+$0x0] =	vst v13;
	s9 =	sadd.s32 $0x10, s9;
	s5 =	sadd.s32 $0x10, s5;
	s10 =	sadd.s32 $0x10, s10  }
0xfb: {  	p2 =	seq.s32 s13, $0x1;
	s13 =	sadd.s32 $0xFFFFFFFF, s13;
	s12 =	smov.u32 s15;
	v13 =	vld [tilespmem:s9+$0x0]  }
0xfc: {  	_ =	sdelay $0x3  }
0xfd: {  	v14 =	vsub.s32 v13, v0;
	_ =	sdelay $0x4  }
0xfe: {  	v15 =	vld.idx.msk [tilespmem:v14+s22+$0x0], $0xffff;
	_ =	sdelay $0x5  }
0xff: {  	[tilespmem:s5+$0x0] =	vst v15  }
0x100: {  	v14 =	vld.idx.msk [tilespmem:v14+s29+$0x0], $0xffff;
	_ =	sdelay $0x1  }
.Ltmp5:
0x101: {  	(pc) =	sbr.rel @!p2 .LBB2_5-.Ltmp5, $2  }
0x102: {  	_ =	sdelay $0x2  }
0x103: {  	s15 =	sadd.s32 $0x10, s15;
	v13 =	vshra.s32 v13, $0x1;
	[tilespmem:s10+$0x0] =	vst v14  }
.LBB2_6:
0x104: {  	[tilespmem:s12+$0x0] =	vst v13  }
.LBB2_7:
0x105: {  	v13 =	vmov s14  }
0x106: {  	vm4 =	vlt.s32 v5, v13  }
0x107: {  	vm5 =	vlt.s32 v6, v13  }
0x108: {  	vm6 =	vlt.s32 v7, v13  }
0x109: {  	vm7 =	vlt.s32 v8, v13  }
0x10a: {  	vm8 =	vlt.s32 v9, v13  }
0x10b: {  	vm9 =	vlt.s32 v10, v13  }
0x10c: {  	vm10 =	vlt.s32 v11, v13;
	[tilespmem:v5+s30+$0x0] =	vst.idx.msk vm4, v4  }
0x10d: {  	s12 =	sshra.s32 s14, $0x7;
	vm4 =	vlt.s32 v12, v13;
	[tilespmem:v6+s30+$0x0] =	vst.idx.msk vm5, v4  }
0x10e: {  	p2 =	sgt.s32 s12, $0x0;
	[tilespmem:v7+s30+$0x0] =	vst.idx.msk vm6, v4  }
.Ltmp6:
0x10f: {  	[tilespmem:v8+s30+$0x0] =	vst.idx.msk vm7, v4;
	(pc) =	sbr.rel @!p2 .LBB2_14-.Ltmp6, $4  }
0x110: {  	[tilespmem:v9+s30+$0x0] =	vst.idx.msk vm8, v4  }
0x111: {  	[tilespmem:v10+s30+$0x0] =	vst.idx.msk vm9, v4  }
0x112: {  	[tilespmem:v11+s30+$0x0] =	vst.idx.msk vm10, v4  }
0x113: {  	[tilespmem:v12+s30+$0x0] =	vst.idx.msk vm4, v4  }
0x114: {  	p3 =	sne.s32 s12, $0x1  }
.Ltmp7:
0x115: {  	_ = 	snop;
	(pc) =	sbr.rel @!p3 .LBB2_9-.Ltmp7, $4  }
0x116: {  	s5 =	sshll.u32 s4, $0x7;
	s9 =	rddreg [dreg:$0xb]  }
0x117: {  	s16 =	rddreg [dreg:$0x8];
	s12 =	sadd.s32 $0xFFFFFFFF, s12;
	p2 =	por $0x0, $0x0  }
0x118: {  	s14 =	sadd.s32 s5, s9;
	s10 =	sadd.s32 s4, s16;
	s4 =	simm.s32 $0x9E80  }
0x119: {  	s5 =	simm.s32 $0xC680;
	s9 =	simm.s32 $0xB280;
	s15 =	sshrl.u32 s10, $0x3  }
0x11a: {  	s13 =	sadd.s32 s6, s15  }
0x11b: {  	[hbm4b:s13+s3] =	stream.linear.scatter [tilespmem:s9], [sflag:$0x4], $0x80, $0x38;
	[tilespmem:$0x11C80] =	vst v63  }
0x11c: {  	_ =	swait.ge [sflag:s20], $0x80  }
0x11d: {  	[sflag:s20] =	ssyncset.done $0x0  }
0x11e: {  	s15 =	sadd.s32 s8, s15;
	[sflag:s20] =	ssyncadd.s32 $0xFFFFFF80  }
0x11f: {  	[hbm4b:s15+s3] =	stream.linear.scatter [tilespmem:s5], [sflag:$0x4], $0x80, $0x38;
	[tilespmem:$0x11C80] =	vst v63  }
0x120: {  	_ =	swait.ge [sflag:s20], $0x80  }
0x121: {  	[sflag:s20] =	ssyncset.done $0x0  }
0x122: {  	p3 =	sne.s32 s12, $0x1;
	s16 =	sshrl.u32 s14, $0x3;
	[sflag:s20] =	ssyncadd.s32 $0xFFFFFF80  }
0x123: {  	[tilespmem:s0], [sflag:$0x1] =	stream.indirect.gather [hbm4b:s1+s31], $0x80, s4, s31, $0xb8;
	[tilespmem:$0x11C80] =	vst v63  }
0x124: {  	s12 =	sadd.s32 $0xFFFFFFFF, s12;
	s14 =	sadd.s32 $0x4000, s14;
	_ =	swait.ge [sflag:s25], $0x4000  }
.Ltmp8:
0x125: {  	p2 =	por $0x1, $0x1;
	[sflag:s25] =	ssyncset.done $0x0;
	(pc) =	sbr.rel @!p3 .LBB2_11-.Ltmp8, $4  }
0x126: {  	s13 =	sadd.s32 $0x80, s10;
	s5 =	sadd.s32 s7, s16;
	[sflag:s25] =	ssyncadd.s32 $0xFFFFC000  }
0x127: {  	[hbm4b:s5+s3] =	stream.linear.scatter [tilespmem:s0], [sflag:$0x4], $0x4000, $0x38;
	[tilespmem:$0x11C80] =	vst v63  }
0x128: {  	s9 =	simm.s32 $0xB300;
	s10 =	simm.s32 $0x9E80;
	_ =	swait.ge [sflag:s20], $0x4000  }
0x129: {  	s15 =	sshrl.u32 s13, $0x3;
	s5 =	simm.s32 $0xC700;
	[sflag:s20] =	ssyncset.done $0x0  }
.LBB2_12:
0x12a: {  	s16 =	sadd.s32 s6, s15;
	[sflag:s20] =	ssyncadd.s32 $0xFFFFC000;
	s10 =	sadd.s32 $0x80, s10  }
0x12b: {  	[hbm4b:s16+s3] =	stream.linear.scatter [tilespmem:s9], [sflag:$0x4], $0x80, $0x38;
	[tilespmem:$0x11C80] =	vst v63  }
0x12c: {  	p3 =	sne.s32 s12, $0x1;
	s12 =	sadd.s32 $0xFFFFFFFF, s12;
	_ =	swait.ge [sflag:s20], $0x80  }
0x12d: {  	[sflag:s20] =	ssyncset.done $0x0  }
0x12e: {  	s15 =	sadd.s32 s8, s15;
	[sflag:s20] =	ssyncadd.s32 $0xFFFFFF80  }
0x12f: {  	[hbm4b:s15+s3] =	stream.linear.scatter [tilespmem:s5], [sflag:$0x4], $0x80, $0x38;
	[tilespmem:$0x11C80] =	vst v63  }
0x130: {  	_ =	swait.ge [sflag:s20], $0x80  }
0x131: {  	[sflag:s20] =	ssyncset.done $0x0  }
0x132: {  	[sflag:s20] =	ssyncadd.s32 $0xFFFFFF80  }
0x133: {  	[tilespmem:s0], [sflag:$0x1] =	stream.indirect.gather [hbm4b:s1+s31], $0x80, s10, s31, $0xb8;
	[tilespmem:$0x11C80] =	vst v63  }
0x134: {  	_ =	swait.ge [sflag:s25], $0x4000  }
.Ltmp9:
0x135: {  	s15 =	sshrl.u32 s14, $0x3;
	[sflag:s25] =	ssyncset.done $0x0;
	(pc) =	sbr.rel @p3 .LBB2_12-.Ltmp9, $4  }
0x136: {  	s14 =	sadd.s32 $0x4000, s14;
	s15 =	sadd.s32 s7, s15;
	[sflag:s25] =	ssyncadd.s32 $0xFFFFC000  }
0x137: {  	[hbm4b:s15+s3] =	stream.linear.scatter [tilespmem:s0], [sflag:$0x4], $0x4000, $0x38;
	[tilespmem:$0x11C80] =	vst v63  }
0x138: {  	s13 =	sadd.s32 $0x80, s13;
	s9 =	sadd.s32 $0x80, s9;
	_ =	swait.ge [sflag:s20], $0x4000  }
0x139: {  	s5 =	sadd.s32 $0x80, s5;
	s15 =	sshrl.u32 s13, $0x3;
	[sflag:s20] =	ssyncset.done $0x0  }
.LBB2_13:
0x13a: {  	s12 =	sadd.s32 s6, s15;
	[sflag:s20] =	ssyncadd.s32 @p2 $0xFFFFC000  }
0x13b: {  	[hbm4b:s12+s3] =	stream.linear.scatter [tilespmem:s9], [sflag:$0x4], $0x80, $0x38;
	[tilespmem:$0x11C80] =	vst v63  }
0x13c: {  	_ =	swait.ge [sflag:s20], $0x80  }
0x13d: {  	[sflag:s20] =	ssyncset.done $0x0  }
0x13e: {  	s15 =	sadd.s32 s8, s15;
	[sflag:s20] =	ssyncadd.s32 $0xFFFFFF80  }
0x13f: {  	[hbm4b:s15+s3] =	stream.linear.scatter [tilespmem:s5], [sflag:$0x4], $0x80, $0x38;
	[tilespmem:$0x11C80] =	vst v63  }
0x140: {  	_ =	swait.ge [sflag:s20], $0x80  }
0x141: {  	s5 =	sadd.s32 @p2 $0x80, s10;
	[sflag:s20] =	ssyncset.done $0x0  }
0x142: {  	s4 =	smov.u32 @p2 s5;
	[sflag:s20] =	ssyncadd.s32 $0xFFFFFF80  }
0x143: {  	[tilespmem:s0], [sflag:$0x1] =	stream.indirect.gather [hbm4b:s1+s31], $0x80, s4, s31, $0xb8;
	[tilespmem:$0x11C80] =	vst v63  }
0x144: {  	_ =	swait.ge [sflag:s25], $0x4000  }
0x145: {  	s16 =	sshrl.u32 s14, $0x3;
	[sflag:s25] =	ssyncset.done $0x0  }
0x146: {  	s4 =	sadd.s32 s7, s16;
	[sflag:s25] =	ssyncadd.s32 $0xFFFFC000  }
0x147: {  	[hbm4b:s4+s3] =	stream.linear.scatter [tilespmem:s0], [sflag:$0x4], $0x4000, $0x38;
	[tilespmem:$0x11C80] =	vst v63  }
0x148: {  	_ =	swait.ge [sflag:s20], $0x4000  }
0x149: {  	[sflag:s20] =	ssyncset.done $0x0  }
0x14a: {  	[sflag:s20] =	ssyncadd.s32 $0xFFFFC000  }
.LBB2_14:
0x14b: {  	v5 =	vadd.s32 s11, v3;
	s4 =	sadd.s32 $0x10, s11  }
0x14c: {  	s12 =	sadd.s32 $0x20, s11;
	vm4 =	vlt.s32 v5, s19;
	v6 =	vadd.s32 s4, v3  }
0x14d: {  	s13 =	sadd.s32 $0x30, s11;
	v7 =	vadd.s32 s12, v3;
	vm5 =	vlt.s32 v6, s19  }
0x14e: {  	s14 =	sadd.s32 $0x40, s11;
	v8 =	vadd.s32 s13, v3;
	vm6 =	vlt.s32 v7, s19  }
0x14f: {  	s15 =	sadd.s32 $0x50, s11;
	v9 =	vadd.s32 s14, v3;
	vm7 =	vlt.s32 v8, s19  }
0x150: {  	s5 =	sadd.s32 $0x60, s11;
	v10 =	vadd.s32 s15, v3;
	vm8 =	vlt.s32 v9, s19  }
0x151: {  	s16 =	sadd.s32 $0x70, s11;
	s4 =	simm.s32 $0x8A80;
	v11 =	vadd.s32 s5, v3;
	vm9 =	vlt.s32 v10, s19  }
0x152: {  	v12 =	vadd.s32 s16, v3;
	[tilespmem:v5+s4+$0x0] =	vst.idx.msk vm4, v0;
	vm4 =	vlt.s32 v11, s19  }
0x153: {  	s11 =	sshra.s32 s19, $0x4;
	[tilespmem:v6+s4+$0x0] =	vst.idx.msk vm5, v0;
	vm5 =	vlt.s32 v12, s19  }
0x154: {  	p2 =	sgt.s32 s11, $0x0;
	[tilespmem:v7+s4+$0x0] =	vst.idx.msk vm6, v0  }
.Ltmp10:
0x155: {  	[tilespmem:v8+s4+$0x0] =	vst.idx.msk vm7, v0;
	(pc) =	sbr.rel @!p2 .LBB2_18-.Ltmp10, $4  }
0x156: {  	[tilespmem:v9+s4+$0x0] =	vst.idx.msk vm8, v0  }
0x157: {  	[tilespmem:v10+s4+$0x0] =	vst.idx.msk vm9, v0  }
0x158: {  	[tilespmem:v11+s4+$0x0] =	vst.idx.msk vm4, v0  }
0x159: {  	[tilespmem:v12+s4+$0x0] =	vst.idx.msk vm5, v0  }
0x15a: {  	v13 =	vld [tilespmem:s4+$0x0];
	_ =	sdelay $0x4  }
0x15b: {  	v14 =	vsub.s32 v13, v0;
	_ =	sdelay $0x4  }
0x15c: {  	v15 =	vld.idx.msk [tilespmem:v14+s22+$0x0], $0xffff;
	_ =	sdelay $0x3  }
0x15d: {  	s5 =	simm.s32 $0x9E80  }
0x15e: {  	[tilespmem:s5+$0x0] =	vst v15  }
0x15f: {  	p2 =	seq.s32 s11, $0x1;
	v14 =	vld.idx.msk [tilespmem:v14+s29+$0x0], $0xffff  }
.Ltmp11:
0x160: {  	_ = 	snop;
	(pc) =	sbr.rel @p2 .LBB2_17-.Ltmp11, $3  }
0x161: {  	_ =	sdelay $0x1  }
0x162: {  	s9 =	simm.s32 $0xB280  }
0x163: {  	s10 =	simm.s32 $0xC680;
	s11 =	sadd.s32 $0xFFFFFFFF, s11;
	s12 =	simm.s32 $0xC690;
	v13 =	vshra.s32 v13, $0x1;
	[tilespmem:s9+$0x0] =	vst v14  }
.LBB2_16:
0x164: {  	[tilespmem:s10+$0x0] =	vst v13;
	s4 =	sadd.s32 $0x10, s4;
	s5 =	sadd.s32 $0x10, s5;
	s9 =	sadd.s32 $0x10, s9  }
0x165: {  	p2 =	seq.s32 s11, $0x1;
	s11 =	sadd.s32 $0xFFFFFFFF, s11;
	s10 =	smov.u32 s12;
	v13 =	vld [tilespmem:s4+$0x0]  }
0x166: {  	_ =	sdelay $0x3  }
0x167: {  	v14 =	vsub.s32 v13, v0;
	_ =	sdelay $0x4  }
0x168: {  	v15 =	vld.idx.msk [tilespmem:v14+s22+$0x0], $0xffff;
	_ =	sdelay $0x5  }
0x169: {  	[tilespmem:s5+$0x0] =	vst v15  }
0x16a: {  	v14 =	vld.idx.msk [tilespmem:v14+s29+$0x0], $0xffff;
	_ =	sdelay $0x1  }
.Ltmp12:
0x16b: {  	(pc) =	sbr.rel @!p2 .LBB2_16-.Ltmp12, $2  }
0x16c: {  	_ =	sdelay $0x2  }
0x16d: {  	s12 =	sadd.s32 $0x10, s12;
	v13 =	vshra.s32 v13, $0x1;
	[tilespmem:s9+$0x0] =	vst v14  }
.LBB2_17:
0x16e: {  	[tilespmem:s10+$0x0] =	vst v13  }
.LBB2_18:
0x16f: {  	v13 =	vmov s19  }
0x170: {  	vm4 =	vlt.s32 v5, v13  }
0x171: {  	vm5 =	vlt.s32 v6, v13  }
0x172: {  	vm6 =	vlt.s32 v7, v13  }
0x173: {  	vm7 =	vlt.s32 v8, v13  }
0x174: {  	vm8 =	vlt.s32 v9, v13  }
0x175: {  	vm9 =	vlt.s32 v10, v13  }
0x176: {  	vm10 =	vlt.s32 v11, v13;
	[tilespmem:v5+s30+$0x0] =	vst.idx.msk vm4, v4  }
0x177: {  	s12 =	sshra.s32 s19, $0x7;
	vm4 =	vlt.s32 v12, v13;
	[tilespmem:v6+s30+$0x0] =	vst.idx.msk vm5, v4  }
0x178: {  	p2 =	sgt.s32 s12, $0x0;
	[tilespmem:v7+s30+$0x0] =	vst.idx.msk vm6, v4  }
.Ltmp13:
0x179: {  	[tilespmem:v8+s30+$0x0] =	vst.idx.msk vm7, v4;
	(pc) =	sbr.rel @!p2 .LBB2_25-.Ltmp13, $4  }
0x17a: {  	[tilespmem:v9+s30+$0x0] =	vst.idx.msk vm8, v4  }
0x17b: {  	[tilespmem:v10+s30+$0x0] =	vst.idx.msk vm9, v4  }
0x17c: {  	[tilespmem:v11+s30+$0x0] =	vst.idx.msk vm10, v4  }
0x17d: {  	[tilespmem:v12+s30+$0x0] =	vst.idx.msk vm4, v4  }
0x17e: {  	p3 =	sne.s32 s12, $0x1  }
.Ltmp14:
0x17f: {  	_ = 	snop;
	(pc) =	sbr.rel @!p3 .LBB2_20-.Ltmp14, $4  }
0x180: {  	s4 =	sshll.u32 s18, $0x7;
	s5 =	rddreg [dreg:$0xe]  }
0x181: {  	s19 =	rddreg [dreg:$0xf];
	s11 =	simm.s32 $0x9E80;
	s9 =	simm.s32 $0xB280  }
0x182: {  	s12 =	sadd.s32 $0xFFFFFFFF, s12;
	p2 =	por $0x0, $0x0;
	s10 =	sadd.s32 s18, s19  }
0x183: {  	s4 =	sadd.s32 s4, s5;
	s5 =	simm.s32 $0xC680;
	s14 =	sshrl.u32 s10, $0x3  }
0x184: {  	s13 =	sadd.s32 s6, s14  }
0x185: {  	[hbm4b:s13+s3] =	stream.linear.scatter [tilespmem:s9], [sflag:$0x4], $0x80, $0x38;
	[tilespmem:$0x11C80] =	vst v63  }
0x186: {  	_ =	swait.ge [sflag:s20], $0x80  }
0x187: {  	[sflag:s20] =	ssyncset.done $0x0  }
0x188: {  	s18 =	sadd.s32 s8, s14;
	[sflag:s20] =	ssyncadd.s32 $0xFFFFFF80  }
0x189: {  	[hbm4b:s18+s3] =	stream.linear.scatter [tilespmem:s5], [sflag:$0x4], $0x80, $0x38;
	[tilespmem:$0x11C80] =	vst v63  }
0x18a: {  	_ =	swait.ge [sflag:s20], $0x80  }
0x18b: {  	[sflag:s20] =	ssyncset.done $0x0  }
0x18c: {  	p3 =	sne.s32 s12, $0x1;
	s19 =	sshrl.u32 s4, $0x3;
	[sflag:s20] =	ssyncadd.s32 $0xFFFFFF80  }
0x18d: {  	[tilespmem:s0], [sflag:$0x1] =	stream.indirect.gather [hbm4b:s1+s31], $0x80, s11, s31, $0xb8;
	[tilespmem:$0x11C80] =	vst v63  }
0x18e: {  	s12 =	sadd.s32 $0xFFFFFFFF, s12;
	s4 =	sadd.s32 $0x4000, s4;
	_ =	swait.ge [sflag:s25], $0x4000  }
.Ltmp15:
0x18f: {  	p2 =	por $0x1, $0x1;
	[sflag:s25] =	ssyncset.done $0x0;
	(pc) =	sbr.rel @!p3 .LBB2_22-.Ltmp15, $4  }
0x190: {  	s13 =	sadd.s32 $0x80, s10;
	s5 =	sadd.s32 s7, s19;
	[sflag:s25] =	ssyncadd.s32 $0xFFFFC000  }
0x191: {  	[hbm4b:s5+s3] =	stream.linear.scatter [tilespmem:s0], [sflag:$0x4], $0x4000, $0x38;
	[tilespmem:$0x11C80] =	vst v63  }
0x192: {  	s9 =	simm.s32 $0xB300;
	s10 =	simm.s32 $0x9E80;
	_ =	swait.ge [sflag:s20], $0x4000  }
0x193: {  	s14 =	sshrl.u32 s13, $0x3;
	s5 =	simm.s32 $0xC700;
	[sflag:s20] =	ssyncset.done $0x0  }
.LBB2_23:
0x194: {  	s15 =	sadd.s32 s6, s14;
	[sflag:s20] =	ssyncadd.s32 $0xFFFFC000;
	s10 =	sadd.s32 $0x80, s10  }
0x195: {  	[hbm4b:s15+s3] =	stream.linear.scatter [tilespmem:s9], [sflag:$0x4], $0x80, $0x38;
	[tilespmem:$0x11C80] =	vst v63  }
0x196: {  	p3 =	sne.s32 s12, $0x1;
	s12 =	sadd.s32 $0xFFFFFFFF, s12;
	_ =	swait.ge [sflag:s20], $0x80  }
0x197: {  	[sflag:s20] =	ssyncset.done $0x0  }
0x198: {  	s14 =	sadd.s32 s8, s14;
	[sflag:s20] =	ssyncadd.s32 $0xFFFFFF80  }
0x199: {  	[hbm4b:s14+s3] =	stream.linear.scatter [tilespmem:s5], [sflag:$0x4], $0x80, $0x38;
	[tilespmem:$0x11C80] =	vst v63  }
0x19a: {  	_ =	swait.ge [sflag:s20], $0x80  }
0x19b: {  	[sflag:s20] =	ssyncset.done $0x0  }
0x19c: {  	[sflag:s20] =	ssyncadd.s32 $0xFFFFFF80  }
0x19d: {  	[tilespmem:s0], [sflag:$0x1] =	stream.indirect.gather [hbm4b:s1+s31], $0x80, s10, s31, $0xb8;
	[tilespmem:$0x11C80] =	vst v63  }
0x19e: {  	_ =	swait.ge [sflag:s25], $0x4000  }
.Ltmp16:
0x19f: {  	s14 =	sshrl.u32 s4, $0x3;
	[sflag:s25] =	ssyncset.done $0x0;
	(pc) =	sbr.rel @p3 .LBB2_23-.Ltmp16, $4  }
0x1a0: {  	s4 =	sadd.s32 $0x4000, s4;
	s14 =	sadd.s32 s7, s14;
	[sflag:s25] =	ssyncadd.s32 $0xFFFFC000  }
0x1a1: {  	[hbm4b:s14+s3] =	stream.linear.scatter [tilespmem:s0], [sflag:$0x4], $0x4000, $0x38;
	[tilespmem:$0x11C80] =	vst v63  }
0x1a2: {  	s13 =	sadd.s32 $0x80, s13;
	s9 =	sadd.s32 $0x80, s9;
	_ =	swait.ge [sflag:s20], $0x4000  }
0x1a3: {  	s5 =	sadd.s32 $0x80, s5;
	s14 =	sshrl.u32 s13, $0x3;
	[sflag:s20] =	ssyncset.done $0x0  }
.Ltmp17:
0x1a4: {  	_ = 	snop;
	(pc) =	sbr.rel .LBB2_24-.Ltmp17, $1  }
0x1a5: {  	_ =	sdelay $0x3  }
.LBB2_9:
.Ltmp18:
0x1a6: {  	(pc) =	sbr.rel .LBB2_13-.Ltmp18, $2  }
0x1a7: {  	_ =	sdelay $0x2  }
0x1a8: {  	s10 =	simm.s32 $0x9E80  }
.LBB2_11:
.Ltmp19:
0x1a9: {  	(pc) =	sbr.rel .LBB2_13-.Ltmp19, $2  }
0x1aa: {  	_ =	sdelay $0x2  }
0x1ab: {  	s10 =	simm.s32 $0x9E80  }
.LBB2_22:
.Ltmp20:
0x1ac: {  	(pc) =	sbr.rel .LBB2_24-.Ltmp20, $2  }
0x1ad: {  	_ =	sdelay $0x2  }
0x1ae: {  	s10 =	simm.s32 $0x9E80  }
.LBB2_26:
0x1af: {  	_ =	sfence.sel $0x180000  }
0x1b0: {  	[bflag:$0x0] =	sbarrier.arrive $0xFFFF  }
0x1b1: {  	_ =	strace $0x90000047  }
0x1b2: {  	[bflag:$0x2] =	sbarrier.arrive $0xFFFF  }
0x1b3: {  	s0 =	rddreg [dreg:$0x3]  }
0x1b4: {  	s0 =	sadd.s32 @!p0 $0x100000, s0  }
0x1b5: {  	[sflag:s0] =	ssyncadd.tile.s32 @!p0 $0x1;
	_ =	shalt  }
.Lfunc_end2:
_tile_overlayer_lowered:
.L_overlay_start_2:
0x1b6: {  	(tag) =	ssettag $0x2  }
0x1b7: {  	s0 =	rddreg [dreg:$0x0];
	s2 =	stileid.u32  }
0x1b8: {  	s1 =	rddreg [dreg:$0x1];
	p0 =	sne.s32 s2, $0x0  }
0x1b9: {  	s3 =	rddreg [dreg:$0x2];
	[bflag:$0x3] =	sbarrier.arrive $0xFFFF;
	s2 =	simm.s32 @!p0 $0x1C02  }
0x1ba: {  	[timem:s3], [sflag:s2] =	dma.local @!p0 [hbm:s0], s1  }
0x1bb: {  	s0 =	simm.s32 @!p0 $0x2  }
0x1bc: {  	_ =	swait.ge @!p0 [sflag:s0], s1  }
0x1bd: {  	s1 =	ssub.s32 @!p0 $0x0, s1;
	[sflag:s0] =	ssyncset.done @!p0 $0x0  }
0x1be: {  	[sflag:s0] =	ssyncadd.s32 @!p0 s1  }
0x1bf: {  	[bflag:$0x3] =	sbarrier.arrive $0xFFFF  }
0x1c0: {  	_ =	shalt  }

</sc_bundles>
